<compile_context>
chip_gen: v7x
topology: tpu7x:2x2x1
jax: 0.10.2.dev20260603
libtpu: 0.0.44.dev20260713+nightly
codegen_flags: <defaults>
</compile_context>

<pallas_src>
import functools

import jax
import jax.numpy as jnp
from jax import lax
from jax.experimental import pallas as pl
from jax.experimental.pallas import tpu as pltpu
from jax.experimental.pallas import tpu_sc as plsc

B, S, D = 4, 4096, 768
V_ROWS = 100
V_PAD = 128
LANES = 16
NC, NS = 2, 16
NW = NC * NS
SEQ_PER_W = S // NW
R = 32
NCHUNK = D // LANES


def _combined_body(lt_ref, var_ref, time_ref, out_ref):
    for b in range(B):
        row = time_ref[pl.ds(lt_ref[b], 1), :]
        out_ref[pl.ds(b * V_PAD, V_ROWS), :] = var_ref[...] + row


def _make_combined(lt_i32, var_table, time_table):
    grid_spec = pltpu.PrefetchScalarGridSpec(
        num_scalar_prefetch=1,
        grid=(1,),
        in_specs=[
            pl.BlockSpec((V_ROWS, D), lambda i, lt: (0, 0)),
            pl.BlockSpec((72, D), lambda i, lt: (0, 0)),
        ],
        out_specs=pl.BlockSpec((B * V_PAD, D), lambda i, lt: (0, 0)),
    )
    return pl.pallas_call(
        _combined_body,
        grid_spec=grid_spec,
        out_shape=jax.ShapeDtypeStruct((B * V_PAD, D), jnp.float32),
    )(lt_i32, var_table, time_table)


def _sc_body(x_hbm, idx_hbm, pos_hbm, comb_hbm, out_hbm,
             idx0, idx1, acc0, acc1, gat0, gat1, pos_v,
             sem_g0, sem_g1, sem_x0, sem_x1, sem_s0, sem_s1, sem_p):
    wid = lax.axis_index("s") * NC + lax.axis_index("c")
    w0 = wid * SEQ_PER_W

    n_blk = (SEQ_PER_W // R) * B

    idx_b = (idx0, idx1)
    acc_b = (acc0, acc1)
    gat_b = (gat0, gat1)
    sem_g = (sem_g0, sem_g1)
    sem_x = (sem_x0, sem_x1)
    sem_s = (sem_s0, sem_s1)

    def s0_of(t):
        return pl.multiple_of(w0 + (t // B) * R, R)

    def load_idx(t, k):
        b = t % B
        ref = idx_b[k]
        pltpu.sync_copy(idx_hbm.at[b, pl.ds(s0_of(t), R)], ref)
        for jj in range(R // LANES):
            sl = pl.ds(jj * LANES, LANES)
            ref[sl] = ref[sl] + b * V_PAD

    def issue_loads(t, k):
        load_idx(t, k)
        pltpu.async_copy(comb_hbm.at[idx_b[k]], gat_b[k], sem_g[k])
        pltpu.make_async_copy(x_hbm.at[0, pl.ds(0, R), :],
                              acc_b[k], sem_s[k]).wait()
        pltpu.async_copy(x_hbm.at[t % B, pl.ds(s0_of(t), R), :],
                         acc_b[k], sem_x[k])

    def drain(sem, buf):
        pltpu.make_async_copy(x_hbm.at[0, pl.ds(0, R), :], buf, sem).wait()

    def compute_and_store(t, k):
        drain(sem_g[k], gat_b[k])
        drain(sem_x[k], acc_b[k])
        acc, gat = acc_b[k], gat_b[k]

        def row(r, c2):
            for j in range(NCHUNK):
                sl = pl.ds(j * LANES, LANES)
                plsc.addupdate(acc.at[r, sl], gat[r, sl] + pos_v[r, sl])
            return c2

        lax.fori_loop(0, R, row, 0)
        pltpu.async_copy(acc, out_hbm.at[t % B, pl.ds(s0_of(t), R), :],
                         sem_s[k])

    pltpu.sync_copy(pos_hbm.at[pl.ds(s0_of(0), R), :], pos_v)
    load_idx(0, 0)
    pltpu.async_copy(comb_hbm.at[idx_b[0]], gat_b[0], sem_g[0])
    pltpu.async_copy(x_hbm.at[0, pl.ds(s0_of(0), R), :], acc_b[0], sem_x[0])

    def pair(g, carry):
        t0 = g * 2
        t1 = t0 + 1

        load_idx(t1, 1)
        pltpu.async_copy(comb_hbm.at[idx_b[1]], gat_b[1], sem_g[1])

        @pl.when(g >= 1)
        def _():
            drain(sem_s[1], acc_b[1])
        pltpu.async_copy(x_hbm.at[t1 % B, pl.ds(s0_of(t1), R), :],
                         acc_b[1], sem_x[1])

        @pl.when(jnp.logical_and(g > 0, g % 2 == 0))
        def _():
            drain(sem_p, pos_v)
        compute_and_store(t0, 0)

        @pl.when(g < (n_blk // 2 - 1))
        def _():
            issue_loads(t0 + 2, 0)
        drain(sem_g[1], gat_b[1])
        drain(sem_x[1], acc_b[1])
        acc, gat = acc_b[1], gat_b[1]

        def row(r, c2):
            for j in range(NCHUNK):
                sl = pl.ds(j * LANES, LANES)
                plsc.addupdate(acc.at[r, sl], gat[r, sl] + pos_v[r, sl])
            return c2

        lax.fori_loop(0, R, row, 0)
        pltpu.async_copy(acc, out_hbm.at[t1 % B, pl.ds(s0_of(t1), R), :],
                         sem_s[1])

        @pl.when(jnp.logical_and(g % 2 == 1, g < n_blk // 2 - 1))
        def _():
            pltpu.async_copy(pos_hbm.at[pl.ds(s0_of(t1 + 1), R), :],
                             pos_v, sem_p)
        return carry

    lax.fori_loop(0, n_blk // 2, pair, 0)

    drain(sem_s[0], acc_b[0])
    drain(sem_s[1], acc_b[1])


_sc_call = pl.kernel(
    _sc_body,
    out_type=jax.ShapeDtypeStruct((B, S, D), jnp.float32),
    mesh=plsc.VectorSubcoreMesh(core_axis_name="c", subcore_axis_name="s"),
    scratch_types=[
        pltpu.VMEM((R,), jnp.int32),
        pltpu.VMEM((R,), jnp.int32),
        pltpu.VMEM((R, D), jnp.float32),
        pltpu.VMEM((R, D), jnp.float32),
        pltpu.VMEM((R, D), jnp.float32),
        pltpu.VMEM((R, D), jnp.float32),
        pltpu.VMEM((R, D), jnp.float32),
        pltpu.SemaphoreType.DMA,
        pltpu.SemaphoreType.DMA,
        pltpu.SemaphoreType.DMA,
        pltpu.SemaphoreType.DMA,
        pltpu.SemaphoreType.DMA,
        pltpu.SemaphoreType.DMA,
        pltpu.SemaphoreType.DMA,
    ],
)


def kernel(x, variable, pos_emb, lead_time, var_table, time_table):
    variable = variable.astype(jnp.int32)
    lt = lead_time.reshape(-1).astype(jnp.int32)
    combined = _make_combined(lt, var_table, time_table)
    pos2d = pos_emb.reshape(S, D)
    return _sc_call(x, variable, pos2d, combined)

# --- scband reference (transcript-rebuilt; emitter-appended) ---
"""Pipeline reference for scband-embedding-60344290509291 (READ-ONLY COPY).

The authoritative reference and input builder live on the scoring server;
editing this copy changes nothing except your own understanding.
"""

import jax, jax.numpy as jnp
import numpy as np


def setup_inputs(seed: int = 0) -> dict:
    key = jax.random.key(seed)
    k_x, k_var, k_pos, k_lt, k_tab_v, k_tab_t = jax.random.split(key, 6)
    x = jax.random.normal(k_x, (4, 4096, 768), dtype=jnp.float32)
    variable = jax.random.randint(k_var, (4, 4096), 0, 100, dtype=jnp.int64)
    pos_emb = jax.random.normal(k_pos, (1, 4096, 768), dtype=jnp.float32)
    lead_time = jax.random.randint(k_lt, (4, 1), 0, 72, dtype=jnp.int64)
    # learned parameters (nn.Embedding weights): variable table [var_len, embed_size], lead-time table [max_lead_time, embed_size]
    var_table = jax.random.normal(k_tab_v, (100, 768), dtype=jnp.float32)
    time_table = jax.random.normal(k_tab_t, (72, 768), dtype=jnp.float32)
    return {"x": x, "variable": variable, "pos_emb": pos_emb, "lead_time": lead_time, "var_table": var_table, "time_table": time_table}


def reference(x, variable, pos_emb, lead_time, var_table, time_table):
    # var_emb = self.variable(variable) -> embedding gather
    var_emb = jnp.take(var_table, variable, axis=0)          # [4, 4096, 768]
    # time_emb = self.time(lead_time) -> embedding gather
    time_emb = jnp.take(time_table, lead_time, axis=0)       # [4, 1, 768], broadcasts over seq
    out = x + var_emb + time_emb + pos_emb
    # nn.Dropout in eval mode is identity; inference reference omits stochastic masking
    return out

if __name__ == "__main__":
    import jax
    _d = setup_inputs()
    print(jax.jit(kernel)(*tuple(_d.values())))

</pallas_src>

<mosaic_0001>
#map = affine_map<(d0, d1) -> (0, 0, 0)>
#map1 = affine_map<(d0, d1) -> (0, 0)>
module attributes {stable_mosaic.version = 14 : i64} {
  func.func @_sc_body(%arg0: i32, %arg1: i32, %arg2: memref<4x4096x768xf32, #tpu.memory_space<hbm>>, %arg3: memref<4x4096xi32, #tpu.memory_space<hbm>>, %arg4: memref<4096x768xf32, #tpu.memory_space<hbm>>, %arg5: memref<512x768xf32, #tpu.memory_space<hbm>>, %arg6: memref<4x4096x768xf32, #tpu.memory_space<hbm>>, %arg7: memref<32xi32, #tpu.memory_space<vmem>>, %arg8: memref<32xi32, #tpu.memory_space<vmem>>, %arg9: memref<32x768xf32, #tpu.memory_space<vmem>>, %arg10: memref<32x768xf32, #tpu.memory_space<vmem>>, %arg11: memref<32x768xf32, #tpu.memory_space<vmem>>, %arg12: memref<32x768xf32, #tpu.memory_space<vmem>>, %arg13: memref<32x768xf32, #tpu.memory_space<vmem>>, %arg14: memref<!tpu.dma_semaphore, #tpu.memory_space<semaphore_mem>>, %arg15: memref<!tpu.dma_semaphore, #tpu.memory_space<semaphore_mem>>, %arg16: memref<!tpu.dma_semaphore, #tpu.memory_space<semaphore_mem>>, %arg17: memref<!tpu.dma_semaphore, #tpu.memory_space<semaphore_mem>>, %arg18: memref<!tpu.dma_semaphore, #tpu.memory_space<semaphore_mem>>, %arg19: memref<!tpu.dma_semaphore, #tpu.memory_space<semaphore_mem>>, %arg20: memref<!tpu.dma_semaphore, #tpu.memory_space<semaphore_mem>>) attributes {dimension_semantics = [#tpu.dimension_semantics<core_parallel>, #tpu.dimension_semantics<subcore_parallel>], iteration_bounds = array<i64: 2, 16>, scalar_prefetch = 0 : i64, scratch_operands = 14 : i64, tpu.core_type = #tpu.core_type<sc_vector_subcore>, window_params = [{transform_indices = #map}, {transform_indices = #map1}, {transform_indices = #map1}, {transform_indices = #map1}, {transform_indices = #map}]} {
    %mul3A = arith.constant 2 : i32
    %mul3A_0 = arith.muli %arg1, %mul3A : i32
    %add3A = arith.addi %mul3A_0, %arg0 : i32
    %mul3A_1 = arith.constant 128 : i32
    %mul3A_2 = arith.muli %add3A, %mul3A_1 : i32
    %add3A_3 = arith.constant 0 : i32
    %add3A_4 = arith.addi %mul3A_2, %add3A_3 : i32
    %multiple_of3A = tpu.assume_multiple %add3A_4, 32 : i32
    "tpu.region"() ({
      %run_scoped3A_60 = tpu.sem_alloc : memref<!tpu.dma_semaphore, #tpu.memory_space<semaphore_mem>>
      %dma_start3A_61 = arith.constant 0 : i32
      %dma_start3A_62 = tpu.memref_slice %arg4[%multiple_of3A, %dma_start3A_61] : memref<4096x768xf32, #tpu.memory_space<hbm>> -> memref<32x768xf32, #tpu.memory_space<hbm>>
      %dma_start3A_63 = arith.constant 0 : i32
      %dma_start3A_64 = tpu.memref_slice %arg4[%multiple_of3A, %dma_start3A_63] : memref<4096x768xf32, #tpu.memory_space<hbm>> -> memref<32x768xf32, #tpu.memory_space<hbm>>
      tpu.enqueue_dma source(%dma_start3A_64 : memref<32x768xf32, #tpu.memory_space<hbm>>) target(%arg13 : memref<32x768xf32, #tpu.memory_space<vmem>>) target_semaphore(%run_scoped3A_60 : memref<!tpu.dma_semaphore, #tpu.memory_space<semaphore_mem>>)
      %dma_wait3A_65 = arith.constant 0 : i32
      %dma_wait3A_66 = tpu.memref_slice %arg4[%multiple_of3A, %dma_wait3A_65] : memref<4096x768xf32, #tpu.memory_space<hbm>> -> memref<32x768xf32, #tpu.memory_space<hbm>>
      %dma_wait3A_67 = arith.constant 0 : i32
      %dma_wait3A_68 = tpu.memref_slice %arg4[%multiple_of3A, %dma_wait3A_67] : memref<4096x768xf32, #tpu.memory_space<hbm>> -> memref<32x768xf32, #tpu.memory_space<hbm>>
      tpu.wait_dma2 semaphore(%run_scoped3A_60 : memref<!tpu.dma_semaphore, #tpu.memory_space<semaphore_mem>>) src(%dma_wait3A_68 : memref<32x768xf32, #tpu.memory_space<hbm>>) dst(%arg13 : memref<32x768xf32, #tpu.memory_space<vmem>>)
      tpu.yield
    }) : () -> ()
    %add3A_5 = arith.constant 0 : i32
    %add3A_6 = arith.addi %mul3A_2, %add3A_5 : i32
    %multiple_of3A_7 = tpu.assume_multiple %add3A_6, 32 : i32
    %run_scoped3A = arith.constant 0 : i32
    "tpu.region"() ({
      %run_scoped3A_60 = tpu.sem_alloc : memref<!tpu.dma_semaphore, #tpu.memory_space<semaphore_mem>>
      %dma_start3A_61 = tpu.memref_slice %arg3[%run_scoped3A, %multiple_of3A_7] : memref<4x4096xi32, #tpu.memory_space<hbm>> -> memref<1x32xi32, #tpu.memory_space<hbm>>
      %dma_start3A_62 = tpu.memref_squeeze %dma_start3A_61 : memref<1x32xi32, #tpu.memory_space<hbm>> -> memref<32xi32, #tpu.memory_space<hbm>>
      %dma_start3A_63 = tpu.memref_slice %arg3[%run_scoped3A, %multiple_of3A_7] : memref<4x4096xi32, #tpu.memory_space<hbm>> -> memref<1x32xi32, #tpu.memory_space<hbm>>
      %dma_start3A_64 = tpu.memref_squeeze %dma_start3A_63 : memref<1x32xi32, #tpu.memory_space<hbm>> -> memref<32xi32, #tpu.memory_space<hbm>>
      tpu.enqueue_dma source(%dma_start3A_64 : memref<32xi32, #tpu.memory_space<hbm>>) target(%arg7 : memref<32xi32, #tpu.memory_space<vmem>>) target_semaphore(%run_scoped3A_60 : memref<!tpu.dma_semaphore, #tpu.memory_space<semaphore_mem>>)
      %dma_wait3A_65 = tpu.memref_slice %arg3[%run_scoped3A, %multiple_of3A_7] : memref<4x4096xi32, #tpu.memory_space<hbm>> -> memref<1x32xi32, #tpu.memory_space<hbm>>
      %dma_wait3A_66 = tpu.memref_squeeze %dma_wait3A_65 : memref<1x32xi32, #tpu.memory_space<hbm>> -> memref<32xi32, #tpu.memory_space<hbm>>
      %dma_wait3A_67 = tpu.memref_slice %arg3[%run_scoped3A, %multiple_of3A_7] : memref<4x4096xi32, #tpu.memory_space<hbm>> -> memref<1x32xi32, #tpu.memory_space<hbm>>
      %dma_wait3A_68 = tpu.memref_squeeze %dma_wait3A_67 : memref<1x32xi32, #tpu.memory_space<hbm>> -> memref<32xi32, #tpu.memory_space<hbm>>
      tpu.wait_dma2 semaphore(%run_scoped3A_60 : memref<!tpu.dma_semaphore, #tpu.memory_space<semaphore_mem>>) src(%dma_wait3A_68 : memref<32xi32, #tpu.memory_space<hbm>>) dst(%arg7 : memref<32xi32, #tpu.memory_space<vmem>>)
      tpu.yield
    }) : () -> ()
    %get3A = arith.constant 0 : index
    %get3A_8 = tpu.vector_load %arg7[%get3A] {strides = array<i32>} : memref<32xi32, #tpu.memory_space<vmem>>, vector<16xi32>,
    %get3A_9 = vector.shape_cast %get3A_8 : vector<16xi32> to vector<16xi32>
    %add3A_10 = arith.constant 0 : i32
    %add3A_11 = vector.broadcast %add3A_10 : i32 to vector<16xi32>
    %add3A_12 = arith.addi %get3A_9, %add3A_11 : vector<16xi32>
    %swap3A = arith.constant 0 : index
    %swap3A_13 = tpu.vector_load %arg7[%swap3A] {strides = array<i32>} : memref<32xi32, #tpu.memory_space<vmem>>, vector<16xi32>,
    %swap3A_14 = vector.shape_cast %swap3A_13 : vector<16xi32> to vector<16xi32>
    %swap3A_15 = vector.shape_cast %add3A_12 : vector<16xi32> to vector<16xi32>
    tpu.vector_store %arg7[%swap3A], %swap3A_15 {strides = array<i32>} : memref<32xi32, #tpu.memory_space<vmem>>, vector<16xi32>,
    %get3A_16 = arith.constant 16 : index
    %get3A_17 = tpu.vector_load %arg7[%get3A_16] {strides = array<i32>} : memref<32xi32, #tpu.memory_space<vmem>>, vector<16xi32>,
    %get3A_18 = vector.shape_cast %get3A_17 : vector<16xi32> to vector<16xi32>
    %add3A_19 = arith.constant 0 : i32
    %add3A_20 = vector.broadcast %add3A_19 : i32 to vector<16xi32>
    %add3A_21 = arith.addi %get3A_18, %add3A_20 : vector<16xi32>
    %swap3A_22 = arith.constant 16 : index
    %swap3A_23 = tpu.vector_load %arg7[%swap3A_22] {strides = array<i32>} : memref<32xi32, #tpu.memory_space<vmem>>, vector<16xi32>,
    %swap3A_24 = vector.shape_cast %swap3A_23 : vector<16xi32> to vector<16xi32>
    %swap3A_25 = vector.shape_cast %add3A_21 : vector<16xi32> to vector<16xi32>
    tpu.vector_store %arg7[%swap3A_22], %swap3A_25 {strides = array<i32>} : memref<32xi32, #tpu.memory_space<vmem>>, vector<16xi32>,
    %dma_start3A = arith.constant 0 : i32
    %dma_start3A_26 = arith.constant 0 : i32
    %dma_start3A_27 = tpu.memref_slice %arg5[%dma_start3A, %dma_start3A_26] : memref<512x768xf32, #tpu.memory_space<hbm>> -> memref<512x768xf32, #tpu.memory_space<hbm>>
    tpu.enqueue_indirect_dma source(%dma_start3A_27 : memref<512x768xf32, #tpu.memory_space<hbm>>) target(%arg11 : memref<32x768xf32, #tpu.memory_space<vmem>>) offsets(%arg7 : memref<32xi32, #tpu.memory_space<vmem>>) semaphore(%arg14 : memref<!tpu.dma_semaphore, #tpu.memory_space<semaphore_mem>>)
    %add3A_28 = arith.constant 0 : i32
    %add3A_29 = arith.addi %mul3A_2, %add3A_28 : i32
    %multiple_of3A_30 = tpu.assume_multiple %add3A_29, 32 : i32
    %dma_start3A_31 = arith.constant 0 : i32
    %dma_start3A_32 = arith.constant 0 : i32
    %dma_start3A_33 = tpu.memref_slice %arg2[%dma_start3A_31, %multiple_of3A_30, %dma_start3A_32] : memref<4x4096x768xf32, #tpu.memory_space<hbm>> -> memref<1x32x768xf32, #tpu.memory_space<hbm>>
    %dma_start3A_34 = tpu.memref_squeeze %dma_start3A_33 : memref<1x32x768xf32, #tpu.memory_space<hbm>> -> memref<32x768xf32, #tpu.memory_space<hbm>>
    %dma_start3A_35 = arith.constant 0 : i32
    %dma_start3A_36 = tpu.memref_slice %arg2[%dma_start3A_31, %multiple_of3A_30, %dma_start3A_35] : memref<4x4096x768xf32, #tpu.memory_space<hbm>> -> memref<1x32x768xf32, #tpu.memory_space<hbm>>
    %dma_start3A_37 = tpu.memref_squeeze %dma_start3A_36 : memref<1x32x768xf32, #tpu.memory_space<hbm>> -> memref<32x768xf32, #tpu.memory_space<hbm>>
    tpu.enqueue_dma source(%dma_start3A_37 : memref<32x768xf32, #tpu.memory_space<hbm>>) target(%arg9 : memref<32x768xf32, #tpu.memory_space<vmem>>) target_semaphore(%arg16 : memref<!tpu.dma_semaphore, #tpu.memory_space<semaphore_mem>>)
    %scan3A = arith.constant 0 : i32
    %scan3A_38 = arith.constant 0 : i32
    %scan3A_39 = arith.constant 8 : i32
    %scan3A_40 = arith.addi %scan3A_38, %scan3A_39 : i32
    %scan3A_41 = arith.constant 1 : i32
    scf.for %scan3A_60 = %scan3A_38 to %scan3A_40 step %scan3A_41  : i32 {
      %mul3A_61 = arith.constant 2 : i32
      %mul3A_62 = arith.muli %scan3A_60, %mul3A_61 : i32
      %add3A_63 = arith.constant 1 : i32
      %add3A_64 = arith.addi %mul3A_62, %add3A_63 : i32
      %jit3A = arith.constant 4 : i32
      %eq3A = arith.constant 0 : i32
      %eq3A_65 = arith.cmpi eq, %jit3A, %eq3A : i32
      %jit3A_66 = arith.constant 1 : i32
      %select_n3A = arith.select %eq3A_65, %jit3A_66, %jit3A : i32
      %rem3A = arith.remsi %add3A_64, %select_n3A : i32
      %ne3A = arith.constant 0 : i32
      %ne3A_67 = arith.cmpi ne, %rem3A, %ne3A : i32
      %lt3A = arith.constant 0 : i32
      %lt3A_68 = arith.cmpi slt, %rem3A, %lt3A : i32
      %lt3A_69 = arith.constant 0 : i32
      %lt3A_70 = arith.cmpi slt, %select_n3A, %lt3A_69 : i32
      %ne3A_71 = arith.xori %lt3A_68, %lt3A_70 : i1
      %and3A = arith.andi %ne3A_71, %ne3A_67 : i1
      %add3A_72 = arith.addi %rem3A, %select_n3A : i32
      %select_n3A_73 = arith.select %and3A, %add3A_72, %rem3A : i32
      %jit3A_74 = arith.constant 4 : i32
      %div3A = arith.divsi %add3A_64, %jit3A_74 : i32
      %sign3A = arith.constant 0 : i32
      %sign3A_75 = arith.cmpi sgt, %add3A_64, %sign3A : i32
      %sign3A_76 = arith.extui %sign3A_75 : i1 to i32
      %sign3A_77 = arith.constant 0 : i32
      %sign3A_78 = arith.cmpi slt, %add3A_64, %sign3A_77 : i32
      %sign3A_79 = arith.extui %sign3A_78 : i1 to i32
      %sign3A_80 = arith.subi %sign3A_76, %sign3A_79 : i32
      %sign3A_81 = arith.constant 0 : i32
      %sign3A_82 = arith.cmpi sgt, %jit3A_74, %sign3A_81 : i32
      %sign3A_83 = arith.extui %sign3A_82 : i1 to i32
      %sign3A_84 = arith.constant 0 : i32
      %sign3A_85 = arith.cmpi slt, %jit3A_74, %sign3A_84 : i32
      %sign3A_86 = arith.extui %sign3A_85 : i1 to i32
      %sign3A_87 = arith.subi %sign3A_83, %sign3A_86 : i32
      %ne3A_88 = arith.cmpi ne, %sign3A_80, %sign3A_87 : i32
      %rem3A_89 = arith.remsi %add3A_64, %jit3A_74 : i32
      %ne3A_90 = arith.constant 0 : i32
      %ne3A_91 = arith.cmpi ne, %rem3A_89, %ne3A_90 : i32
      %and3A_92 = arith.andi %ne3A_88, %ne3A_91 : i1
      %sub3A = arith.constant 1 : i32
      %sub3A_93 = arith.subi %div3A, %sub3A : i32
      %select_n3A_94 = arith.select %and3A_92, %sub3A_93, %div3A : i32
      %mul3A_95 = arith.constant 32 : i32
      %mul3A_96 = arith.muli %select_n3A_94, %mul3A_95 : i32
      %add3A_97 = arith.addi %mul3A_2, %mul3A_96 : i32
      %multiple_of3A_98 = tpu.assume_multiple %add3A_97, 32 : i32
      "tpu.region"() ({
        %run_scoped3A_376 = tpu.sem_alloc : memref<!tpu.dma_semaphore, #tpu.memory_space<semaphore_mem>>
        %dma_start3A_377 = tpu.memref_slice %arg3[%select_n3A_73, %multiple_of3A_98] : memref<4x4096xi32, #tpu.memory_space<hbm>> -> memref<1x32xi32, #tpu.memory_space<hbm>>
        %dma_start3A_378 = tpu.memref_squeeze %dma_start3A_377 : memref<1x32xi32, #tpu.memory_space<hbm>> -> memref<32xi32, #tpu.memory_space<hbm>>
        %dma_start3A_379 = tpu.memref_slice %arg3[%select_n3A_73, %multiple_of3A_98] : memref<4x4096xi32, #tpu.memory_space<hbm>> -> memref<1x32xi32, #tpu.memory_space<hbm>>
        %dma_start3A_380 = tpu.memref_squeeze %dma_start3A_379 : memref<1x32xi32, #tpu.memory_space<hbm>> -> memref<32xi32, #tpu.memory_space<hbm>>
        tpu.enqueue_dma source(%dma_start3A_380 : memref<32xi32, #tpu.memory_space<hbm>>) target(%arg8 : memref<32xi32, #tpu.memory_space<vmem>>) target_semaphore(%run_scoped3A_376 : memref<!tpu.dma_semaphore, #tpu.memory_space<semaphore_mem>>)
        %dma_wait3A_381 = tpu.memref_slice %arg3[%select_n3A_73, %multiple_of3A_98] : memref<4x4096xi32, #tpu.memory_space<hbm>> -> memref<1x32xi32, #tpu.memory_space<hbm>>
        %dma_wait3A_382 = tpu.memref_squeeze %dma_wait3A_381 : memref<1x32xi32, #tpu.memory_space<hbm>> -> memref<32xi32, #tpu.memory_space<hbm>>
        %dma_wait3A_383 = tpu.memref_slice %arg3[%select_n3A_73, %multiple_of3A_98] : memref<4x4096xi32, #tpu.memory_space<hbm>> -> memref<1x32xi32, #tpu.memory_space<hbm>>
        %dma_wait3A_384 = tpu.memref_squeeze %dma_wait3A_383 : memref<1x32xi32, #tpu.memory_space<hbm>> -> memref<32xi32, #tpu.memory_space<hbm>>
        tpu.wait_dma2 semaphore(%run_scoped3A_376 : memref<!tpu.dma_semaphore, #tpu.memory_space<semaphore_mem>>) src(%dma_wait3A_384 : memref<32xi32, #tpu.memory_space<hbm>>) dst(%arg8 : memref<32xi32, #tpu.memory_space<vmem>>)
        tpu.yield
      }) : () -> ()
      %get3A_99 = arith.constant 0 : index
      %get3A_100 = tpu.vector_load %arg8[%get3A_99] {strides = array<i32>} : memref<32xi32, #tpu.memory_space<vmem>>, vector<16xi32>,
      %get3A_101 = vector.shape_cast %get3A_100 : vector<16xi32> to vector<16xi32>
      %mul3A_102 = arith.constant 128 : i32
      %mul3A_103 = arith.muli %select_n3A_73, %mul3A_102 : i32
      %add3A_104 = vector.broadcast %mul3A_103 : i32 to vector<16xi32>
      %add3A_105 = arith.addi %get3A_101, %add3A_104 : vector<16xi32>
      %swap3A_106 = arith.constant 0 : index
      %swap3A_107 = tpu.vector_load %arg8[%swap3A_106] {strides = array<i32>} : memref<32xi32, #tpu.memory_space<vmem>>, vector<16xi32>,
      %swap3A_108 = vector.shape_cast %swap3A_107 : vector<16xi32> to vector<16xi32>
      %swap3A_109 = vector.shape_cast %add3A_105 : vector<16xi32> to vector<16xi32>
      tpu.vector_store %arg8[%swap3A_106], %swap3A_109 {strides = array<i32>} : memref<32xi32, #tpu.memory_space<vmem>>, vector<16xi32>,
      %get3A_110 = arith.constant 16 : index
      %get3A_111 = tpu.vector_load %arg8[%get3A_110] {strides = array<i32>} : memref<32xi32, #tpu.memory_space<vmem>>, vector<16xi32>,
      %get3A_112 = vector.shape_cast %get3A_111 : vector<16xi32> to vector<16xi32>
      %mul3A_113 = arith.constant 128 : i32
      %mul3A_114 = arith.muli %select_n3A_73, %mul3A_113 : i32
      %add3A_115 = vector.broadcast %mul3A_114 : i32 to vector<16xi32>
      %add3A_116 = arith.addi %get3A_112, %add3A_115 : vector<16xi32>
      %swap3A_117 = arith.constant 16 : index
      %swap3A_118 = tpu.vector_load %arg8[%swap3A_117] {strides = array<i32>} : memref<32xi32, #tpu.memory_space<vmem>>, vector<16xi32>,
      %swap3A_119 = vector.shape_cast %swap3A_118 : vector<16xi32> to vector<16xi32>
      %swap3A_120 = vector.shape_cast %add3A_116 : vector<16xi32> to vector<16xi32>
      tpu.vector_store %arg8[%swap3A_117], %swap3A_120 {strides = array<i32>} : memref<32xi32, #tpu.memory_space<vmem>>, vector<16xi32>,
      %dma_start3A_121 = arith.constant 0 : i32
      %dma_start3A_122 = arith.constant 0 : i32
      %dma_start3A_123 = tpu.memref_slice %arg5[%dma_start3A_121, %dma_start3A_122] : memref<512x768xf32, #tpu.memory_space<hbm>> -> memref<512x768xf32, #tpu.memory_space<hbm>>
      tpu.enqueue_indirect_dma source(%dma_start3A_123 : memref<512x768xf32, #tpu.memory_space<hbm>>) target(%arg12 : memref<32x768xf32, #tpu.memory_space<vmem>>) offsets(%arg8 : memref<32xi32, #tpu.memory_space<vmem>>) semaphore(%arg15 : memref<!tpu.dma_semaphore, #tpu.memory_space<semaphore_mem>>)
      %ge3A = arith.constant 1 : i32
      %ge3A_124 = arith.cmpi sge, %scan3A_60, %ge3A : i32
      %convert_element_type3A = arith.extui %ge3A_124 : i1 to i32
      %cond3A = arith.constant 0 : i32
      %cond3A_125 = arith.cmpi ne, %convert_element_type3A, %cond3A : i32
      scf.if %cond3A_125 {
        %dma_wait3A_376 = arith.constant 0 : i32
        %dma_wait3A_377 = arith.constant 0 : i32
        %dma_wait3A_378 = arith.constant 0 : i32
        %dma_wait3A_379 = tpu.memref_slice %arg2[%dma_wait3A_376, %dma_wait3A_377, %dma_wait3A_378] : memref<4x4096x768xf32, #tpu.memory_space<hbm>> -> memref<1x32x768xf32, #tpu.memory_space<hbm>>
        %dma_wait3A_380 = tpu.memref_squeeze %dma_wait3A_379 : memref<1x32x768xf32, #tpu.memory_space<hbm>> -> memref<32x768xf32, #tpu.memory_space<hbm>>
        %dma_wait3A_381 = arith.constant 0 : i32
        %dma_wait3A_382 = arith.constant 0 : i32
        %dma_wait3A_383 = tpu.memref_slice %arg2[%dma_wait3A_376, %dma_wait3A_381, %dma_wait3A_382] : memref<4x4096x768xf32, #tpu.memory_space<hbm>> -> memref<1x32x768xf32, #tpu.memory_space<hbm>>
        %dma_wait3A_384 = tpu.memref_squeeze %dma_wait3A_383 : memref<1x32x768xf32, #tpu.memory_space<hbm>> -> memref<32x768xf32, #tpu.memory_space<hbm>>
        tpu.wait_dma2 semaphore(%arg19 : memref<!tpu.dma_semaphore, #tpu.memory_space<semaphore_mem>>) src(%dma_wait3A_384 : memref<32x768xf32, #tpu.memory_space<hbm>>) dst(%arg10 : memref<32x768xf32, #tpu.memory_space<vmem>>)
      } else {
      }
      %jit3A_126 = arith.constant 4 : i32
      %eq3A_127 = arith.constant 0 : i32
      %eq3A_128 = arith.cmpi eq, %jit3A_126, %eq3A_127 : i32
      %jit3A_129 = arith.constant 1 : i32
      %select_n3A_130 = arith.select %eq3A_128, %jit3A_129, %jit3A_126 : i32
      %rem3A_131 = arith.remsi %add3A_64, %select_n3A_130 : i32
      %ne3A_132 = arith.constant 0 : i32
      %ne3A_133 = arith.cmpi ne, %rem3A_131, %ne3A_132 : i32
      %lt3A_134 = arith.constant 0 : i32
      %lt3A_135 = arith.cmpi slt, %rem3A_131, %lt3A_134 : i32
      %lt3A_136 = arith.constant 0 : i32
      %lt3A_137 = arith.cmpi slt, %select_n3A_130, %lt3A_136 : i32
      %ne3A_138 = arith.xori %lt3A_135, %lt3A_137 : i1
      %and3A_139 = arith.andi %ne3A_138, %ne3A_133 : i1
      %add3A_140 = arith.addi %rem3A_131, %select_n3A_130 : i32
      %select_n3A_141 = arith.select %and3A_139, %add3A_140, %rem3A_131 : i32
      %jit3A_142 = arith.constant 4 : i32
      %div3A_143 = arith.divsi %add3A_64, %jit3A_142 : i32
      %sign3A_144 = arith.constant 0 : i32
      %sign3A_145 = arith.cmpi sgt, %add3A_64, %sign3A_144 : i32
      %sign3A_146 = arith.extui %sign3A_145 : i1 to i32
      %sign3A_147 = arith.constant 0 : i32
      %sign3A_148 = arith.cmpi slt, %add3A_64, %sign3A_147 : i32
      %sign3A_149 = arith.extui %sign3A_148 : i1 to i32
      %sign3A_150 = arith.subi %sign3A_146, %sign3A_149 : i32
      %sign3A_151 = arith.constant 0 : i32
      %sign3A_152 = arith.cmpi sgt, %jit3A_142, %sign3A_151 : i32
      %sign3A_153 = arith.extui %sign3A_152 : i1 to i32
      %sign3A_154 = arith.constant 0 : i32
      %sign3A_155 = arith.cmpi slt, %jit3A_142, %sign3A_154 : i32
      %sign3A_156 = arith.extui %sign3A_155 : i1 to i32
      %sign3A_157 = arith.subi %sign3A_153, %sign3A_156 : i32
      %ne3A_158 = arith.cmpi ne, %sign3A_150, %sign3A_157 : i32
      %rem3A_159 = arith.remsi %add3A_64, %jit3A_142 : i32
      %ne3A_160 = arith.constant 0 : i32
      %ne3A_161 = arith.cmpi ne, %rem3A_159, %ne3A_160 : i32
      %and3A_162 = arith.andi %ne3A_158, %ne3A_161 : i1
      %sub3A_163 = arith.constant 1 : i32
      %sub3A_164 = arith.subi %div3A_143, %sub3A_163 : i32
      %select_n3A_165 = arith.select %and3A_162, %sub3A_164, %div3A_143 : i32
      %mul3A_166 = arith.constant 32 : i32
      %mul3A_167 = arith.muli %select_n3A_165, %mul3A_166 : i32
      %add3A_168 = arith.addi %mul3A_2, %mul3A_167 : i32
      %multiple_of3A_169 = tpu.assume_multiple %add3A_168, 32 : i32
      %dma_start3A_170 = arith.constant 0 : i32
      %dma_start3A_171 = tpu.memref_slice %arg2[%select_n3A_141, %multiple_of3A_169, %dma_start3A_170] : memref<4x4096x768xf32, #tpu.memory_space<hbm>> -> memref<1x32x768xf32, #tpu.memory_space<hbm>>
      %dma_start3A_172 = tpu.memref_squeeze %dma_start3A_171 : memref<1x32x768xf32, #tpu.memory_space<hbm>> -> memref<32x768xf32, #tpu.memory_space<hbm>>
      %dma_start3A_173 = arith.constant 0 : i32
      %dma_start3A_174 = tpu.memref_slice %arg2[%select_n3A_141, %multiple_of3A_169, %dma_start3A_173] : memref<4x4096x768xf32, #tpu.memory_space<hbm>> -> memref<1x32x768xf32, #tpu.memory_space<hbm>>
      %dma_start3A_175 = tpu.memref_squeeze %dma_start3A_174 : memref<1x32x768xf32, #tpu.memory_space<hbm>> -> memref<32x768xf32, #tpu.memory_space<hbm>>
      tpu.enqueue_dma source(%dma_start3A_175 : memref<32x768xf32, #tpu.memory_space<hbm>>) target(%arg10 : memref<32x768xf32, #tpu.memory_space<vmem>>) target_semaphore(%arg17 : memref<!tpu.dma_semaphore, #tpu.memory_space<semaphore_mem>>)
      %gt3A = arith.constant 0 : i32
      %gt3A_176 = arith.cmpi sgt, %scan3A_60, %gt3A : i32
      %jit3A_177 = arith.constant 2 : i32
      %eq3A_178 = arith.constant 0 : i32
      %eq3A_179 = arith.cmpi eq, %jit3A_177, %eq3A_178 : i32
      %jit3A_180 = arith.constant 1 : i32
      %select_n3A_181 = arith.select %eq3A_179, %jit3A_180, %jit3A_177 : i32
      %rem3A_182 = arith.remsi %scan3A_60, %select_n3A_181 : i32
      %ne3A_183 = arith.constant 0 : i32
      %ne3A_184 = arith.cmpi ne, %rem3A_182, %ne3A_183 : i32
      %lt3A_185 = arith.constant 0 : i32
      %lt3A_186 = arith.cmpi slt, %rem3A_182, %lt3A_185 : i32
      %lt3A_187 = arith.constant 0 : i32
      %lt3A_188 = arith.cmpi slt, %select_n3A_181, %lt3A_187 : i32
      %ne3A_189 = arith.xori %lt3A_186, %lt3A_188 : i1
      %and3A_190 = arith.andi %ne3A_189, %ne3A_184 : i1
      %add3A_191 = arith.addi %rem3A_182, %select_n3A_181 : i32
      %select_n3A_192 = arith.select %and3A_190, %add3A_191, %rem3A_182 : i32
      %eq3A_193 = arith.constant 0 : i32
      %eq3A_194 = arith.cmpi eq, %select_n3A_192, %eq3A_193 : i32
      %and3A_195 = arith.andi %gt3A_176, %eq3A_194 : i1
      %convert_element_type3A_196 = arith.extui %and3A_195 : i1 to i32
      %cond3A_197 = arith.constant 0 : i32
      %cond3A_198 = arith.cmpi ne, %convert_element_type3A_196, %cond3A_197 : i32
      scf.if %cond3A_198 {
        %dma_wait3A_376 = arith.constant 0 : i32
        %dma_wait3A_377 = arith.constant 0 : i32
        %dma_wait3A_378 = arith.constant 0 : i32
        %dma_wait3A_379 = tpu.memref_slice %arg2[%dma_wait3A_376, %dma_wait3A_377, %dma_wait3A_378] : memref<4x4096x768xf32, #tpu.memory_space<hbm>> -> memref<1x32x768xf32, #tpu.memory_space<hbm>>
        %dma_wait3A_380 = tpu.memref_squeeze %dma_wait3A_379 : memref<1x32x768xf32, #tpu.memory_space<hbm>> -> memref<32x768xf32, #tpu.memory_space<hbm>>
        %dma_wait3A_381 = arith.constant 0 : i32
        %dma_wait3A_382 = arith.constant 0 : i32
        %dma_wait3A_383 = tpu.memref_slice %arg2[%dma_wait3A_376, %dma_wait3A_381, %dma_wait3A_382] : memref<4x4096x768xf32, #tpu.memory_space<hbm>> -> memref<1x32x768xf32, #tpu.memory_space<hbm>>
        %dma_wait3A_384 = tpu.memref_squeeze %dma_wait3A_383 : memref<1x32x768xf32, #tpu.memory_space<hbm>> -> memref<32x768xf32, #tpu.memory_space<hbm>>
        tpu.wait_dma2 semaphore(%arg20 : memref<!tpu.dma_semaphore, #tpu.memory_space<semaphore_mem>>) src(%dma_wait3A_384 : memref<32x768xf32, #tpu.memory_space<hbm>>) dst(%arg13 : memref<32x768xf32, #tpu.memory_space<vmem>>)
      } else {
      }
      %dma_wait3A_199 = arith.constant 0 : i32
      %dma_wait3A_200 = arith.constant 0 : i32
      %dma_wait3A_201 = arith.constant 0 : i32
      %dma_wait3A_202 = tpu.memref_slice %arg2[%dma_wait3A_199, %dma_wait3A_200, %dma_wait3A_201] : memref<4x4096x768xf32, #tpu.memory_space<hbm>> -> memref<1x32x768xf32, #tpu.memory_space<hbm>>
      %dma_wait3A_203 = tpu.memref_squeeze %dma_wait3A_202 : memref<1x32x768xf32, #tpu.memory_space<hbm>> -> memref<32x768xf32, #tpu.memory_space<hbm>>
      %dma_wait3A_204 = arith.constant 0 : i32
      %dma_wait3A_205 = arith.constant 0 : i32
      %dma_wait3A_206 = tpu.memref_slice %arg2[%dma_wait3A_199, %dma_wait3A_204, %dma_wait3A_205] : memref<4x4096x768xf32, #tpu.memory_space<hbm>> -> memref<1x32x768xf32, #tpu.memory_space<hbm>>
      %dma_wait3A_207 = tpu.memref_squeeze %dma_wait3A_206 : memref<1x32x768xf32, #tpu.memory_space<hbm>> -> memref<32x768xf32, #tpu.memory_space<hbm>>
      tpu.wait_dma2 semaphore(%arg14 : memref<!tpu.dma_semaphore, #tpu.memory_space<semaphore_mem>>) src(%dma_wait3A_207 : memref<32x768xf32, #tpu.memory_space<hbm>>) dst(%arg11 : memref<32x768xf32, #tpu.memory_space<vmem>>)
      %dma_wait3A_208 = arith.constant 0 : i32
      %dma_wait3A_209 = arith.constant 0 : i32
      %dma_wait3A_210 = arith.constant 0 : i32
      %dma_wait3A_211 = tpu.memref_slice %arg2[%dma_wait3A_208, %dma_wait3A_209, %dma_wait3A_210] : memref<4x4096x768xf32, #tpu.memory_space<hbm>> -> memref<1x32x768xf32, #tpu.memory_space<hbm>>
      %dma_wait3A_212 = tpu.memref_squeeze %dma_wait3A_211 : memref<1x32x768xf32, #tpu.memory_space<hbm>> -> memref<32x768xf32, #tpu.memory_space<hbm>>
      %dma_wait3A_213 = arith.constant 0 : i32
      %dma_wait3A_214 = arith.constant 0 : i32
      %dma_wait3A_215 = tpu.memref_slice %arg2[%dma_wait3A_208, %dma_wait3A_213, %dma_wait3A_214] : memref<4x4096x768xf32, #tpu.memory_space<hbm>> -> memref<1x32x768xf32, #tpu.memory_space<hbm>>
      %dma_wait3A_216 = tpu.memref_squeeze %dma_wait3A_215 : memref<1x32x768xf32, #tpu.memory_space<hbm>> -> memref<32x768xf32, #tpu.memory_space<hbm>>
      tpu.wait_dma2 semaphore(%arg16 : memref<!tpu.dma_semaphore, #tpu.memory_space<semaphore_mem>>) src(%dma_wait3A_216 : memref<32x768xf32, #tpu.memory_space<hbm>>) dst(%arg9 : memref<32x768xf32, #tpu.memory_space<vmem>>)
      %scan3A_217 = arith.constant 0 : i32
      %scan3A_218 = arith.constant 0 : i32
      %scan3A_219 = arith.constant 32 : i32
      %scan3A_220 = arith.addi %scan3A_218, %scan3A_219 : i32
      %scan3A_221 = arith.constant 1 : i32
      scf.for %scan3A_376 = %scan3A_218 to %scan3A_220 step %scan3A_221  : i32 {
        %get3A_377 = arith.index_cast %scan3A_376 : i32 to index
        %get3A_378 = arith.constant 0 : index
        %get3A_379 = tpu.vector_load %arg11[%get3A_377, %get3A_378] {strides = array<i32>} : memref<32x768xf32, #tpu.memory_space<vmem>>, vector<1x16xf32>,
        %get3A_380 = vector.shape_cast %get3A_379 : vector<1x16xf32> to vector<16xf32>
        %get3A_381 = arith.index_cast %scan3A_376 : i32 to index
        %get3A_382 = arith.constant 0 : index
        %get3A_383 = tpu.vector_load %arg13[%get3A_381, %get3A_382] {strides = array<i32>} : memref<32x768xf32, #tpu.memory_space<vmem>>, vector<1x16xf32>,
        %get3A_384 = vector.shape_cast %get3A_383 : vector<1x16xf32> to vector<16xf32>
        %add3A_385 = arith.addf %get3A_380, %get3A_384 : vector<16xf32>
        %swap3A_386 = arith.index_cast %scan3A_376 : i32 to index
        %swap3A_387 = arith.constant 0 : index
        %swap3A_388 = tpu.vector_load %arg9[%swap3A_386, %swap3A_387] {strides = array<i32>} : memref<32x768xf32, #tpu.memory_space<vmem>>, vector<1x16xf32>,
        %swap3A_389 = vector.shape_cast %swap3A_388 : vector<1x16xf32> to vector<16xf32>
        %swap3A_390 = vector.shape_cast %add3A_385 : vector<16xf32> to vector<1x16xf32>
        tpu.vector_store %arg9[%swap3A_386, %swap3A_387], %swap3A_390 {add = true, strides = array<i32>} : memref<32x768xf32, #tpu.memory_space<vmem>>, vector<1x16xf32>,
        %get3A_391 = arith.index_cast %scan3A_376 : i32 to index
        %get3A_392 = arith.constant 16 : index
        %get3A_393 = tpu.vector_load %arg11[%get3A_391, %get3A_392] {strides = array<i32>} : memref<32x768xf32, #tpu.memory_space<vmem>>, vector<1x16xf32>,
        %get3A_394 = vector.shape_cast %get3A_393 : vector<1x16xf32> to vector<16xf32>
        %get3A_395 = arith.index_cast %scan3A_376 : i32 to index
        %get3A_396 = arith.constant 16 : index
        %get3A_397 = tpu.vector_load %arg13[%get3A_395, %get3A_396] {strides = array<i32>} : memref<32x768xf32, #tpu.memory_space<vmem>>, vector<1x16xf32>,
        %get3A_398 = vector.shape_cast %get3A_397 : vector<1x16xf32> to vector<16xf32>
        %add3A_399 = arith.addf %get3A_394, %get3A_398 : vector<16xf32>
        %swap3A_400 = arith.index_cast %scan3A_376 : i32 to index
        %swap3A_401 = arith.constant 16 : index
        %swap3A_402 = tpu.vector_load %arg9[%swap3A_400, %swap3A_401] {strides = array<i32>} : memref<32x768xf32, #tpu.memory_space<vmem>>, vector<1x16xf32>,
        %swap3A_403 = vector.shape_cast %swap3A_402 : vector<1x16xf32> to vector<16xf32>
        %swap3A_404 = vector.shape_cast %add3A_399 : vector<16xf32> to vector<1x16xf32>
        tpu.vector_store %arg9[%swap3A_400, %swap3A_401], %swap3A_404 {add = true, strides = array<i32>} : memref<32x768xf32, #tpu.memory_space<vmem>>, vector<1x16xf32>,
        %get3A_405 = arith.index_cast %scan3A_376 : i32 to index
        %get3A_406 = arith.constant 32 : index
        %get3A_407 = tpu.vector_load %arg11[%get3A_405, %get3A_406] {strides = array<i32>} : memref<32x768xf32, #tpu.memory_space<vmem>>, vector<1x16xf32>,
        %get3A_408 = vector.shape_cast %get3A_407 : vector<1x16xf32> to vector<16xf32>
        %get3A_409 = arith.index_cast %scan3A_376 : i32 to index
        %get3A_410 = arith.constant 32 : index
        %get3A_411 = tpu.vector_load %arg13[%get3A_409, %get3A_410] {strides = array<i32>} : memref<32x768xf32, #tpu.memory_space<vmem>>, vector<1x16xf32>,
        %get3A_412 = vector.shape_cast %get3A_411 : vector<1x16xf32> to vector<16xf32>
        %add3A_413 = arith.addf %get3A_408, %get3A_412 : vector<16xf32>
        %swap3A_414 = arith.index_cast %scan3A_376 : i32 to index
        %swap3A_415 = arith.constant 32 : index
        %swap3A_416 = tpu.vector_load %arg9[%swap3A_414, %swap3A_415] {strides = array<i32>} : memref<32x768xf32, #tpu.memory_space<vmem>>, vector<1x16xf32>,
        %swap3A_417 = vector.shape_cast %swap3A_416 : vector<1x16xf32> to vector<16xf32>
        %swap3A_418 = vector.shape_cast %add3A_413 : vector<16xf32> to vector<1x16xf32>
        tpu.vector_store %arg9[%swap3A_414, %swap3A_415], %swap3A_418 {add = true, strides = array<i32>} : memref<32x768xf32, #tpu.memory_space<vmem>>, vector<1x16xf32>,
        %get3A_419 = arith.index_cast %scan3A_376 : i32 to index
        %get3A_420 = arith.constant 48 : index
        %get3A_421 = tpu.vector_load %arg11[%get3A_419, %get3A_420] {strides = array<i32>} : memref<32x768xf32, #tpu.memory_space<vmem>>, vector<1x16xf32>,
        %get3A_422 = vector.shape_cast %get3A_421 : vector<1x16xf32> to vector<16xf32>
        %get3A_423 = arith.index_cast %scan3A_376 : i32 to index
        %get3A_424 = arith.constant 48 : index
        %get3A_425 = tpu.vector_load %arg13[%get3A_423, %get3A_424] {strides = array<i32>} : memref<32x768xf32, #tpu.memory_space<vmem>>, vector<1x16xf32>,
        %get3A_426 = vector.shape_cast %get3A_425 : vector<1x16xf32> to vector<16xf32>
        %add3A_427 = arith.addf %get3A_422, %get3A_426 : vector<16xf32>
        %swap3A_428 = arith.index_cast %scan3A_376 : i32 to index
        %swap3A_429 = arith.constant 48 : index
        %swap3A_430 = tpu.vector_load %arg9[%swap3A_428, %swap3A_429] {strides = array<i32>} : memref<32x768xf32, #tpu.memory_space<vmem>>, vector<1x16xf32>,
        %swap3A_431 = vector.shape_cast %swap3A_430 : vector<1x16xf32> to vector<16xf32>
        %swap3A_432 = vector.shape_cast %add3A_427 : vector<16xf32> to vector<1x16xf32>
        tpu.vector_store %arg9[%swap3A_428, %swap3A_429], %swap3A_432 {add = true, strides = array<i32>} : memref<32x768xf32, #tpu.memory_space<vmem>>, vector<1x16xf32>,
        %get3A_433 = arith.index_cast %scan3A_376 : i32 to index
        %get3A_434 = arith.constant 64 : index
        %get3A_435 = tpu.vector_load %arg11[%get3A_433, %get3A_434] {strides = array<i32>} : memref<32x768xf32, #tpu.memory_space<vmem>>, vector<1x16xf32>,
        %get3A_436 = vector.shape_cast %get3A_435 : vector<1x16xf32> to vector<16xf32>
        %get3A_437 = arith.index_cast %scan3A_376 : i32 to index
        %get3A_438 = arith.constant 64 : index
        %get3A_439 = tpu.vector_load %arg13[%get3A_437, %get3A_438] {strides = array<i32>} : memref<32x768xf32, #tpu.memory_space<vmem>>, vector<1x16xf32>,
        %get3A_440 = vector.shape_cast %get3A_439 : vector<1x16xf32> to vector<16xf32>
        %add3A_441 = arith.addf %get3A_436, %get3A_440 : vector<16xf32>
        %swap3A_442 = arith.index_cast %scan3A_376 : i32 to index
        %swap3A_443 = arith.constant 64 : index
        %swap3A_444 = tpu.vector_load %arg9[%swap3A_442, %swap3A_443] {strides = array<i32>} : memref<32x768xf32, #tpu.memory_space<vmem>>, vector<1x16xf32>,
        %swap3A_445 = vector.shape_cast %swap3A_444 : vector<1x16xf32> to vector<16xf32>
        %swap3A_446 = vector.shape_cast %add3A_441 : vector<16xf32> to vector<1x16xf32>
        tpu.vector_store %arg9[%swap3A_442, %swap3A_443], %swap3A_446 {add = true, strides = array<i32>} : memref<32x768xf32, #tpu.memory_space<vmem>>, vector<1x16xf32>,
        %get3A_447 = arith.index_cast %scan3A_376 : i32 to index
        %get3A_448 = arith.constant 80 : index
        %get3A_449 = tpu.vector_load %arg11[%get3A_447, %get3A_448] {strides = array<i32>} : memref<32x768xf32, #tpu.memory_space<vmem>>, vector<1x16xf32>,
        %get3A_450 = vector.shape_cast %get3A_449 : vector<1x16xf32> to vector<16xf32>
        %get3A_451 = arith.index_cast %scan3A_376 : i32 to index
        %get3A_452 = arith.constant 80 : index
        %get3A_453 = tpu.vector_load %arg13[%get3A_451, %get3A_452] {strides = array<i32>} : memref<32x768xf32, #tpu.memory_space<vmem>>, vector<1x16xf32>,
        %get3A_454 = vector.shape_cast %get3A_453 : vector<1x16xf32> to vector<16xf32>
        %add3A_455 = arith.addf %get3A_450, %get3A_454 : vector<16xf32>
        %swap3A_456 = arith.index_cast %scan3A_376 : i32 to index
        %swap3A_457 = arith.constant 80 : index
        %swap3A_458 = tpu.vector_load %arg9[%swap3A_456, %swap3A_457] {strides = array<i32>} : memref<32x768xf32, #tpu.memory_space<vmem>>, vector<1x16xf32>,
        %swap3A_459 = vector.shape_cast %swap3A_458 : vector<1x16xf32> to vector<16xf32>
        %swap3A_460 = vector.shape_cast %add3A_455 : vector<16xf32> to vector<1x16xf32>
        tpu.vector_store %arg9[%swap3A_456, %swap3A_457], %swap3A_460 {add = true, strides = array<i32>} : memref<32x768xf32, #tpu.memory_space<vmem>>, vector<1x16xf32>,
        %get3A_461 = arith.index_cast %scan3A_376 : i32 to index
        %get3A_462 = arith.constant 96 : index
        %get3A_463 = tpu.vector_load %arg11[%get3A_461, %get3A_462] {strides = array<i32>} : memref<32x768xf32, #tpu.memory_space<vmem>>, vector<1x16xf32>,
        %get3A_464 = vector.shape_cast %get3A_463 : vector<1x16xf32> to vector<16xf32>
        %get3A_465 = arith.index_cast %scan3A_376 : i32 to index
        %get3A_466 = arith.constant 96 : index
        %get3A_467 = tpu.vector_load %arg13[%get3A_465, %get3A_466] {strides = array<i32>} : memref<32x768xf32, #tpu.memory_space<vmem>>, vector<1x16xf32>,
        %get3A_468 = vector.shape_cast %get3A_467 : vector<1x16xf32> to vector<16xf32>
        %add3A_469 = arith.addf %get3A_464, %get3A_468 : vector<16xf32>
        %swap3A_470 = arith.index_cast %scan3A_376 : i32 to index
        %swap3A_471 = arith.constant 96 : index
        %swap3A_472 = tpu.vector_load %arg9[%swap3A_470, %swap3A_471] {strides = array<i32>} : memref<32x768xf32, #tpu.memory_space<vmem>>, vector<1x16xf32>,
        %swap3A_473 = vector.shape_cast %swap3A_472 : vector<1x16xf32> to vector<16xf32>
        %swap3A_474 = vector.shape_cast %add3A_469 : vector<16xf32> to vector<1x16xf32>
        tpu.vector_store %arg9[%swap3A_470, %swap3A_471], %swap3A_474 {add = true, strides = array<i32>} : memref<32x768xf32, #tpu.memory_space<vmem>>, vector<1x16xf32>,
        %get3A_475 = arith.index_cast %scan3A_376 : i32 to index
        %get3A_476 = arith.constant 112 : index
        %get3A_477 = tpu.vector_load %arg11[%get3A_475, %get3A_476] {strides = array<i32>} : memref<32x768xf32, #tpu.memory_space<vmem>>, vector<1x16xf32>,
        %get3A_478 = vector.shape_cast %get3A_477 : vector<1x16xf32> to vector<16xf32>
        %get3A_479 = arith.index_cast %scan3A_376 : i32 to index
        %get3A_480 = arith.constant 112 : index
        %get3A_481 = tpu.vector_load %arg13[%get3A_479, %get3A_480] {strides = array<i32>} : memref<32x768xf32, #tpu.memory_space<vmem>>, vector<1x16xf32>,
        %get3A_482 = vector.shape_cast %get3A_481 : vector<1x16xf32> to vector<16xf32>
        %add3A_483 = arith.addf %get3A_478, %get3A_482 : vector<16xf32>
        %swap3A_484 = arith.index_cast %scan3A_376 : i32 to index
        %swap3A_485 = arith.constant 112 : index
        %swap3A_486 = tpu.vector_load %arg9[%swap3A_484, %swap3A_485] {strides = array<i32>} : memref<32x768xf32, #tpu.memory_space<vmem>>, vector<1x16xf32>,
        %swap3A_487 = vector.shape_cast %swap3A_486 : vector<1x16xf32> to vector<16xf32>
        %swap3A_488 = vector.shape_cast %add3A_483 : vector<16xf32> to vector<1x16xf32>
        tpu.vector_store %arg9[%swap3A_484, %swap3A_485], %swap3A_488 {add = true, strides = array<i32>} : memref<32x768xf32, #tpu.memory_space<vmem>>, vector<1x16xf32>,
        %get3A_489 = arith.index_cast %scan3A_376 : i32 to index
        %get3A_490 = arith.constant 128 : index
        %get3A_491 = tpu.vector_load %arg11[%get3A_489, %get3A_490] {strides = array<i32>} : memref<32x768xf32, #tpu.memory_space<vmem>>, vector<1x16xf32>,
        %get3A_492 = vector.shape_cast %get3A_491 : vector<1x16xf32> to vector<16xf32>
        %get3A_493 = arith.index_cast %scan3A_376 : i32 to index
        %get3A_494 = arith.constant 128 : index
        %get3A_495 = tpu.vector_load %arg13[%get3A_493, %get3A_494] {strides = array<i32>} : memref<32x768xf32, #tpu.memory_space<vmem>>, vector<1x16xf32>,
        %get3A_496 = vector.shape_cast %get3A_495 : vector<1x16xf32> to vector<16xf32>
        %add3A_497 = arith.addf %get3A_492, %get3A_496 : vector<16xf32>
        %swap3A_498 = arith.index_cast %scan3A_376 : i32 to index
        %swap3A_499 = arith.constant 128 : index
        %swap3A_500 = tpu.vector_load %arg9[%swap3A_498, %swap3A_499] {strides = array<i32>} : memref<32x768xf32, #tpu.memory_space<vmem>>, vector<1x16xf32>,
        %swap3A_501 = vector.shape_cast %swap3A_500 : vector<1x16xf32> to vector<16xf32>
        %swap3A_502 = vector.shape_cast %add3A_497 : vector<16xf32> to vector<1x16xf32>
        tpu.vector_store %arg9[%swap3A_498, %swap3A_499], %swap3A_502 {add = true, strides = array<i32>} : memref<32x768xf32, #tpu.memory_space<vmem>>, vector<1x16xf32>,
        %get3A_503 = arith.index_cast %scan3A_376 : i32 to index
        %get3A_504 = arith.constant 144 : index
        %get3A_505 = tpu.vector_load %arg11[%get3A_503, %get3A_504] {strides = array<i32>} : memref<32x768xf32, #tpu.memory_space<vmem>>, vector<1x16xf32>,
        %get3A_506 = vector.shape_cast %get3A_505 : vector<1x16xf32> to vector<16xf32>
        %get3A_507 = arith.index_cast %scan3A_376 : i32 to index
        %get3A_508 = arith.constant 144 : index
        %get3A_509 = tpu.vector_load %arg13[%get3A_507, %get3A_508] {strides = array<i32>} : memref<32x768xf32, #tpu.memory_space<vmem>>, vector<1x16xf32>,
        %get3A_510 = vector.shape_cast %get3A_509 : vector<1x16xf32> to vector<16xf32>
        %add3A_511 = arith.addf %get3A_506, %get3A_510 : vector<16xf32>
        %swap3A_512 = arith.index_cast %scan3A_376 : i32 to index
        %swap3A_513 = arith.constant 144 : index
        %swap3A_514 = tpu.vector_load %arg9[%swap3A_512, %swap3A_513] {strides = array<i32>} : memref<32x768xf32, #tpu.memory_space<vmem>>, vector<1x16xf32>,
        %swap3A_515 = vector.shape_cast %swap3A_514 : vector<1x16xf32> to vector<16xf32>
        %swap3A_516 = vector.shape_cast %add3A_511 : vector<16xf32> to vector<1x16xf32>
        tpu.vector_store %arg9[%swap3A_512, %swap3A_513], %swap3A_516 {add = true, strides = array<i32>} : memref<32x768xf32, #tpu.memory_space<vmem>>, vector<1x16xf32>,
        %get3A_517 = arith.index_cast %scan3A_376 : i32 to index
        %get3A_518 = arith.constant 160 : index
        %get3A_519 = tpu.vector_load %arg11[%get3A_517, %get3A_518] {strides = array<i32>} : memref<32x768xf32, #tpu.memory_space<vmem>>, vector<1x16xf32>,
        %get3A_520 = vector.shape_cast %get3A_519 : vector<1x16xf32> to vector<16xf32>
        %get3A_521 = arith.index_cast %scan3A_376 : i32 to index
        %get3A_522 = arith.constant 160 : index
        %get3A_523 = tpu.vector_load %arg13[%get3A_521, %get3A_522] {strides = array<i32>} : memref<32x768xf32, #tpu.memory_space<vmem>>, vector<1x16xf32>,
        %get3A_524 = vector.shape_cast %get3A_523 : vector<1x16xf32> to vector<16xf32>
        %add3A_525 = arith.addf %get3A_520, %get3A_524 : vector<16xf32>
        %swap3A_526 = arith.index_cast %scan3A_376 : i32 to index
        %swap3A_527 = arith.constant 160 : index
        %swap3A_528 = tpu.vector_load %arg9[%swap3A_526, %swap3A_527] {strides = array<i32>} : memref<32x768xf32, #tpu.memory_space<vmem>>, vector<1x16xf32>,
        %swap3A_529 = vector.shape_cast %swap3A_528 : vector<1x16xf32> to vector<16xf32>
        %swap3A_530 = vector.shape_cast %add3A_525 : vector<16xf32> to vector<1x16xf32>
        tpu.vector_store %arg9[%swap3A_526, %swap3A_527], %swap3A_530 {add = true, strides = array<i32>} : memref<32x768xf32, #tpu.memory_space<vmem>>, vector<1x16xf32>,
        %get3A_531 = arith.index_cast %scan3A_376 : i32 to index
        %get3A_532 = arith.constant 176 : index
        %get3A_533 = tpu.vector_load %arg11[%get3A_531, %get3A_532] {strides = array<i32>} : memref<32x768xf32, #tpu.memory_space<vmem>>, vector<1x16xf32>,
        %get3A_534 = vector.shape_cast %get3A_533 : vector<1x16xf32> to vector<16xf32>
        %get3A_535 = arith.index_cast %scan3A_376 : i32 to index
        %get3A_536 = arith.constant 176 : index
        %get3A_537 = tpu.vector_load %arg13[%get3A_535, %get3A_536] {strides = array<i32>} : memref<32x768xf32, #tpu.memory_space<vmem>>, vector<1x16xf32>,
        %get3A_538 = vector.shape_cast %get3A_537 : vector<1x16xf32> to vector<16xf32>
        %add3A_539 = arith.addf %get3A_534, %get3A_538 : vector<16xf32>
        %swap3A_540 = arith.index_cast %scan3A_376 : i32 to index
        %swap3A_541 = arith.constant 176 : index
        %swap3A_542 = tpu.vector_load %arg9[%swap3A_540, %swap3A_541] {strides = array<i32>} : memref<32x768xf32, #tpu.memory_space<vmem>>, vector<1x16xf32>,
        %swap3A_543 = vector.shape_cast %swap3A_542 : vector<1x16xf32> to vector<16xf32>
        %swap3A_544 = vector.shape_cast %add3A_539 : vector<16xf32> to vector<1x16xf32>
        tpu.vector_store %arg9[%swap3A_540, %swap3A_541], %swap3A_544 {add = true, strides = array<i32>} : memref<32x768xf32, #tpu.memory_space<vmem>>, vector<1x16xf32>,
        %get3A_545 = arith.index_cast %scan3A_376 : i32 to index
        %get3A_546 = arith.constant 192 : index
        %get3A_547 = tpu.vector_load %arg11[%get3A_545, %get3A_546] {strides = array<i32>} : memref<32x768xf32, #tpu.memory_space<vmem>>, vector<1x16xf32>,
        %get3A_548 = vector.shape_cast %get3A_547 : vector<1x16xf32> to vector<16xf32>
        %get3A_549 = arith.index_cast %scan3A_376 : i32 to index
        %get3A_550 = arith.constant 192 : index
        %get3A_551 = tpu.vector_load %arg13[%get3A_549, %get3A_550] {strides = array<i32>} : memref<32x768xf32, #tpu.memory_space<vmem>>, vector<1x16xf32>,
        %get3A_552 = vector.shape_cast %get3A_551 : vector<1x16xf32> to vector<16xf32>
        %add3A_553 = arith.addf %get3A_548, %get3A_552 : vector<16xf32>
        %swap3A_554 = arith.index_cast %scan3A_376 : i32 to index
        %swap3A_555 = arith.constant 192 : index
        %swap3A_556 = tpu.vector_load %arg9[%swap3A_554, %swap3A_555] {strides = array<i32>} : memref<32x768xf32, #tpu.memory_space<vmem>>, vector<1x16xf32>,
        %swap3A_557 = vector.shape_cast %swap3A_556 : vector<1x16xf32> to vector<16xf32>
        %swap3A_558 = vector.shape_cast %add3A_553 : vector<16xf32> to vector<1x16xf32>
        tpu.vector_store %arg9[%swap3A_554, %swap3A_555], %swap3A_558 {add = true, strides = array<i32>} : memref<32x768xf32, #tpu.memory_space<vmem>>, vector<1x16xf32>,
        %get3A_559 = arith.index_cast %scan3A_376 : i32 to index
        %get3A_560 = arith.constant 208 : index
        %get3A_561 = tpu.vector_load %arg11[%get3A_559, %get3A_560] {strides = array<i32>} : memref<32x768xf32, #tpu.memory_space<vmem>>, vector<1x16xf32>,
        %get3A_562 = vector.shape_cast %get3A_561 : vector<1x16xf32> to vector<16xf32>
        %get3A_563 = arith.index_cast %scan3A_376 : i32 to index
        %get3A_564 = arith.constant 208 : index
        %get3A_565 = tpu.vector_load %arg13[%get3A_563, %get3A_564] {strides = array<i32>} : memref<32x768xf32, #tpu.memory_space<vmem>>, vector<1x16xf32>,
        %get3A_566 = vector.shape_cast %get3A_565 : vector<1x16xf32> to vector<16xf32>
        %add3A_567 = arith.addf %get3A_562, %get3A_566 : vector<16xf32>
        %swap3A_568 = arith.index_cast %scan3A_376 : i32 to index
        %swap3A_569 = arith.constant 208 : index
        %swap3A_570 = tpu.vector_load %arg9[%swap3A_568, %swap3A_569] {strides = array<i32>} : memref<32x768xf32, #tpu.memory_space<vmem>>, vector<1x16xf32>,
        %swap3A_571 = vector.shape_cast %swap3A_570 : vector<1x16xf32> to vector<16xf32>
        %swap3A_572 = vector.shape_cast %add3A_567 : vector<16xf32> to vector<1x16xf32>
        tpu.vector_store %arg9[%swap3A_568, %swap3A_569], %swap3A_572 {add = true, strides = array<i32>} : memref<32x768xf32, #tpu.memory_space<vmem>>, vector<1x16xf32>,
        %get3A_573 = arith.index_cast %scan3A_376 : i32 to index
        %get3A_574 = arith.constant 224 : index
        %get3A_575 = tpu.vector_load %arg11[%get3A_573, %get3A_574] {strides = array<i32>} : memref<32x768xf32, #tpu.memory_space<vmem>>, vector<1x16xf32>,
        %get3A_576 = vector.shape_cast %get3A_575 : vector<1x16xf32> to vector<16xf32>
        %get3A_577 = arith.index_cast %scan3A_376 : i32 to index
        %get3A_578 = arith.constant 224 : index
        %get3A_579 = tpu.vector_load %arg13[%get3A_577, %get3A_578] {strides = array<i32>} : memref<32x768xf32, #tpu.memory_space<vmem>>, vector<1x16xf32>,
        %get3A_580 = vector.shape_cast %get3A_579 : vector<1x16xf32> to vector<16xf32>
        %add3A_581 = arith.addf %get3A_576, %get3A_580 : vector<16xf32>
        %swap3A_582 = arith.index_cast %scan3A_376 : i32 to index
        %swap3A_583 = arith.constant 224 : index
        %swap3A_584 = tpu.vector_load %arg9[%swap3A_582, %swap3A_583] {strides = array<i32>} : memref<32x768xf32, #tpu.memory_space<vmem>>, vector<1x16xf32>,
        %swap3A_585 = vector.shape_cast %swap3A_584 : vector<1x16xf32> to vector<16xf32>
        %swap3A_586 = vector.shape_cast %add3A_581 : vector<16xf32> to vector<1x16xf32>
        tpu.vector_store %arg9[%swap3A_582, %swap3A_583], %swap3A_586 {add = true, strides = array<i32>} : memref<32x768xf32, #tpu.memory_space<vmem>>, vector<1x16xf32>,
        %get3A_587 = arith.index_cast %scan3A_376 : i32 to index
        %get3A_588 = arith.constant 240 : index
        %get3A_589 = tpu.vector_load %arg11[%get3A_587, %get3A_588] {strides = array<i32>} : memref<32x768xf32, #tpu.memory_space<vmem>>, vector<1x16xf32>,
        %get3A_590 = vector.shape_cast %get3A_589 : vector<1x16xf32> to vector<16xf32>
        %get3A_591 = arith.index_cast %scan3A_376 : i32 to index
        %get3A_592 = arith.constant 240 : index
        %get3A_593 = tpu.vector_load %arg13[%get3A_591, %get3A_592] {strides = array<i32>} : memref<32x768xf32, #tpu.memory_space<vmem>>, vector<1x16xf32>,
        %get3A_594 = vector.shape_cast %get3A_593 : vector<1x16xf32> to vector<16xf32>
        %add3A_595 = arith.addf %get3A_590, %get3A_594 : vector<16xf32>
        %swap3A_596 = arith.index_cast %scan3A_376 : i32 to index
        %swap3A_597 = arith.constant 240 : index
        %swap3A_598 = tpu.vector_load %arg9[%swap3A_596, %swap3A_597] {strides = array<i32>} : memref<32x768xf32, #tpu.memory_space<vmem>>, vector<1x16xf32>,
        %swap3A_599 = vector.shape_cast %swap3A_598 : vector<1x16xf32> to vector<16xf32>
        %swap3A_600 = vector.shape_cast %add3A_595 : vector<16xf32> to vector<1x16xf32>
        tpu.vector_store %arg9[%swap3A_596, %swap3A_597], %swap3A_600 {add = true, strides = array<i32>} : memref<32x768xf32, #tpu.memory_space<vmem>>, vector<1x16xf32>,
        %get3A_601 = arith.index_cast %scan3A_376 : i32 to index
        %get3A_602 = arith.constant 256 : index
        %get3A_603 = tpu.vector_load %arg11[%get3A_601, %get3A_602] {strides = array<i32>} : memref<32x768xf32, #tpu.memory_space<vmem>>, vector<1x16xf32>,
        %get3A_604 = vector.shape_cast %get3A_603 : vector<1x16xf32> to vector<16xf32>
        %get3A_605 = arith.index_cast %scan3A_376 : i32 to index
        %get3A_606 = arith.constant 256 : index
        %get3A_607 = tpu.vector_load %arg13[%get3A_605, %get3A_606] {strides = array<i32>} : memref<32x768xf32, #tpu.memory_space<vmem>>, vector<1x16xf32>,
        %get3A_608 = vector.shape_cast %get3A_607 : vector<1x16xf32> to vector<16xf32>
        %add3A_609 = arith.addf %get3A_604, %get3A_608 : vector<16xf32>
        %swap3A_610 = arith.index_cast %scan3A_376 : i32 to index
        %swap3A_611 = arith.constant 256 : index
        %swap3A_612 = tpu.vector_load %arg9[%swap3A_610, %swap3A_611] {strides = array<i32>} : memref<32x768xf32, #tpu.memory_space<vmem>>, vector<1x16xf32>,
        %swap3A_613 = vector.shape_cast %swap3A_612 : vector<1x16xf32> to vector<16xf32>
        %swap3A_614 = vector.shape_cast %add3A_609 : vector<16xf32> to vector<1x16xf32>
        tpu.vector_store %arg9[%swap3A_610, %swap3A_611], %swap3A_614 {add = true, strides = array<i32>} : memref<32x768xf32, #tpu.memory_space<vmem>>, vector<1x16xf32>,
        %get3A_615 = arith.index_cast %scan3A_376 : i32 to index
        %get3A_616 = arith.constant 272 : index
        %get3A_617 = tpu.vector_load %arg11[%get3A_615, %get3A_616] {strides = array<i32>} : memref<32x768xf32, #tpu.memory_space<vmem>>, vector<1x16xf32>,
        %get3A_618 = vector.shape_cast %get3A_617 : vector<1x16xf32> to vector<16xf32>
        %get3A_619 = arith.index_cast %scan3A_376 : i32 to index
        %get3A_620 = arith.constant 272 : index
        %get3A_621 = tpu.vector_load %arg13[%get3A_619, %get3A_620] {strides = array<i32>} : memref<32x768xf32, #tpu.memory_space<vmem>>, vector<1x16xf32>,
        %get3A_622 = vector.shape_cast %get3A_621 : vector<1x16xf32> to vector<16xf32>
        %add3A_623 = arith.addf %get3A_618, %get3A_622 : vector<16xf32>
        %swap3A_624 = arith.index_cast %scan3A_376 : i32 to index
        %swap3A_625 = arith.constant 272 : index
        %swap3A_626 = tpu.vector_load %arg9[%swap3A_624, %swap3A_625] {strides = array<i32>} : memref<32x768xf32, #tpu.memory_space<vmem>>, vector<1x16xf32>,
        %swap3A_627 = vector.shape_cast %swap3A_626 : vector<1x16xf32> to vector<16xf32>
        %swap3A_628 = vector.shape_cast %add3A_623 : vector<16xf32> to vector<1x16xf32>
        tpu.vector_store %arg9[%swap3A_624, %swap3A_625], %swap3A_628 {add = true, strides = array<i32>} : memref<32x768xf32, #tpu.memory_space<vmem>>, vector<1x16xf32>,
        %get3A_629 = arith.index_cast %scan3A_376 : i32 to index
        %get3A_630 = arith.constant 288 : index
        %get3A_631 = tpu.vector_load %arg11[%get3A_629, %get3A_630] {strides = array<i32>} : memref<32x768xf32, #tpu.memory_space<vmem>>, vector<1x16xf32>,
        %get3A_632 = vector.shape_cast %get3A_631 : vector<1x16xf32> to vector<16xf32>
        %get3A_633 = arith.index_cast %scan3A_376 : i32 to index
        %get3A_634 = arith.constant 288 : index
        %get3A_635 = tpu.vector_load %arg13[%get3A_633, %get3A_634] {strides = array<i32>} : memref<32x768xf32, #tpu.memory_space<vmem>>, vector<1x16xf32>,
        %get3A_636 = vector.shape_cast %get3A_635 : vector<1x16xf32> to vector<16xf32>
        %add3A_637 = arith.addf %get3A_632, %get3A_636 : vector<16xf32>
        %swap3A_638 = arith.index_cast %scan3A_376 : i32 to index
        %swap3A_639 = arith.constant 288 : index
        %swap3A_640 = tpu.vector_load %arg9[%swap3A_638, %swap3A_639] {strides = array<i32>} : memref<32x768xf32, #tpu.memory_space<vmem>>, vector<1x16xf32>,
        %swap3A_641 = vector.shape_cast %swap3A_640 : vector<1x16xf32> to vector<16xf32>
        %swap3A_642 = vector.shape_cast %add3A_637 : vector<16xf32> to vector<1x16xf32>
        tpu.vector_store %arg9[%swap3A_638, %swap3A_639], %swap3A_642 {add = true, strides = array<i32>} : memref<32x768xf32, #tpu.memory_space<vmem>>, vector<1x16xf32>,
        %get3A_643 = arith.index_cast %scan3A_376 : i32 to index
        %get3A_644 = arith.constant 304 : index
        %get3A_645 = tpu.vector_load %arg11[%get3A_643, %get3A_644] {strides = array<i32>} : memref<32x768xf32, #tpu.memory_space<vmem>>, vector<1x16xf32>,
        %get3A_646 = vector.shape_cast %get3A_645 : vector<1x16xf32> to vector<16xf32>
        %get3A_647 = arith.index_cast %scan3A_376 : i32 to index
        %get3A_648 = arith.constant 304 : index
        %get3A_649 = tpu.vector_load %arg13[%get3A_647, %get3A_648] {strides = array<i32>} : memref<32x768xf32, #tpu.memory_space<vmem>>, vector<1x16xf32>,
        %get3A_650 = vector.shape_cast %get3A_649 : vector<1x16xf32> to vector<16xf32>
        %add3A_651 = arith.addf %get3A_646, %get3A_650 : vector<16xf32>
        %swap3A_652 = arith.index_cast %scan3A_376 : i32 to index
        %swap3A_653 = arith.constant 304 : index
        %swap3A_654 = tpu.vector_load %arg9[%swap3A_652, %swap3A_653] {strides = array<i32>} : memref<32x768xf32, #tpu.memory_space<vmem>>, vector<1x16xf32>,
        %swap3A_655 = vector.shape_cast %swap3A_654 : vector<1x16xf32> to vector<16xf32>
        %swap3A_656 = vector.shape_cast %add3A_651 : vector<16xf32> to vector<1x16xf32>
        tpu.vector_store %arg9[%swap3A_652, %swap3A_653], %swap3A_656 {add = true, strides = array<i32>} : memref<32x768xf32, #tpu.memory_space<vmem>>, vector<1x16xf32>,
        %get3A_657 = arith.index_cast %scan3A_376 : i32 to index
        %get3A_658 = arith.constant 320 : index
        %get3A_659 = tpu.vector_load %arg11[%get3A_657, %get3A_658] {strides = array<i32>} : memref<32x768xf32, #tpu.memory_space<vmem>>, vector<1x16xf32>,
        %get3A_660 = vector.shape_cast %get3A_659 : vector<1x16xf32> to vector<16xf32>
        %get3A_661 = arith.index_cast %scan3A_376 : i32 to index
        %get3A_662 = arith.constant 320 : index
        %get3A_663 = tpu.vector_load %arg13[%get3A_661, %get3A_662] {strides = array<i32>} : memref<32x768xf32, #tpu.memory_space<vmem>>, vector<1x16xf32>,
        %get3A_664 = vector.shape_cast %get3A_663 : vector<1x16xf32> to vector<16xf32>
        %add3A_665 = arith.addf %get3A_660, %get3A_664 : vector<16xf32>
        %swap3A_666 = arith.index_cast %scan3A_376 : i32 to index
        %swap3A_667 = arith.constant 320 : index
        %swap3A_668 = tpu.vector_load %arg9[%swap3A_666, %swap3A_667] {strides = array<i32>} : memref<32x768xf32, #tpu.memory_space<vmem>>, vector<1x16xf32>,
        %swap3A_669 = vector.shape_cast %swap3A_668 : vector<1x16xf32> to vector<16xf32>
        %swap3A_670 = vector.shape_cast %add3A_665 : vector<16xf32> to vector<1x16xf32>
        tpu.vector_store %arg9[%swap3A_666, %swap3A_667], %swap3A_670 {add = true, strides = array<i32>} : memref<32x768xf32, #tpu.memory_space<vmem>>, vector<1x16xf32>,
        %get3A_671 = arith.index_cast %scan3A_376 : i32 to index
        %get3A_672 = arith.constant 336 : index
        %get3A_673 = tpu.vector_load %arg11[%get3A_671, %get3A_672] {strides = array<i32>} : memref<32x768xf32, #tpu.memory_space<vmem>>, vector<1x16xf32>,
        %get3A_674 = vector.shape_cast %get3A_673 : vector<1x16xf32> to vector<16xf32>
        %get3A_675 = arith.index_cast %scan3A_376 : i32 to index
        %get3A_676 = arith.constant 336 : index
        %get3A_677 = tpu.vector_load %arg13[%get3A_675, %get3A_676] {strides = array<i32>} : memref<32x768xf32, #tpu.memory_space<vmem>>, vector<1x16xf32>,
        %get3A_678 = vector.shape_cast %get3A_677 : vector<1x16xf32> to vector<16xf32>
        %add3A_679 = arith.addf %get3A_674, %get3A_678 : vector<16xf32>
        %swap3A_680 = arith.index_cast %scan3A_376 : i32 to index
        %swap3A_681 = arith.constant 336 : index
        %swap3A_682 = tpu.vector_load %arg9[%swap3A_680, %swap3A_681] {strides = array<i32>} : memref<32x768xf32, #tpu.memory_space<vmem>>, vector<1x16xf32>,
        %swap3A_683 = vector.shape_cast %swap3A_682 : vector<1x16xf32> to vector<16xf32>
        %swap3A_684 = vector.shape_cast %add3A_679 : vector<16xf32> to vector<1x16xf32>
        tpu.vector_store %arg9[%swap3A_680, %swap3A_681], %swap3A_684 {add = true, strides = array<i32>} : memref<32x768xf32, #tpu.memory_space<vmem>>, vector<1x16xf32>,
        %get3A_685 = arith.index_cast %scan3A_376 : i32 to index
        %get3A_686 = arith.constant 352 : index
        %get3A_687 = tpu.vector_load %arg11[%get3A_685, %get3A_686] {strides = array<i32>} : memref<32x768xf32, #tpu.memory_space<vmem>>, vector<1x16xf32>,
        %get3A_688 = vector.shape_cast %get3A_687 : vector<1x16xf32> to vector<16xf32>
        %get3A_689 = arith.index_cast %scan3A_376 : i32 to index
        %get3A_690 = arith.constant 352 : index
        %get3A_691 = tpu.vector_load %arg13[%get3A_689, %get3A_690] {strides = array<i32>} : memref<32x768xf32, #tpu.memory_space<vmem>>, vector<1x16xf32>,
        %get3A_692 = vector.shape_cast %get3A_691 : vector<1x16xf32> to vector<16xf32>
        %add3A_693 = arith.addf %get3A_688, %get3A_692 : vector<16xf32>
        %swap3A_694 = arith.index_cast %scan3A_376 : i32 to index
        %swap3A_695 = arith.constant 352 : index
        %swap3A_696 = tpu.vector_load %arg9[%swap3A_694, %swap3A_695] {strides = array<i32>} : memref<32x768xf32, #tpu.memory_space<vmem>>, vector<1x16xf32>,
        %swap3A_697 = vector.shape_cast %swap3A_696 : vector<1x16xf32> to vector<16xf32>
        %swap3A_698 = vector.shape_cast %add3A_693 : vector<16xf32> to vector<1x16xf32>
        tpu.vector_store %arg9[%swap3A_694, %swap3A_695], %swap3A_698 {add = true, strides = array<i32>} : memref<32x768xf32, #tpu.memory_space<vmem>>, vector<1x16xf32>,
        %get3A_699 = arith.index_cast %scan3A_376 : i32 to index
        %get3A_700 = arith.constant 368 : index
        %get3A_701 = tpu.vector_load %arg11[%get3A_699, %get3A_700] {strides = array<i32>} : memref<32x768xf32, #tpu.memory_space<vmem>>, vector<1x16xf32>,
        %get3A_702 = vector.shape_cast %get3A_701 : vector<1x16xf32> to vector<16xf32>
        %get3A_703 = arith.index_cast %scan3A_376 : i32 to index
        %get3A_704 = arith.constant 368 : index
        %get3A_705 = tpu.vector_load %arg13[%get3A_703, %get3A_704] {strides = array<i32>} : memref<32x768xf32, #tpu.memory_space<vmem>>, vector<1x16xf32>,
        %get3A_706 = vector.shape_cast %get3A_705 : vector<1x16xf32> to vector<16xf32>
        %add3A_707 = arith.addf %get3A_702, %get3A_706 : vector<16xf32>
        %swap3A_708 = arith.index_cast %scan3A_376 : i32 to index
        %swap3A_709 = arith.constant 368 : index
        %swap3A_710 = tpu.vector_load %arg9[%swap3A_708, %swap3A_709] {strides = array<i32>} : memref<32x768xf32, #tpu.memory_space<vmem>>, vector<1x16xf32>,
        %swap3A_711 = vector.shape_cast %swap3A_710 : vector<1x16xf32> to vector<16xf32>
        %swap3A_712 = vector.shape_cast %add3A_707 : vector<16xf32> to vector<1x16xf32>
        tpu.vector_store %arg9[%swap3A_708, %swap3A_709], %swap3A_712 {add = true, strides = array<i32>} : memref<32x768xf32, #tpu.memory_space<vmem>>, vector<1x16xf32>,
        %get3A_713 = arith.index_cast %scan3A_376 : i32 to index
        %get3A_714 = arith.constant 384 : index
        %get3A_715 = tpu.vector_load %arg11[%get3A_713, %get3A_714] {strides = array<i32>} : memref<32x768xf32, #tpu.memory_space<vmem>>, vector<1x16xf32>,
        %get3A_716 = vector.shape_cast %get3A_715 : vector<1x16xf32> to vector<16xf32>
        %get3A_717 = arith.index_cast %scan3A_376 : i32 to index
        %get3A_718 = arith.constant 384 : index
        %get3A_719 = tpu.vector_load %arg13[%get3A_717, %get3A_718] {strides = array<i32>} : memref<32x768xf32, #tpu.memory_space<vmem>>, vector<1x16xf32>,
        %get3A_720 = vector.shape_cast %get3A_719 : vector<1x16xf32> to vector<16xf32>
        %add3A_721 = arith.addf %get3A_716, %get3A_720 : vector<16xf32>
        %swap3A_722 = arith.index_cast %scan3A_376 : i32 to index
        %swap3A_723 = arith.constant 384 : index
        %swap3A_724 = tpu.vector_load %arg9[%swap3A_722, %swap3A_723] {strides = array<i32>} : memref<32x768xf32, #tpu.memory_space<vmem>>, vector<1x16xf32>,
        %swap3A_725 = vector.shape_cast %swap3A_724 : vector<1x16xf32> to vector<16xf32>
        %swap3A_726 = vector.shape_cast %add3A_721 : vector<16xf32> to vector<1x16xf32>
        tpu.vector_store %arg9[%swap3A_722, %swap3A_723], %swap3A_726 {add = true, strides = array<i32>} : memref<32x768xf32, #tpu.memory_space<vmem>>, vector<1x16xf32>,
        %get3A_727 = arith.index_cast %scan3A_376 : i32 to index
        %get3A_728 = arith.constant 400 : index
        %get3A_729 = tpu.vector_load %arg11[%get3A_727, %get3A_728] {strides = array<i32>} : memref<32x768xf32, #tpu.memory_space<vmem>>, vector<1x16xf32>,
        %get3A_730 = vector.shape_cast %get3A_729 : vector<1x16xf32> to vector<16xf32>
        %get3A_731 = arith.index_cast %scan3A_376 : i32 to index
        %get3A_732 = arith.constant 400 : index
        %get3A_733 = tpu.vector_load %arg13[%get3A_731, %get3A_732] {strides = array<i32>} : memref<32x768xf32, #tpu.memory_space<vmem>>, vector<1x16xf32>,
        %get3A_734 = vector.shape_cast %get3A_733 : vector<1x16xf32> to vector<16xf32>
        %add3A_735 = arith.addf %get3A_730, %get3A_734 : vector<16xf32>
        %swap3A_736 = arith.index_cast %scan3A_376 : i32 to index
        %swap3A_737 = arith.constant 400 : index
        %swap3A_738 = tpu.vector_load %arg9[%swap3A_736, %swap3A_737] {strides = array<i32>} : memref<32x768xf32, #tpu.memory_space<vmem>>, vector<1x16xf32>,
        %swap3A_739 = vector.shape_cast %swap3A_738 : vector<1x16xf32> to vector<16xf32>
        %swap3A_740 = vector.shape_cast %add3A_735 : vector<16xf32> to vector<1x16xf32>
        tpu.vector_store %arg9[%swap3A_736, %swap3A_737], %swap3A_740 {add = true, strides = array<i32>} : memref<32x768xf32, #tpu.memory_space<vmem>>, vector<1x16xf32>,
        %get3A_741 = arith.index_cast %scan3A_376 : i32 to index
        %get3A_742 = arith.constant 416 : index
        %get3A_743 = tpu.vector_load %arg11[%get3A_741, %get3A_742] {strides = array<i32>} : memref<32x768xf32, #tpu.memory_space<vmem>>, vector<1x16xf32>,
        %get3A_744 = vector.shape_cast %get3A_743 : vector<1x16xf32> to vector<16xf32>
        %get3A_745 = arith.index_cast %scan3A_376 : i32 to index
        %get3A_746 = arith.constant 416 : index
        %get3A_747 = tpu.vector_load %arg13[%get3A_745, %get3A_746] {strides = array<i32>} : memref<32x768xf32, #tpu.memory_space<vmem>>, vector<1x16xf32>,
        %get3A_748 = vector.shape_cast %get3A_747 : vector<1x16xf32> to vector<16xf32>
        %add3A_749 = arith.addf %get3A_744, %get3A_748 : vector<16xf32>
        %swap3A_750 = arith.index_cast %scan3A_376 : i32 to index
        %swap3A_751 = arith.constant 416 : index
        %swap3A_752 = tpu.vector_load %arg9[%swap3A_750, %swap3A_751] {strides = array<i32>} : memref<32x768xf32, #tpu.memory_space<vmem>>, vector<1x16xf32>,
        %swap3A_753 = vector.shape_cast %swap3A_752 : vector<1x16xf32> to vector<16xf32>
        %swap3A_754 = vector.shape_cast %add3A_749 : vector<16xf32> to vector<1x16xf32>
        tpu.vector_store %arg9[%swap3A_750, %swap3A_751], %swap3A_754 {add = true, strides = array<i32>} : memref<32x768xf32, #tpu.memory_space<vmem>>, vector<1x16xf32>,
        %get3A_755 = arith.index_cast %scan3A_376 : i32 to index
        %get3A_756 = arith.constant 432 : index
        %get3A_757 = tpu.vector_load %arg11[%get3A_755, %get3A_756] {strides = array<i32>} : memref<32x768xf32, #tpu.memory_space<vmem>>, vector<1x16xf32>,
        %get3A_758 = vector.shape_cast %get3A_757 : vector<1x16xf32> to vector<16xf32>
        %get3A_759 = arith.index_cast %scan3A_376 : i32 to index
        %get3A_760 = arith.constant 432 : index
        %get3A_761 = tpu.vector_load %arg13[%get3A_759, %get3A_760] {strides = array<i32>} : memref<32x768xf32, #tpu.memory_space<vmem>>, vector<1x16xf32>,
        %get3A_762 = vector.shape_cast %get3A_761 : vector<1x16xf32> to vector<16xf32>
        %add3A_763 = arith.addf %get3A_758, %get3A_762 : vector<16xf32>
        %swap3A_764 = arith.index_cast %scan3A_376 : i32 to index
        %swap3A_765 = arith.constant 432 : index
        %swap3A_766 = tpu.vector_load %arg9[%swap3A_764, %swap3A_765] {strides = array<i32>} : memref<32x768xf32, #tpu.memory_space<vmem>>, vector<1x16xf32>,
        %swap3A_767 = vector.shape_cast %swap3A_766 : vector<1x16xf32> to vector<16xf32>
        %swap3A_768 = vector.shape_cast %add3A_763 : vector<16xf32> to vector<1x16xf32>
        tpu.vector_store %arg9[%swap3A_764, %swap3A_765], %swap3A_768 {add = true, strides = array<i32>} : memref<32x768xf32, #tpu.memory_space<vmem>>, vector<1x16xf32>,
        %get3A_769 = arith.index_cast %scan3A_376 : i32 to index
        %get3A_770 = arith.constant 448 : index
        %get3A_771 = tpu.vector_load %arg11[%get3A_769, %get3A_770] {strides = array<i32>} : memref<32x768xf32, #tpu.memory_space<vmem>>, vector<1x16xf32>,
        %get3A_772 = vector.shape_cast %get3A_771 : vector<1x16xf32> to vector<16xf32>
        %get3A_773 = arith.index_cast %scan3A_376 : i32 to index
        %get3A_774 = arith.constant 448 : index
        %get3A_775 = tpu.vector_load %arg13[%get3A_773, %get3A_774] {strides = array<i32>} : memref<32x768xf32, #tpu.memory_space<vmem>>, vector<1x16xf32>,
        %get3A_776 = vector.shape_cast %get3A_775 : vector<1x16xf32> to vector<16xf32>
        %add3A_777 = arith.addf %get3A_772, %get3A_776 : vector<16xf32>
        %swap3A_778 = arith.index_cast %scan3A_376 : i32 to index
        %swap3A_779 = arith.constant 448 : index
        %swap3A_780 = tpu.vector_load %arg9[%swap3A_778, %swap3A_779] {strides = array<i32>} : memref<32x768xf32, #tpu.memory_space<vmem>>, vector<1x16xf32>,
        %swap3A_781 = vector.shape_cast %swap3A_780 : vector<1x16xf32> to vector<16xf32>
        %swap3A_782 = vector.shape_cast %add3A_777 : vector<16xf32> to vector<1x16xf32>
        tpu.vector_store %arg9[%swap3A_778, %swap3A_779], %swap3A_782 {add = true, strides = array<i32>} : memref<32x768xf32, #tpu.memory_space<vmem>>, vector<1x16xf32>,
        %get3A_783 = arith.index_cast %scan3A_376 : i32 to index
        %get3A_784 = arith.constant 464 : index
        %get3A_785 = tpu.vector_load %arg11[%get3A_783, %get3A_784] {strides = array<i32>} : memref<32x768xf32, #tpu.memory_space<vmem>>, vector<1x16xf32>,
        %get3A_786 = vector.shape_cast %get3A_785 : vector<1x16xf32> to vector<16xf32>
        %get3A_787 = arith.index_cast %scan3A_376 : i32 to index
        %get3A_788 = arith.constant 464 : index
        %get3A_789 = tpu.vector_load %arg13[%get3A_787, %get3A_788] {strides = array<i32>} : memref<32x768xf32, #tpu.memory_space<vmem>>, vector<1x16xf32>,
        %get3A_790 = vector.shape_cast %get3A_789 : vector<1x16xf32> to vector<16xf32>
        %add3A_791 = arith.addf %get3A_786, %get3A_790 : vector<16xf32>
        %swap3A_792 = arith.index_cast %scan3A_376 : i32 to index
        %swap3A_793 = arith.constant 464 : index
        %swap3A_794 = tpu.vector_load %arg9[%swap3A_792, %swap3A_793] {strides = array<i32>} : memref<32x768xf32, #tpu.memory_space<vmem>>, vector<1x16xf32>,
        %swap3A_795 = vector.shape_cast %swap3A_794 : vector<1x16xf32> to vector<16xf32>
        %swap3A_796 = vector.shape_cast %add3A_791 : vector<16xf32> to vector<1x16xf32>
        tpu.vector_store %arg9[%swap3A_792, %swap3A_793], %swap3A_796 {add = true, strides = array<i32>} : memref<32x768xf32, #tpu.memory_space<vmem>>, vector<1x16xf32>,
        %get3A_797 = arith.index_cast %scan3A_376 : i32 to index
        %get3A_798 = arith.constant 480 : index
        %get3A_799 = tpu.vector_load %arg11[%get3A_797, %get3A_798] {strides = array<i32>} : memref<32x768xf32, #tpu.memory_space<vmem>>, vector<1x16xf32>,
        %get3A_800 = vector.shape_cast %get3A_799 : vector<1x16xf32> to vector<16xf32>
        %get3A_801 = arith.index_cast %scan3A_376 : i32 to index
        %get3A_802 = arith.constant 480 : index
        %get3A_803 = tpu.vector_load %arg13[%get3A_801, %get3A_802] {strides = array<i32>} : memref<32x768xf32, #tpu.memory_space<vmem>>, vector<1x16xf32>,
        %get3A_804 = vector.shape_cast %get3A_803 : vector<1x16xf32> to vector<16xf32>
        %add3A_805 = arith.addf %get3A_800, %get3A_804 : vector<16xf32>
        %swap3A_806 = arith.index_cast %scan3A_376 : i32 to index
        %swap3A_807 = arith.constant 480 : index
        %swap3A_808 = tpu.vector_load %arg9[%swap3A_806, %swap3A_807] {strides = array<i32>} : memref<32x768xf32, #tpu.memory_space<vmem>>, vector<1x16xf32>,
        %swap3A_809 = vector.shape_cast %swap3A_808 : vector<1x16xf32> to vector<16xf32>
        %swap3A_810 = vector.shape_cast %add3A_805 : vector<16xf32> to vector<1x16xf32>
        tpu.vector_store %arg9[%swap3A_806, %swap3A_807], %swap3A_810 {add = true, strides = array<i32>} : memref<32x768xf32, #tpu.memory_space<vmem>>, vector<1x16xf32>,
        %get3A_811 = arith.index_cast %scan3A_376 : i32 to index
        %get3A_812 = arith.constant 496 : index
        %get3A_813 = tpu.vector_load %arg11[%get3A_811, %get3A_812] {strides = array<i32>} : memref<32x768xf32, #tpu.memory_space<vmem>>, vector<1x16xf32>,
        %get3A_814 = vector.shape_cast %get3A_813 : vector<1x16xf32> to vector<16xf32>
        %get3A_815 = arith.index_cast %scan3A_376 : i32 to index
        %get3A_816 = arith.constant 496 : index
        %get3A_817 = tpu.vector_load %arg13[%get3A_815, %get3A_816] {strides = array<i32>} : memref<32x768xf32, #tpu.memory_space<vmem>>, vector<1x16xf32>,
        %get3A_818 = vector.shape_cast %get3A_817 : vector<1x16xf32> to vector<16xf32>
        %add3A_819 = arith.addf %get3A_814, %get3A_818 : vector<16xf32>
        %swap3A_820 = arith.index_cast %scan3A_376 : i32 to index
        %swap3A_821 = arith.constant 496 : index
        %swap3A_822 = tpu.vector_load %arg9[%swap3A_820, %swap3A_821] {strides = array<i32>} : memref<32x768xf32, #tpu.memory_space<vmem>>, vector<1x16xf32>,
        %swap3A_823 = vector.shape_cast %swap3A_822 : vector<1x16xf32> to vector<16xf32>
        %swap3A_824 = vector.shape_cast %add3A_819 : vector<16xf32> to vector<1x16xf32>
        tpu.vector_store %arg9[%swap3A_820, %swap3A_821], %swap3A_824 {add = true, strides = array<i32>} : memref<32x768xf32, #tpu.memory_space<vmem>>, vector<1x16xf32>,
        %get3A_825 = arith.index_cast %scan3A_376 : i32 to index
        %get3A_826 = arith.constant 512 : index
        %get3A_827 = tpu.vector_load %arg11[%get3A_825, %get3A_826] {strides = array<i32>} : memref<32x768xf32, #tpu.memory_space<vmem>>, vector<1x16xf32>,
        %get3A_828 = vector.shape_cast %get3A_827 : vector<1x16xf32> to vector<16xf32>
        %get3A_829 = arith.index_cast %scan3A_376 : i32 to index
        %get3A_830 = arith.constant 512 : index
        %get3A_831 = tpu.vector_load %arg13[%get3A_829, %get3A_830] {strides = array<i32>} : memref<32x768xf32, #tpu.memory_space<vmem>>, vector<1x16xf32>,
        %get3A_832 = vector.shape_cast %get3A_831 : vector<1x16xf32> to vector<16xf32>
        %add3A_833 = arith.addf %get3A_828, %get3A_832 : vector<16xf32>
        %swap3A_834 = arith.index_cast %scan3A_376 : i32 to index
        %swap3A_835 = arith.constant 512 : index
        %swap3A_836 = tpu.vector_load %arg9[%swap3A_834, %swap3A_835] {strides = array<i32>} : memref<32x768xf32, #tpu.memory_space<vmem>>, vector<1x16xf32>,
        %swap3A_837 = vector.shape_cast %swap3A_836 : vector<1x16xf32> to vector<16xf32>
        %swap3A_838 = vector.shape_cast %add3A_833 : vector<16xf32> to vector<1x16xf32>
        tpu.vector_store %arg9[%swap3A_834, %swap3A_835], %swap3A_838 {add = true, strides = array<i32>} : memref<32x768xf32, #tpu.memory_space<vmem>>, vector<1x16xf32>,
        %get3A_839 = arith.index_cast %scan3A_376 : i32 to index
        %get3A_840 = arith.constant 528 : index
        %get3A_841 = tpu.vector_load %arg11[%get3A_839, %get3A_840] {strides = array<i32>} : memref<32x768xf32, #tpu.memory_space<vmem>>, vector<1x16xf32>,
        %get3A_842 = vector.shape_cast %get3A_841 : vector<1x16xf32> to vector<16xf32>
        %get3A_843 = arith.index_cast %scan3A_376 : i32 to index
        %get3A_844 = arith.constant 528 : index
        %get3A_845 = tpu.vector_load %arg13[%get3A_843, %get3A_844] {strides = array<i32>} : memref<32x768xf32, #tpu.memory_space<vmem>>, vector<1x16xf32>,
        %get3A_846 = vector.shape_cast %get3A_845 : vector<1x16xf32> to vector<16xf32>
        %add3A_847 = arith.addf %get3A_842, %get3A_846 : vector<16xf32>
        %swap3A_848 = arith.index_cast %scan3A_376 : i32 to index
        %swap3A_849 = arith.constant 528 : index
        %swap3A_850 = tpu.vector_load %arg9[%swap3A_848, %swap3A_849] {strides = array<i32>} : memref<32x768xf32, #tpu.memory_space<vmem>>, vector<1x16xf32>,
        %swap3A_851 = vector.shape_cast %swap3A_850 : vector<1x16xf32> to vector<16xf32>
        %swap3A_852 = vector.shape_cast %add3A_847 : vector<16xf32> to vector<1x16xf32>
        tpu.vector_store %arg9[%swap3A_848, %swap3A_849], %swap3A_852 {add = true, strides = array<i32>} : memref<32x768xf32, #tpu.memory_space<vmem>>, vector<1x16xf32>,
        %get3A_853 = arith.index_cast %scan3A_376 : i32 to index
        %get3A_854 = arith.constant 544 : index
        %get3A_855 = tpu.vector_load %arg11[%get3A_853, %get3A_854] {strides = array<i32>} : memref<32x768xf32, #tpu.memory_space<vmem>>, vector<1x16xf32>,
        %get3A_856 = vector.shape_cast %get3A_855 : vector<1x16xf32> to vector<16xf32>
        %get3A_857 = arith.index_cast %scan3A_376 : i32 to index
        %get3A_858 = arith.constant 544 : index
        %get3A_859 = tpu.vector_load %arg13[%get3A_857, %get3A_858] {strides = array<i32>} : memref<32x768xf32, #tpu.memory_space<vmem>>, vector<1x16xf32>,
        %get3A_860 = vector.shape_cast %get3A_859 : vector<1x16xf32> to vector<16xf32>
        %add3A_861 = arith.addf %get3A_856, %get3A_860 : vector<16xf32>
        %swap3A_862 = arith.index_cast %scan3A_376 : i32 to index
        %swap3A_863 = arith.constant 544 : index
        %swap3A_864 = tpu.vector_load %arg9[%swap3A_862, %swap3A_863] {strides = array<i32>} : memref<32x768xf32, #tpu.memory_space<vmem>>, vector<1x16xf32>,
        %swap3A_865 = vector.shape_cast %swap3A_864 : vector<1x16xf32> to vector<16xf32>
        %swap3A_866 = vector.shape_cast %add3A_861 : vector<16xf32> to vector<1x16xf32>
        tpu.vector_store %arg9[%swap3A_862, %swap3A_863], %swap3A_866 {add = true, strides = array<i32>} : memref<32x768xf32, #tpu.memory_space<vmem>>, vector<1x16xf32>,
        %get3A_867 = arith.index_cast %scan3A_376 : i32 to index
        %get3A_868 = arith.constant 560 : index
        %get3A_869 = tpu.vector_load %arg11[%get3A_867, %get3A_868] {strides = array<i32>} : memref<32x768xf32, #tpu.memory_space<vmem>>, vector<1x16xf32>,
        %get3A_870 = vector.shape_cast %get3A_869 : vector<1x16xf32> to vector<16xf32>
        %get3A_871 = arith.index_cast %scan3A_376 : i32 to index
        %get3A_872 = arith.constant 560 : index
        %get3A_873 = tpu.vector_load %arg13[%get3A_871, %get3A_872] {strides = array<i32>} : memref<32x768xf32, #tpu.memory_space<vmem>>, vector<1x16xf32>,
        %get3A_874 = vector.shape_cast %get3A_873 : vector<1x16xf32> to vector<16xf32>
        %add3A_875 = arith.addf %get3A_870, %get3A_874 : vector<16xf32>
        %swap3A_876 = arith.index_cast %scan3A_376 : i32 to index
        %swap3A_877 = arith.constant 560 : index
        %swap3A_878 = tpu.vector_load %arg9[%swap3A_876, %swap3A_877] {strides = array<i32>} : memref<32x768xf32, #tpu.memory_space<vmem>>, vector<1x16xf32>,
        %swap3A_879 = vector.shape_cast %swap3A_878 : vector<1x16xf32> to vector<16xf32>
        %swap3A_880 = vector.shape_cast %add3A_875 : vector<16xf32> to vector<1x16xf32>
        tpu.vector_store %arg9[%swap3A_876, %swap3A_877], %swap3A_880 {add = true, strides = array<i32>} : memref<32x768xf32, #tpu.memory_space<vmem>>, vector<1x16xf32>,
        %get3A_881 = arith.index_cast %scan3A_376 : i32 to index
        %get3A_882 = arith.constant 576 : index
        %get3A_883 = tpu.vector_load %arg11[%get3A_881, %get3A_882] {strides = array<i32>} : memref<32x768xf32, #tpu.memory_space<vmem>>, vector<1x16xf32>,
        %get3A_884 = vector.shape_cast %get3A_883 : vector<1x16xf32> to vector<16xf32>
        %get3A_885 = arith.index_cast %scan3A_376 : i32 to index
        %get3A_886 = arith.constant 576 : index
        %get3A_887 = tpu.vector_load %arg13[%get3A_885, %get3A_886] {strides = array<i32>} : memref<32x768xf32, #tpu.memory_space<vmem>>, vector<1x16xf32>,
        %get3A_888 = vector.shape_cast %get3A_887 : vector<1x16xf32> to vector<16xf32>
        %add3A_889 = arith.addf %get3A_884, %get3A_888 : vector<16xf32>
        %swap3A_890 = arith.index_cast %scan3A_376 : i32 to index
        %swap3A_891 = arith.constant 576 : index
        %swap3A_892 = tpu.vector_load %arg9[%swap3A_890, %swap3A_891] {strides = array<i32>} : memref<32x768xf32, #tpu.memory_space<vmem>>, vector<1x16xf32>,
        %swap3A_893 = vector.shape_cast %swap3A_892 : vector<1x16xf32> to vector<16xf32>
        %swap3A_894 = vector.shape_cast %add3A_889 : vector<16xf32> to vector<1x16xf32>
        tpu.vector_store %arg9[%swap3A_890, %swap3A_891], %swap3A_894 {add = true, strides = array<i32>} : memref<32x768xf32, #tpu.memory_space<vmem>>, vector<1x16xf32>,
        %get3A_895 = arith.index_cast %scan3A_376 : i32 to index
        %get3A_896 = arith.constant 592 : index
        %get3A_897 = tpu.vector_load %arg11[%get3A_895, %get3A_896] {strides = array<i32>} : memref<32x768xf32, #tpu.memory_space<vmem>>, vector<1x16xf32>,
        %get3A_898 = vector.shape_cast %get3A_897 : vector<1x16xf32> to vector<16xf32>
        %get3A_899 = arith.index_cast %scan3A_376 : i32 to index
        %get3A_900 = arith.constant 592 : index
        %get3A_901 = tpu.vector_load %arg13[%get3A_899, %get3A_900] {strides = array<i32>} : memref<32x768xf32, #tpu.memory_space<vmem>>, vector<1x16xf32>,
        %get3A_902 = vector.shape_cast %get3A_901 : vector<1x16xf32> to vector<16xf32>
        %add3A_903 = arith.addf %get3A_898, %get3A_902 : vector<16xf32>
        %swap3A_904 = arith.index_cast %scan3A_376 : i32 to index
        %swap3A_905 = arith.constant 592 : index
        %swap3A_906 = tpu.vector_load %arg9[%swap3A_904, %swap3A_905] {strides = array<i32>} : memref<32x768xf32, #tpu.memory_space<vmem>>, vector<1x16xf32>,
        %swap3A_907 = vector.shape_cast %swap3A_906 : vector<1x16xf32> to vector<16xf32>
        %swap3A_908 = vector.shape_cast %add3A_903 : vector<16xf32> to vector<1x16xf32>
        tpu.vector_store %arg9[%swap3A_904, %swap3A_905], %swap3A_908 {add = true, strides = array<i32>} : memref<32x768xf32, #tpu.memory_space<vmem>>, vector<1x16xf32>,
        %get3A_909 = arith.index_cast %scan3A_376 : i32 to index
        %get3A_910 = arith.constant 608 : index
        %get3A_911 = tpu.vector_load %arg11[%get3A_909, %get3A_910] {strides = array<i32>} : memref<32x768xf32, #tpu.memory_space<vmem>>, vector<1x16xf32>,
        %get3A_912 = vector.shape_cast %get3A_911 : vector<1x16xf32> to vector<16xf32>
        %get3A_913 = arith.index_cast %scan3A_376 : i32 to index
        %get3A_914 = arith.constant 608 : index
        %get3A_915 = tpu.vector_load %arg13[%get3A_913, %get3A_914] {strides = array<i32>} : memref<32x768xf32, #tpu.memory_space<vmem>>, vector<1x16xf32>,
        %get3A_916 = vector.shape_cast %get3A_915 : vector<1x16xf32> to vector<16xf32>
        %add3A_917 = arith.addf %get3A_912, %get3A_916 : vector<16xf32>
        %swap3A_918 = arith.index_cast %scan3A_376 : i32 to index
        %swap3A_919 = arith.constant 608 : index
        %swap3A_920 = tpu.vector_load %arg9[%swap3A_918, %swap3A_919] {strides = array<i32>} : memref<32x768xf32, #tpu.memory_space<vmem>>, vector<1x16xf32>,
        %swap3A_921 = vector.shape_cast %swap3A_920 : vector<1x16xf32> to vector<16xf32>
        %swap3A_922 = vector.shape_cast %add3A_917 : vector<16xf32> to vector<1x16xf32>
        tpu.vector_store %arg9[%swap3A_918, %swap3A_919], %swap3A_922 {add = true, strides = array<i32>} : memref<32x768xf32, #tpu.memory_space<vmem>>, vector<1x16xf32>,
        %get3A_923 = arith.index_cast %scan3A_376 : i32 to index
        %get3A_924 = arith.constant 624 : index
        %get3A_925 = tpu.vector_load %arg11[%get3A_923, %get3A_924] {strides = array<i32>} : memref<32x768xf32, #tpu.memory_space<vmem>>, vector<1x16xf32>,
        %get3A_926 = vector.shape_cast %get3A_925 : vector<1x16xf32> to vector<16xf32>
        %get3A_927 = arith.index_cast %scan3A_376 : i32 to index
        %get3A_928 = arith.constant 624 : index
        %get3A_929 = tpu.vector_load %arg13[%get3A_927, %get3A_928] {strides = array<i32>} : memref<32x768xf32, #tpu.memory_space<vmem>>, vector<1x16xf32>,
        %get3A_930 = vector.shape_cast %get3A_929 : vector<1x16xf32> to vector<16xf32>
        %add3A_931 = arith.addf %get3A_926, %get3A_930 : vector<16xf32>
        %swap3A_932 = arith.index_cast %scan3A_376 : i32 to index
        %swap3A_933 = arith.constant 624 : index
        %swap3A_934 = tpu.vector_load %arg9[%swap3A_932, %swap3A_933] {strides = array<i32>} : memref<32x768xf32, #tpu.memory_space<vmem>>, vector<1x16xf32>,
        %swap3A_935 = vector.shape_cast %swap3A_934 : vector<1x16xf32> to vector<16xf32>
        %swap3A_936 = vector.shape_cast %add3A_931 : vector<16xf32> to vector<1x16xf32>
        tpu.vector_store %arg9[%swap3A_932, %swap3A_933], %swap3A_936 {add = true, strides = array<i32>} : memref<32x768xf32, #tpu.memory_space<vmem>>, vector<1x16xf32>,
        %get3A_937 = arith.index_cast %scan3A_376 : i32 to index
        %get3A_938 = arith.constant 640 : index
        %get3A_939 = tpu.vector_load %arg11[%get3A_937, %get3A_938] {strides = array<i32>} : memref<32x768xf32, #tpu.memory_space<vmem>>, vector<1x16xf32>,
        %get3A_940 = vector.shape_cast %get3A_939 : vector<1x16xf32> to vector<16xf32>
        %get3A_941 = arith.index_cast %scan3A_376 : i32 to index
        %get3A_942 = arith.constant 640 : index
        %get3A_943 = tpu.vector_load %arg13[%get3A_941, %get3A_942] {strides = array<i32>} : memref<32x768xf32, #tpu.memory_space<vmem>>, vector<1x16xf32>,
        %get3A_944 = vector.shape_cast %get3A_943 : vector<1x16xf32> to vector<16xf32>
        %add3A_945 = arith.addf %get3A_940, %get3A_944 : vector<16xf32>
        %swap3A_946 = arith.index_cast %scan3A_376 : i32 to index
        %swap3A_947 = arith.constant 640 : index
        %swap3A_948 = tpu.vector_load %arg9[%swap3A_946, %swap3A_947] {strides = array<i32>} : memref<32x768xf32, #tpu.memory_space<vmem>>, vector<1x16xf32>,
        %swap3A_949 = vector.shape_cast %swap3A_948 : vector<1x16xf32> to vector<16xf32>
        %swap3A_950 = vector.shape_cast %add3A_945 : vector<16xf32> to vector<1x16xf32>
        tpu.vector_store %arg9[%swap3A_946, %swap3A_947], %swap3A_950 {add = true, strides = array<i32>} : memref<32x768xf32, #tpu.memory_space<vmem>>, vector<1x16xf32>,
        %get3A_951 = arith.index_cast %scan3A_376 : i32 to index
        %get3A_952 = arith.constant 656 : index
        %get3A_953 = tpu.vector_load %arg11[%get3A_951, %get3A_952] {strides = array<i32>} : memref<32x768xf32, #tpu.memory_space<vmem>>, vector<1x16xf32>,
        %get3A_954 = vector.shape_cast %get3A_953 : vector<1x16xf32> to vector<16xf32>
        %get3A_955 = arith.index_cast %scan3A_376 : i32 to index
        %get3A_956 = arith.constant 656 : index
        %get3A_957 = tpu.vector_load %arg13[%get3A_955, %get3A_956] {strides = array<i32>} : memref<32x768xf32, #tpu.memory_space<vmem>>, vector<1x16xf32>,
        %get3A_958 = vector.shape_cast %get3A_957 : vector<1x16xf32> to vector<16xf32>
        %add3A_959 = arith.addf %get3A_954, %get3A_958 : vector<16xf32>
        %swap3A_960 = arith.index_cast %scan3A_376 : i32 to index
        %swap3A_961 = arith.constant 656 : index
        %swap3A_962 = tpu.vector_load %arg9[%swap3A_960, %swap3A_961] {strides = array<i32>} : memref<32x768xf32, #tpu.memory_space<vmem>>, vector<1x16xf32>,
        %swap3A_963 = vector.shape_cast %swap3A_962 : vector<1x16xf32> to vector<16xf32>
        %swap3A_964 = vector.shape_cast %add3A_959 : vector<16xf32> to vector<1x16xf32>
        tpu.vector_store %arg9[%swap3A_960, %swap3A_961], %swap3A_964 {add = true, strides = array<i32>} : memref<32x768xf32, #tpu.memory_space<vmem>>, vector<1x16xf32>,
        %get3A_965 = arith.index_cast %scan3A_376 : i32 to index
        %get3A_966 = arith.constant 672 : index
        %get3A_967 = tpu.vector_load %arg11[%get3A_965, %get3A_966] {strides = array<i32>} : memref<32x768xf32, #tpu.memory_space<vmem>>, vector<1x16xf32>,
        %get3A_968 = vector.shape_cast %get3A_967 : vector<1x16xf32> to vector<16xf32>
        %get3A_969 = arith.index_cast %scan3A_376 : i32 to index
        %get3A_970 = arith.constant 672 : index
        %get3A_971 = tpu.vector_load %arg13[%get3A_969, %get3A_970] {strides = array<i32>} : memref<32x768xf32, #tpu.memory_space<vmem>>, vector<1x16xf32>,
        %get3A_972 = vector.shape_cast %get3A_971 : vector<1x16xf32> to vector<16xf32>
        %add3A_973 = arith.addf %get3A_968, %get3A_972 : vector<16xf32>
        %swap3A_974 = arith.index_cast %scan3A_376 : i32 to index
        %swap3A_975 = arith.constant 672 : index
        %swap3A_976 = tpu.vector_load %arg9[%swap3A_974, %swap3A_975] {strides = array<i32>} : memref<32x768xf32, #tpu.memory_space<vmem>>, vector<1x16xf32>,
        %swap3A_977 = vector.shape_cast %swap3A_976 : vector<1x16xf32> to vector<16xf32>
        %swap3A_978 = vector.shape_cast %add3A_973 : vector<16xf32> to vector<1x16xf32>
        tpu.vector_store %arg9[%swap3A_974, %swap3A_975], %swap3A_978 {add = true, strides = array<i32>} : memref<32x768xf32, #tpu.memory_space<vmem>>, vector<1x16xf32>,
        %get3A_979 = arith.index_cast %scan3A_376 : i32 to index
        %get3A_980 = arith.constant 688 : index
        %get3A_981 = tpu.vector_load %arg11[%get3A_979, %get3A_980] {strides = array<i32>} : memref<32x768xf32, #tpu.memory_space<vmem>>, vector<1x16xf32>,
        %get3A_982 = vector.shape_cast %get3A_981 : vector<1x16xf32> to vector<16xf32>
        %get3A_983 = arith.index_cast %scan3A_376 : i32 to index
        %get3A_984 = arith.constant 688 : index
        %get3A_985 = tpu.vector_load %arg13[%get3A_983, %get3A_984] {strides = array<i32>} : memref<32x768xf32, #tpu.memory_space<vmem>>, vector<1x16xf32>,
        %get3A_986 = vector.shape_cast %get3A_985 : vector<1x16xf32> to vector<16xf32>
        %add3A_987 = arith.addf %get3A_982, %get3A_986 : vector<16xf32>
        %swap3A_988 = arith.index_cast %scan3A_376 : i32 to index
        %swap3A_989 = arith.constant 688 : index
        %swap3A_990 = tpu.vector_load %arg9[%swap3A_988, %swap3A_989] {strides = array<i32>} : memref<32x768xf32, #tpu.memory_space<vmem>>, vector<1x16xf32>,
        %swap3A_991 = vector.shape_cast %swap3A_990 : vector<1x16xf32> to vector<16xf32>
        %swap3A_992 = vector.shape_cast %add3A_987 : vector<16xf32> to vector<1x16xf32>
        tpu.vector_store %arg9[%swap3A_988, %swap3A_989], %swap3A_992 {add = true, strides = array<i32>} : memref<32x768xf32, #tpu.memory_space<vmem>>, vector<1x16xf32>,
        %get3A_993 = arith.index_cast %scan3A_376 : i32 to index
        %get3A_994 = arith.constant 704 : index
        %get3A_995 = tpu.vector_load %arg11[%get3A_993, %get3A_994] {strides = array<i32>} : memref<32x768xf32, #tpu.memory_space<vmem>>, vector<1x16xf32>,
        %get3A_996 = vector.shape_cast %get3A_995 : vector<1x16xf32> to vector<16xf32>
        %get3A_997 = arith.index_cast %scan3A_376 : i32 to index
        %get3A_998 = arith.constant 704 : index
        %get3A_999 = tpu.vector_load %arg13[%get3A_997, %get3A_998] {strides = array<i32>} : memref<32x768xf32, #tpu.memory_space<vmem>>, vector<1x16xf32>,
        %get3A_1000 = vector.shape_cast %get3A_999 : vector<1x16xf32> to vector<16xf32>
        %add3A_1001 = arith.addf %get3A_996, %get3A_1000 : vector<16xf32>
        %swap3A_1002 = arith.index_cast %scan3A_376 : i32 to index
        %swap3A_1003 = arith.constant 704 : index
        %swap3A_1004 = tpu.vector_load %arg9[%swap3A_1002, %swap3A_1003] {strides = array<i32>} : memref<32x768xf32, #tpu.memory_space<vmem>>, vector<1x16xf32>,
        %swap3A_1005 = vector.shape_cast %swap3A_1004 : vector<1x16xf32> to vector<16xf32>
        %swap3A_1006 = vector.shape_cast %add3A_1001 : vector<16xf32> to vector<1x16xf32>
        tpu.vector_store %arg9[%swap3A_1002, %swap3A_1003], %swap3A_1006 {add = true, strides = array<i32>} : memref<32x768xf32, #tpu.memory_space<vmem>>, vector<1x16xf32>,
        %get3A_1007 = arith.index_cast %scan3A_376 : i32 to index
        %get3A_1008 = arith.constant 720 : index
        %get3A_1009 = tpu.vector_load %arg11[%get3A_1007, %get3A_1008] {strides = array<i32>} : memref<32x768xf32, #tpu.memory_space<vmem>>, vector<1x16xf32>,
        %get3A_1010 = vector.shape_cast %get3A_1009 : vector<1x16xf32> to vector<16xf32>
        %get3A_1011 = arith.index_cast %scan3A_376 : i32 to index
        %get3A_1012 = arith.constant 720 : index
        %get3A_1013 = tpu.vector_load %arg13[%get3A_1011, %get3A_1012] {strides = array<i32>} : memref<32x768xf32, #tpu.memory_space<vmem>>, vector<1x16xf32>,
        %get3A_1014 = vector.shape_cast %get3A_1013 : vector<1x16xf32> to vector<16xf32>
        %add3A_1015 = arith.addf %get3A_1010, %get3A_1014 : vector<16xf32>
        %swap3A_1016 = arith.index_cast %scan3A_376 : i32 to index
        %swap3A_1017 = arith.constant 720 : index
        %swap3A_1018 = tpu.vector_load %arg9[%swap3A_1016, %swap3A_1017] {strides = array<i32>} : memref<32x768xf32, #tpu.memory_space<vmem>>, vector<1x16xf32>,
        %swap3A_1019 = vector.shape_cast %swap3A_1018 : vector<1x16xf32> to vector<16xf32>
        %swap3A_1020 = vector.shape_cast %add3A_1015 : vector<16xf32> to vector<1x16xf32>
        tpu.vector_store %arg9[%swap3A_1016, %swap3A_1017], %swap3A_1020 {add = true, strides = array<i32>} : memref<32x768xf32, #tpu.memory_space<vmem>>, vector<1x16xf32>,
        %get3A_1021 = arith.index_cast %scan3A_376 : i32 to index
        %get3A_1022 = arith.constant 736 : index
        %get3A_1023 = tpu.vector_load %arg11[%get3A_1021, %get3A_1022] {strides = array<i32>} : memref<32x768xf32, #tpu.memory_space<vmem>>, vector<1x16xf32>,
        %get3A_1024 = vector.shape_cast %get3A_1023 : vector<1x16xf32> to vector<16xf32>
        %get3A_1025 = arith.index_cast %scan3A_376 : i32 to index
        %get3A_1026 = arith.constant 736 : index
        %get3A_1027 = tpu.vector_load %arg13[%get3A_1025, %get3A_1026] {strides = array<i32>} : memref<32x768xf32, #tpu.memory_space<vmem>>, vector<1x16xf32>,
        %get3A_1028 = vector.shape_cast %get3A_1027 : vector<1x16xf32> to vector<16xf32>
        %add3A_1029 = arith.addf %get3A_1024, %get3A_1028 : vector<16xf32>
        %swap3A_1030 = arith.index_cast %scan3A_376 : i32 to index
        %swap3A_1031 = arith.constant 736 : index
        %swap3A_1032 = tpu.vector_load %arg9[%swap3A_1030, %swap3A_1031] {strides = array<i32>} : memref<32x768xf32, #tpu.memory_space<vmem>>, vector<1x16xf32>,
        %swap3A_1033 = vector.shape_cast %swap3A_1032 : vector<1x16xf32> to vector<16xf32>
        %swap3A_1034 = vector.shape_cast %add3A_1029 : vector<16xf32> to vector<1x16xf32>
        tpu.vector_store %arg9[%swap3A_1030, %swap3A_1031], %swap3A_1034 {add = true, strides = array<i32>} : memref<32x768xf32, #tpu.memory_space<vmem>>, vector<1x16xf32>,
        %get3A_1035 = arith.index_cast %scan3A_376 : i32 to index
        %get3A_1036 = arith.constant 752 : index
        %get3A_1037 = tpu.vector_load %arg11[%get3A_1035, %get3A_1036] {strides = array<i32>} : memref<32x768xf32, #tpu.memory_space<vmem>>, vector<1x16xf32>,
        %get3A_1038 = vector.shape_cast %get3A_1037 : vector<1x16xf32> to vector<16xf32>
        %get3A_1039 = arith.index_cast %scan3A_376 : i32 to index
        %get3A_1040 = arith.constant 752 : index
        %get3A_1041 = tpu.vector_load %arg13[%get3A_1039, %get3A_1040] {strides = array<i32>} : memref<32x768xf32, #tpu.memory_space<vmem>>, vector<1x16xf32>,
        %get3A_1042 = vector.shape_cast %get3A_1041 : vector<1x16xf32> to vector<16xf32>
        %add3A_1043 = arith.addf %get3A_1038, %get3A_1042 : vector<16xf32>
        %swap3A_1044 = arith.index_cast %scan3A_376 : i32 to index
        %swap3A_1045 = arith.constant 752 : index
        %swap3A_1046 = tpu.vector_load %arg9[%swap3A_1044, %swap3A_1045] {strides = array<i32>} : memref<32x768xf32, #tpu.memory_space<vmem>>, vector<1x16xf32>,
        %swap3A_1047 = vector.shape_cast %swap3A_1046 : vector<1x16xf32> to vector<16xf32>
        %swap3A_1048 = vector.shape_cast %add3A_1043 : vector<16xf32> to vector<1x16xf32>
        tpu.vector_store %arg9[%swap3A_1044, %swap3A_1045], %swap3A_1048 {add = true, strides = array<i32>} : memref<32x768xf32, #tpu.memory_space<vmem>>, vector<1x16xf32>,
      }
      %scan3A_222 = arith.constant 32 : i32
      %jit3A_223 = arith.constant 4 : i32
      %eq3A_224 = arith.constant 0 : i32
      %eq3A_225 = arith.cmpi eq, %jit3A_223, %eq3A_224 : i32
      %jit3A_226 = arith.constant 1 : i32
      %select_n3A_227 = arith.select %eq3A_225, %jit3A_226, %jit3A_223 : i32
      %rem3A_228 = arith.remsi %mul3A_62, %select_n3A_227 : i32
      %ne3A_229 = arith.constant 0 : i32
      %ne3A_230 = arith.cmpi ne, %rem3A_228, %ne3A_229 : i32
      %lt3A_231 = arith.constant 0 : i32
      %lt3A_232 = arith.cmpi slt, %rem3A_228, %lt3A_231 : i32
      %lt3A_233 = arith.constant 0 : i32
      %lt3A_234 = arith.cmpi slt, %select_n3A_227, %lt3A_233 : i32
      %ne3A_235 = arith.xori %lt3A_232, %lt3A_234 : i1
      %and3A_236 = arith.andi %ne3A_235, %ne3A_230 : i1
      %add3A_237 = arith.addi %rem3A_228, %select_n3A_227 : i32
      %select_n3A_238 = arith.select %and3A_236, %add3A_237, %rem3A_228 : i32
      %jit3A_239 = arith.constant 4 : i32
      %div3A_240 = arith.divsi %mul3A_62, %jit3A_239 : i32
      %sign3A_241 = arith.constant 0 : i32
      %sign3A_242 = arith.cmpi sgt, %mul3A_62, %sign3A_241 : i32
      %sign3A_243 = arith.extui %sign3A_242 : i1 to i32
      %sign3A_244 = arith.constant 0 : i32
      %sign3A_245 = arith.cmpi slt, %mul3A_62, %sign3A_244 : i32
      %sign3A_246 = arith.extui %sign3A_245 : i1 to i32
      %sign3A_247 = arith.subi %sign3A_243, %sign3A_246 : i32
      %sign3A_248 = arith.constant 0 : i32
      %sign3A_249 = arith.cmpi sgt, %jit3A_239, %sign3A_248 : i32
      %sign3A_250 = arith.extui %sign3A_249 : i1 to i32
      %sign3A_251 = arith.constant 0 : i32
      %sign3A_252 = arith.cmpi slt, %jit3A_239, %sign3A_251 : i32
      %sign3A_253 = arith.extui %sign3A_252 : i1 to i32
      %sign3A_254 = arith.subi %sign3A_250, %sign3A_253 : i32
      %ne3A_255 = arith.cmpi ne, %sign3A_247, %sign3A_254 : i32
      %rem3A_256 = arith.remsi %mul3A_62, %jit3A_239 : i32
      %ne3A_257 = arith.constant 0 : i32
      %ne3A_258 = arith.cmpi ne, %rem3A_256, %ne3A_257 : i32
      %and3A_259 = arith.andi %ne3A_255, %ne3A_258 : i1
      %sub3A_260 = arith.constant 1 : i32
      %sub3A_261 = arith.subi %div3A_240, %sub3A_260 : i32
      %select_n3A_262 = arith.select %and3A_259, %sub3A_261, %div3A_240 : i32
      %mul3A_263 = arith.constant 32 : i32
      %mul3A_264 = arith.muli %select_n3A_262, %mul3A_263 : i32
      %add3A_265 = arith.addi %mul3A_2, %mul3A_264 : i32
      %multiple_of3A_266 = tpu.assume_multiple %add3A_265, 32 : i32
      %dma_start3A_267 = arith.constant 0 : i32
      %dma_start3A_268 = tpu.memref_slice %arg6[%select_n3A_238, %multiple_of3A_266, %dma_start3A_267] : memref<4x4096x768xf32, #tpu.memory_space<hbm>> -> memref<1x32x768xf32, #tpu.memory_space<hbm>>
      %dma_start3A_269 = tpu.memref_squeeze %dma_start3A_268 : memref<1x32x768xf32, #tpu.memory_space<hbm>> -> memref<32x768xf32, #tpu.memory_space<hbm>>
      %dma_start3A_270 = arith.constant 0 : i32
      %dma_start3A_271 = tpu.memref_slice %arg6[%select_n3A_238, %multiple_of3A_266, %dma_start3A_270] : memref<4x4096x768xf32, #tpu.memory_space<hbm>> -> memref<1x32x768xf32, #tpu.memory_space<hbm>>
      %dma_start3A_272 = tpu.memref_squeeze %dma_start3A_271 : memref<1x32x768xf32, #tpu.memory_space<hbm>> -> memref<32x768xf32, #tpu.memory_space<hbm>>
      tpu.enqueue_dma source(%arg9 : memref<32x768xf32, #tpu.memory_space<vmem>>) target(%dma_start3A_272 : memref<32x768xf32, #tpu.memory_space<hbm>>) target_semaphore(%arg18 : memref<!tpu.dma_semaphore, #tpu.memory_space<semaphore_mem>>)
      %lt3A_273 = arith.constant 7 : i32
      %lt3A_274 = arith.cmpi slt, %scan3A_60, %lt3A_273 : i32
      %convert_element_type3A_275 = arith.extui %lt3A_274 : i1 to i32
      %cond3A_276 = arith.constant 0 : i32
      %cond3A_277 = arith.cmpi ne, %convert_element_type3A_275, %cond3A_276 : i32
      scf.if %cond3A_277 {
        %add3A_376 = arith.constant 2 : i32
        %add3A_377 = arith.addi %mul3A_62, %add3A_376 : i32
        %jit3A_378 = arith.constant 4 : i32
        %eq3A_379 = arith.constant 0 : i32
        %eq3A_380 = arith.cmpi eq, %jit3A_378, %eq3A_379 : i32
        %jit3A_381 = arith.constant 1 : i32
        %select_n3A_382 = arith.select %eq3A_380, %jit3A_381, %jit3A_378 : i32
        %rem3A_383 = arith.remsi %add3A_377, %select_n3A_382 : i32
        %ne3A_384 = arith.constant 0 : i32
        %ne3A_385 = arith.cmpi ne, %rem3A_383, %ne3A_384 : i32
        %lt3A_386 = arith.constant 0 : i32
        %lt3A_387 = arith.cmpi slt, %rem3A_383, %lt3A_386 : i32
        %lt3A_388 = arith.constant 0 : i32
        %lt3A_389 = arith.cmpi slt, %select_n3A_382, %lt3A_388 : i32
        %ne3A_390 = arith.xori %lt3A_387, %lt3A_389 : i1
        %and3A_391 = arith.andi %ne3A_390, %ne3A_385 : i1
        %add3A_392 = arith.addi %rem3A_383, %select_n3A_382 : i32
        %select_n3A_393 = arith.select %and3A_391, %add3A_392, %rem3A_383 : i32
        %jit3A_394 = arith.constant 4 : i32
        %div3A_395 = arith.divsi %add3A_377, %jit3A_394 : i32
        %sign3A_396 = arith.constant 0 : i32
        %sign3A_397 = arith.cmpi sgt, %add3A_377, %sign3A_396 : i32
        %sign3A_398 = arith.extui %sign3A_397 : i1 to i32
        %sign3A_399 = arith.constant 0 : i32
        %sign3A_400 = arith.cmpi slt, %add3A_377, %sign3A_399 : i32
        %sign3A_401 = arith.extui %sign3A_400 : i1 to i32
        %sign3A_402 = arith.subi %sign3A_398, %sign3A_401 : i32
        %sign3A_403 = arith.constant 0 : i32
        %sign3A_404 = arith.cmpi sgt, %jit3A_394, %sign3A_403 : i32
        %sign3A_405 = arith.extui %sign3A_404 : i1 to i32
        %sign3A_406 = arith.constant 0 : i32
        %sign3A_407 = arith.cmpi slt, %jit3A_394, %sign3A_406 : i32
        %sign3A_408 = arith.extui %sign3A_407 : i1 to i32
        %sign3A_409 = arith.subi %sign3A_405, %sign3A_408 : i32
        %ne3A_410 = arith.cmpi ne, %sign3A_402, %sign3A_409 : i32
        %rem3A_411 = arith.remsi %add3A_377, %jit3A_394 : i32
        %ne3A_412 = arith.constant 0 : i32
        %ne3A_413 = arith.cmpi ne, %rem3A_411, %ne3A_412 : i32
        %and3A_414 = arith.andi %ne3A_410, %ne3A_413 : i1
        %sub3A_415 = arith.constant 1 : i32
        %sub3A_416 = arith.subi %div3A_395, %sub3A_415 : i32
        %select_n3A_417 = arith.select %and3A_414, %sub3A_416, %div3A_395 : i32
        %mul3A_418 = arith.constant 32 : i32
        %mul3A_419 = arith.muli %select_n3A_417, %mul3A_418 : i32
        %add3A_420 = arith.addi %mul3A_2, %mul3A_419 : i32
        %multiple_of3A_421 = tpu.assume_multiple %add3A_420, 32 : i32
        "tpu.region"() ({
          %run_scoped3A_506 = tpu.sem_alloc : memref<!tpu.dma_semaphore, #tpu.memory_space<semaphore_mem>>
          %dma_start3A_507 = tpu.memref_slice %arg3[%select_n3A_393, %multiple_of3A_421] : memref<4x4096xi32, #tpu.memory_space<hbm>> -> memref<1x32xi32, #tpu.memory_space<hbm>>
          %dma_start3A_508 = tpu.memref_squeeze %dma_start3A_507 : memref<1x32xi32, #tpu.memory_space<hbm>> -> memref<32xi32, #tpu.memory_space<hbm>>
          %dma_start3A_509 = tpu.memref_slice %arg3[%select_n3A_393, %multiple_of3A_421] : memref<4x4096xi32, #tpu.memory_space<hbm>> -> memref<1x32xi32, #tpu.memory_space<hbm>>
          %dma_start3A_510 = tpu.memref_squeeze %dma_start3A_509 : memref<1x32xi32, #tpu.memory_space<hbm>> -> memref<32xi32, #tpu.memory_space<hbm>>
          tpu.enqueue_dma source(%dma_start3A_510 : memref<32xi32, #tpu.memory_space<hbm>>) target(%arg7 : memref<32xi32, #tpu.memory_space<vmem>>) target_semaphore(%run_scoped3A_506 : memref<!tpu.dma_semaphore, #tpu.memory_space<semaphore_mem>>)
          %dma_wait3A_511 = tpu.memref_slice %arg3[%select_n3A_393, %multiple_of3A_421] : memref<4x4096xi32, #tpu.memory_space<hbm>> -> memref<1x32xi32, #tpu.memory_space<hbm>>
          %dma_wait3A_512 = tpu.memref_squeeze %dma_wait3A_511 : memref<1x32xi32, #tpu.memory_space<hbm>> -> memref<32xi32, #tpu.memory_space<hbm>>
          %dma_wait3A_513 = tpu.memref_slice %arg3[%select_n3A_393, %multiple_of3A_421] : memref<4x4096xi32, #tpu.memory_space<hbm>> -> memref<1x32xi32, #tpu.memory_space<hbm>>
          %dma_wait3A_514 = tpu.memref_squeeze %dma_wait3A_513 : memref<1x32xi32, #tpu.memory_space<hbm>> -> memref<32xi32, #tpu.memory_space<hbm>>
          tpu.wait_dma2 semaphore(%run_scoped3A_506 : memref<!tpu.dma_semaphore, #tpu.memory_space<semaphore_mem>>) src(%dma_wait3A_514 : memref<32xi32, #tpu.memory_space<hbm>>) dst(%arg7 : memref<32xi32, #tpu.memory_space<vmem>>)
          tpu.yield
        }) : () -> ()
        %get3A_422 = arith.constant 0 : index
        %get3A_423 = tpu.vector_load %arg7[%get3A_422] {strides = array<i32>} : memref<32xi32, #tpu.memory_space<vmem>>, vector<16xi32>,
        %get3A_424 = vector.shape_cast %get3A_423 : vector<16xi32> to vector<16xi32>
        %mul3A_425 = arith.constant 128 : i32
        %mul3A_426 = arith.muli %select_n3A_393, %mul3A_425 : i32
        %add3A_427 = vector.broadcast %mul3A_426 : i32 to vector<16xi32>
        %add3A_428 = arith.addi %get3A_424, %add3A_427 : vector<16xi32>
        %swap3A_429 = arith.constant 0 : index
        %swap3A_430 = tpu.vector_load %arg7[%swap3A_429] {strides = array<i32>} : memref<32xi32, #tpu.memory_space<vmem>>, vector<16xi32>,
        %swap3A_431 = vector.shape_cast %swap3A_430 : vector<16xi32> to vector<16xi32>
        %swap3A_432 = vector.shape_cast %add3A_428 : vector<16xi32> to vector<16xi32>
        tpu.vector_store %arg7[%swap3A_429], %swap3A_432 {strides = array<i32>} : memref<32xi32, #tpu.memory_space<vmem>>, vector<16xi32>,
        %get3A_433 = arith.constant 16 : index
        %get3A_434 = tpu.vector_load %arg7[%get3A_433] {strides = array<i32>} : memref<32xi32, #tpu.memory_space<vmem>>, vector<16xi32>,
        %get3A_435 = vector.shape_cast %get3A_434 : vector<16xi32> to vector<16xi32>
        %mul3A_436 = arith.constant 128 : i32
        %mul3A_437 = arith.muli %select_n3A_393, %mul3A_436 : i32
        %add3A_438 = vector.broadcast %mul3A_437 : i32 to vector<16xi32>
        %add3A_439 = arith.addi %get3A_435, %add3A_438 : vector<16xi32>
        %swap3A_440 = arith.constant 16 : index
        %swap3A_441 = tpu.vector_load %arg7[%swap3A_440] {strides = array<i32>} : memref<32xi32, #tpu.memory_space<vmem>>, vector<16xi32>,
        %swap3A_442 = vector.shape_cast %swap3A_441 : vector<16xi32> to vector<16xi32>
        %swap3A_443 = vector.shape_cast %add3A_439 : vector<16xi32> to vector<16xi32>
        tpu.vector_store %arg7[%swap3A_440], %swap3A_443 {strides = array<i32>} : memref<32xi32, #tpu.memory_space<vmem>>, vector<16xi32>,
        %dma_start3A_444 = arith.constant 0 : i32
        %dma_start3A_445 = arith.constant 0 : i32
        %dma_start3A_446 = tpu.memref_slice %arg5[%dma_start3A_444, %dma_start3A_445] : memref<512x768xf32, #tpu.memory_space<hbm>> -> memref<512x768xf32, #tpu.memory_space<hbm>>
        tpu.enqueue_indirect_dma source(%dma_start3A_446 : memref<512x768xf32, #tpu.memory_space<hbm>>) target(%arg11 : memref<32x768xf32, #tpu.memory_space<vmem>>) offsets(%arg7 : memref<32xi32, #tpu.memory_space<vmem>>) semaphore(%arg14 : memref<!tpu.dma_semaphore, #tpu.memory_space<semaphore_mem>>)
        %dma_wait3A_447 = arith.constant 0 : i32
        %dma_wait3A_448 = arith.constant 0 : i32
        %dma_wait3A_449 = arith.constant 0 : i32
        %dma_wait3A_450 = tpu.memref_slice %arg2[%dma_wait3A_447, %dma_wait3A_448, %dma_wait3A_449] : memref<4x4096x768xf32, #tpu.memory_space<hbm>> -> memref<1x32x768xf32, #tpu.memory_space<hbm>>
        %dma_wait3A_451 = tpu.memref_squeeze %dma_wait3A_450 : memref<1x32x768xf32, #tpu.memory_space<hbm>> -> memref<32x768xf32, #tpu.memory_space<hbm>>
        %dma_wait3A_452 = arith.constant 0 : i32
        %dma_wait3A_453 = arith.constant 0 : i32
        %dma_wait3A_454 = tpu.memref_slice %arg2[%dma_wait3A_447, %dma_wait3A_452, %dma_wait3A_453] : memref<4x4096x768xf32, #tpu.memory_space<hbm>> -> memref<1x32x768xf32, #tpu.memory_space<hbm>>
        %dma_wait3A_455 = tpu.memref_squeeze %dma_wait3A_454 : memref<1x32x768xf32, #tpu.memory_space<hbm>> -> memref<32x768xf32, #tpu.memory_space<hbm>>
        tpu.wait_dma2 semaphore(%arg18 : memref<!tpu.dma_semaphore, #tpu.memory_space<semaphore_mem>>) src(%dma_wait3A_455 : memref<32x768xf32, #tpu.memory_space<hbm>>) dst(%arg9 : memref<32x768xf32, #tpu.memory_space<vmem>>)
        %jit3A_456 = arith.constant 4 : i32
        %eq3A_457 = arith.constant 0 : i32
        %eq3A_458 = arith.cmpi eq, %jit3A_456, %eq3A_457 : i32
        %jit3A_459 = arith.constant 1 : i32
        %select_n3A_460 = arith.select %eq3A_458, %jit3A_459, %jit3A_456 : i32
        %rem3A_461 = arith.remsi %add3A_377, %select_n3A_460 : i32
        %ne3A_462 = arith.constant 0 : i32
        %ne3A_463 = arith.cmpi ne, %rem3A_461, %ne3A_462 : i32
        %lt3A_464 = arith.constant 0 : i32
        %lt3A_465 = arith.cmpi slt, %rem3A_461, %lt3A_464 : i32
        %lt3A_466 = arith.constant 0 : i32
        %lt3A_467 = arith.cmpi slt, %select_n3A_460, %lt3A_466 : i32
        %ne3A_468 = arith.xori %lt3A_465, %lt3A_467 : i1
        %and3A_469 = arith.andi %ne3A_468, %ne3A_463 : i1
        %add3A_470 = arith.addi %rem3A_461, %select_n3A_460 : i32
        %select_n3A_471 = arith.select %and3A_469, %add3A_470, %rem3A_461 : i32
        %jit3A_472 = arith.constant 4 : i32
        %div3A_473 = arith.divsi %add3A_377, %jit3A_472 : i32
        %sign3A_474 = arith.constant 0 : i32
        %sign3A_475 = arith.cmpi sgt, %add3A_377, %sign3A_474 : i32
        %sign3A_476 = arith.extui %sign3A_475 : i1 to i32
        %sign3A_477 = arith.constant 0 : i32
        %sign3A_478 = arith.cmpi slt, %add3A_377, %sign3A_477 : i32
        %sign3A_479 = arith.extui %sign3A_478 : i1 to i32
        %sign3A_480 = arith.subi %sign3A_476, %sign3A_479 : i32
        %sign3A_481 = arith.constant 0 : i32
        %sign3A_482 = arith.cmpi sgt, %jit3A_472, %sign3A_481 : i32
        %sign3A_483 = arith.extui %sign3A_482 : i1 to i32
        %sign3A_484 = arith.constant 0 : i32
        %sign3A_485 = arith.cmpi slt, %jit3A_472, %sign3A_484 : i32
        %sign3A_486 = arith.extui %sign3A_485 : i1 to i32
        %sign3A_487 = arith.subi %sign3A_483, %sign3A_486 : i32
        %ne3A_488 = arith.cmpi ne, %sign3A_480, %sign3A_487 : i32
        %rem3A_489 = arith.remsi %add3A_377, %jit3A_472 : i32
        %ne3A_490 = arith.constant 0 : i32
        %ne3A_491 = arith.cmpi ne, %rem3A_489, %ne3A_490 : i32
        %and3A_492 = arith.andi %ne3A_488, %ne3A_491 : i1
        %sub3A_493 = arith.constant 1 : i32
        %sub3A_494 = arith.subi %div3A_473, %sub3A_493 : i32
        %select_n3A_495 = arith.select %and3A_492, %sub3A_494, %div3A_473 : i32
        %mul3A_496 = arith.constant 32 : i32
        %mul3A_497 = arith.muli %select_n3A_495, %mul3A_496 : i32
        %add3A_498 = arith.addi %mul3A_2, %mul3A_497 : i32
        %multiple_of3A_499 = tpu.assume_multiple %add3A_498, 32 : i32
        %dma_start3A_500 = arith.constant 0 : i32
        %dma_start3A_501 = tpu.memref_slice %arg2[%select_n3A_471, %multiple_of3A_499, %dma_start3A_500] : memref<4x4096x768xf32, #tpu.memory_space<hbm>> -> memref<1x32x768xf32, #tpu.memory_space<hbm>>
        %dma_start3A_502 = tpu.memref_squeeze %dma_start3A_501 : memref<1x32x768xf32, #tpu.memory_space<hbm>> -> memref<32x768xf32, #tpu.memory_space<hbm>>
        %dma_start3A_503 = arith.constant 0 : i32
        %dma_start3A_504 = tpu.memref_slice %arg2[%select_n3A_471, %multiple_of3A_499, %dma_start3A_503] : memref<4x4096x768xf32, #tpu.memory_space<hbm>> -> memref<1x32x768xf32, #tpu.memory_space<hbm>>
        %dma_start3A_505 = tpu.memref_squeeze %dma_start3A_504 : memref<1x32x768xf32, #tpu.memory_space<hbm>> -> memref<32x768xf32, #tpu.memory_space<hbm>>
        tpu.enqueue_dma source(%dma_start3A_505 : memref<32x768xf32, #tpu.memory_space<hbm>>) target(%arg9 : memref<32x768xf32, #tpu.memory_space<vmem>>) target_semaphore(%arg16 : memref<!tpu.dma_semaphore, #tpu.memory_space<semaphore_mem>>)
      } else {
      }
      %dma_wait3A_278 = arith.constant 0 : i32
      %dma_wait3A_279 = arith.constant 0 : i32
      %dma_wait3A_280 = arith.constant 0 : i32
      %dma_wait3A_281 = tpu.memref_slice %arg2[%dma_wait3A_278, %dma_wait3A_279, %dma_wait3A_280] : memref<4x4096x768xf32, #tpu.memory_space<hbm>> -> memref<1x32x768xf32, #tpu.memory_space<hbm>>
      %dma_wait3A_282 = tpu.memref_squeeze %dma_wait3A_281 : memref<1x32x768xf32, #tpu.memory_space<hbm>> -> memref<32x768xf32, #tpu.memory_space<hbm>>
      %dma_wait3A_283 = arith.constant 0 : i32
      %dma_wait3A_284 = arith.constant 0 : i32
      %dma_wait3A_285 = tpu.memref_slice %arg2[%dma_wait3A_278, %dma_wait3A_283, %dma_wait3A_284] : memref<4x4096x768xf32, #tpu.memory_space<hbm>> -> memref<1x32x768xf32, #tpu.memory_space<hbm>>
      %dma_wait3A_286 = tpu.memref_squeeze %dma_wait3A_285 : memref<1x32x768xf32, #tpu.memory_space<hbm>> -> memref<32x768xf32, #tpu.memory_space<hbm>>
      tpu.wait_dma2 semaphore(%arg15 : memref<!tpu.dma_semaphore, #tpu.memory_space<semaphore_mem>>) src(%dma_wait3A_286 : memref<32x768xf32, #tpu.memory_space<hbm>>) dst(%arg12 : memref<32x768xf32, #tpu.memory_space<vmem>>)
      %dma_wait3A_287 = arith.constant 0 : i32
      %dma_wait3A_288 = arith.constant 0 : i32
      %dma_wait3A_289 = arith.constant 0 : i32
      %dma_wait3A_290 = tpu.memref_slice %arg2[%dma_wait3A_287, %dma_wait3A_288, %dma_wait3A_289] : memref<4x4096x768xf32, #tpu.memory_space<hbm>> -> memref<1x32x768xf32, #tpu.memory_space<hbm>>
      %dma_wait3A_291 = tpu.memref_squeeze %dma_wait3A_290 : memref<1x32x768xf32, #tpu.memory_space<hbm>> -> memref<32x768xf32, #tpu.memory_space<hbm>>
      %dma_wait3A_292 = arith.constant 0 : i32
      %dma_wait3A_293 = arith.constant 0 : i32
      %dma_wait3A_294 = tpu.memref_slice %arg2[%dma_wait3A_287, %dma_wait3A_292, %dma_wait3A_293] : memref<4x4096x768xf32, #tpu.memory_space<hbm>> -> memref<1x32x768xf32, #tpu.memory_space<hbm>>
      %dma_wait3A_295 = tpu.memref_squeeze %dma_wait3A_294 : memref<1x32x768xf32, #tpu.memory_space<hbm>> -> memref<32x768xf32, #tpu.memory_space<hbm>>
      tpu.wait_dma2 semaphore(%arg17 : memref<!tpu.dma_semaphore, #tpu.memory_space<semaphore_mem>>) src(%dma_wait3A_295 : memref<32x768xf32, #tpu.memory_space<hbm>>) dst(%arg10 : memref<32x768xf32, #tpu.memory_space<vmem>>)
      %scan3A_296 = arith.constant 0 : i32
      %scan3A_297 = arith.constant 0 : i32
      %scan3A_298 = arith.constant 32 : i32
      %scan3A_299 = arith.addi %scan3A_297, %scan3A_298 : i32
      %scan3A_300 = arith.constant 1 : i32
      scf.for %scan3A_376 = %scan3A_297 to %scan3A_299 step %scan3A_300  : i32 {
        %get3A_377 = arith.index_cast %scan3A_376 : i32 to index
        %get3A_378 = arith.constant 0 : index
        %get3A_379 = tpu.vector_load %arg12[%get3A_377, %get3A_378] {strides = array<i32>} : memref<32x768xf32, #tpu.memory_space<vmem>>, vector<1x16xf32>,
        %get3A_380 = vector.shape_cast %get3A_379 : vector<1x16xf32> to vector<16xf32>
        %get3A_381 = arith.index_cast %scan3A_376 : i32 to index
        %get3A_382 = arith.constant 0 : index
        %get3A_383 = tpu.vector_load %arg13[%get3A_381, %get3A_382] {strides = array<i32>} : memref<32x768xf32, #tpu.memory_space<vmem>>, vector<1x16xf32>,
        %get3A_384 = vector.shape_cast %get3A_383 : vector<1x16xf32> to vector<16xf32>
        %add3A_385 = arith.addf %get3A_380, %get3A_384 : vector<16xf32>
        %swap3A_386 = arith.index_cast %scan3A_376 : i32 to index
        %swap3A_387 = arith.constant 0 : index
        %swap3A_388 = tpu.vector_load %arg10[%swap3A_386, %swap3A_387] {strides = array<i32>} : memref<32x768xf32, #tpu.memory_space<vmem>>, vector<1x16xf32>,
        %swap3A_389 = vector.shape_cast %swap3A_388 : vector<1x16xf32> to vector<16xf32>
        %swap3A_390 = vector.shape_cast %add3A_385 : vector<16xf32> to vector<1x16xf32>
        tpu.vector_store %arg10[%swap3A_386, %swap3A_387], %swap3A_390 {add = true, strides = array<i32>} : memref<32x768xf32, #tpu.memory_space<vmem>>, vector<1x16xf32>,
        %get3A_391 = arith.index_cast %scan3A_376 : i32 to index
        %get3A_392 = arith.constant 16 : index
        %get3A_393 = tpu.vector_load %arg12[%get3A_391, %get3A_392] {strides = array<i32>} : memref<32x768xf32, #tpu.memory_space<vmem>>, vector<1x16xf32>,
        %get3A_394 = vector.shape_cast %get3A_393 : vector<1x16xf32> to vector<16xf32>
        %get3A_395 = arith.index_cast %scan3A_376 : i32 to index
        %get3A_396 = arith.constant 16 : index
        %get3A_397 = tpu.vector_load %arg13[%get3A_395, %get3A_396] {strides = array<i32>} : memref<32x768xf32, #tpu.memory_space<vmem>>, vector<1x16xf32>,
        %get3A_398 = vector.shape_cast %get3A_397 : vector<1x16xf32> to vector<16xf32>
        %add3A_399 = arith.addf %get3A_394, %get3A_398 : vector<16xf32>
        %swap3A_400 = arith.index_cast %scan3A_376 : i32 to index
        %swap3A_401 = arith.constant 16 : index
        %swap3A_402 = tpu.vector_load %arg10[%swap3A_400, %swap3A_401] {strides = array<i32>} : memref<32x768xf32, #tpu.memory_space<vmem>>, vector<1x16xf32>,
        %swap3A_403 = vector.shape_cast %swap3A_402 : vector<1x16xf32> to vector<16xf32>
        %swap3A_404 = vector.shape_cast %add3A_399 : vector<16xf32> to vector<1x16xf32>
        tpu.vector_store %arg10[%swap3A_400, %swap3A_401], %swap3A_404 {add = true, strides = array<i32>} : memref<32x768xf32, #tpu.memory_space<vmem>>, vector<1x16xf32>,
        %get3A_405 = arith.index_cast %scan3A_376 : i32 to index
        %get3A_406 = arith.constant 32 : index
        %get3A_407 = tpu.vector_load %arg12[%get3A_405, %get3A_406] {strides = array<i32>} : memref<32x768xf32, #tpu.memory_space<vmem>>, vector<1x16xf32>,
        %get3A_408 = vector.shape_cast %get3A_407 : vector<1x16xf32> to vector<16xf32>
        %get3A_409 = arith.index_cast %scan3A_376 : i32 to index
        %get3A_410 = arith.constant 32 : index
        %get3A_411 = tpu.vector_load %arg13[%get3A_409, %get3A_410] {strides = array<i32>} : memref<32x768xf32, #tpu.memory_space<vmem>>, vector<1x16xf32>,
        %get3A_412 = vector.shape_cast %get3A_411 : vector<1x16xf32> to vector<16xf32>
        %add3A_413 = arith.addf %get3A_408, %get3A_412 : vector<16xf32>
        %swap3A_414 = arith.index_cast %scan3A_376 : i32 to index
        %swap3A_415 = arith.constant 32 : index
        %swap3A_416 = tpu.vector_load %arg10[%swap3A_414, %swap3A_415] {strides = array<i32>} : memref<32x768xf32, #tpu.memory_space<vmem>>, vector<1x16xf32>,
        %swap3A_417 = vector.shape_cast %swap3A_416 : vector<1x16xf32> to vector<16xf32>
        %swap3A_418 = vector.shape_cast %add3A_413 : vector<16xf32> to vector<1x16xf32>
        tpu.vector_store %arg10[%swap3A_414, %swap3A_415], %swap3A_418 {add = true, strides = array<i32>} : memref<32x768xf32, #tpu.memory_space<vmem>>, vector<1x16xf32>,
        %get3A_419 = arith.index_cast %scan3A_376 : i32 to index
        %get3A_420 = arith.constant 48 : index
        %get3A_421 = tpu.vector_load %arg12[%get3A_419, %get3A_420] {strides = array<i32>} : memref<32x768xf32, #tpu.memory_space<vmem>>, vector<1x16xf32>,
        %get3A_422 = vector.shape_cast %get3A_421 : vector<1x16xf32> to vector<16xf32>
        %get3A_423 = arith.index_cast %scan3A_376 : i32 to index
        %get3A_424 = arith.constant 48 : index
        %get3A_425 = tpu.vector_load %arg13[%get3A_423, %get3A_424] {strides = array<i32>} : memref<32x768xf32, #tpu.memory_space<vmem>>, vector<1x16xf32>,
        %get3A_426 = vector.shape_cast %get3A_425 : vector<1x16xf32> to vector<16xf32>
        %add3A_427 = arith.addf %get3A_422, %get3A_426 : vector<16xf32>
        %swap3A_428 = arith.index_cast %scan3A_376 : i32 to index
        %swap3A_429 = arith.constant 48 : index
        %swap3A_430 = tpu.vector_load %arg10[%swap3A_428, %swap3A_429] {strides = array<i32>} : memref<32x768xf32, #tpu.memory_space<vmem>>, vector<1x16xf32>,
        %swap3A_431 = vector.shape_cast %swap3A_430 : vector<1x16xf32> to vector<16xf32>
        %swap3A_432 = vector.shape_cast %add3A_427 : vector<16xf32> to vector<1x16xf32>
        tpu.vector_store %arg10[%swap3A_428, %swap3A_429], %swap3A_432 {add = true, strides = array<i32>} : memref<32x768xf32, #tpu.memory_space<vmem>>, vector<1x16xf32>,
        %get3A_433 = arith.index_cast %scan3A_376 : i32 to index
        %get3A_434 = arith.constant 64 : index
        %get3A_435 = tpu.vector_load %arg12[%get3A_433, %get3A_434] {strides = array<i32>} : memref<32x768xf32, #tpu.memory_space<vmem>>, vector<1x16xf32>,
        %get3A_436 = vector.shape_cast %get3A_435 : vector<1x16xf32> to vector<16xf32>
        %get3A_437 = arith.index_cast %scan3A_376 : i32 to index
        %get3A_438 = arith.constant 64 : index
        %get3A_439 = tpu.vector_load %arg13[%get3A_437, %get3A_438] {strides = array<i32>} : memref<32x768xf32, #tpu.memory_space<vmem>>, vector<1x16xf32>,
        %get3A_440 = vector.shape_cast %get3A_439 : vector<1x16xf32> to vector<16xf32>
        %add3A_441 = arith.addf %get3A_436, %get3A_440 : vector<16xf32>
        %swap3A_442 = arith.index_cast %scan3A_376 : i32 to index
        %swap3A_443 = arith.constant 64 : index
        %swap3A_444 = tpu.vector_load %arg10[%swap3A_442, %swap3A_443] {strides = array<i32>} : memref<32x768xf32, #tpu.memory_space<vmem>>, vector<1x16xf32>,
        %swap3A_445 = vector.shape_cast %swap3A_444 : vector<1x16xf32> to vector<16xf32>
        %swap3A_446 = vector.shape_cast %add3A_441 : vector<16xf32> to vector<1x16xf32>
        tpu.vector_store %arg10[%swap3A_442, %swap3A_443], %swap3A_446 {add = true, strides = array<i32>} : memref<32x768xf32, #tpu.memory_space<vmem>>, vector<1x16xf32>,
        %get3A_447 = arith.index_cast %scan3A_376 : i32 to index
        %get3A_448 = arith.constant 80 : index
        %get3A_449 = tpu.vector_load %arg12[%get3A_447, %get3A_448] {strides = array<i32>} : memref<32x768xf32, #tpu.memory_space<vmem>>, vector<1x16xf32>,
        %get3A_450 = vector.shape_cast %get3A_449 : vector<1x16xf32> to vector<16xf32>
        %get3A_451 = arith.index_cast %scan3A_376 : i32 to index
        %get3A_452 = arith.constant 80 : index
        %get3A_453 = tpu.vector_load %arg13[%get3A_451, %get3A_452] {strides = array<i32>} : memref<32x768xf32, #tpu.memory_space<vmem>>, vector<1x16xf32>,
        %get3A_454 = vector.shape_cast %get3A_453 : vector<1x16xf32> to vector<16xf32>
        %add3A_455 = arith.addf %get3A_450, %get3A_454 : vector<16xf32>
        %swap3A_456 = arith.index_cast %scan3A_376 : i32 to index
        %swap3A_457 = arith.constant 80 : index
        %swap3A_458 = tpu.vector_load %arg10[%swap3A_456, %swap3A_457] {strides = array<i32>} : memref<32x768xf32, #tpu.memory_space<vmem>>, vector<1x16xf32>,
        %swap3A_459 = vector.shape_cast %swap3A_458 : vector<1x16xf32> to vector<16xf32>
        %swap3A_460 = vector.shape_cast %add3A_455 : vector<16xf32> to vector<1x16xf32>
        tpu.vector_store %arg10[%swap3A_456, %swap3A_457], %swap3A_460 {add = true, strides = array<i32>} : memref<32x768xf32, #tpu.memory_space<vmem>>, vector<1x16xf32>,
        %get3A_461 = arith.index_cast %scan3A_376 : i32 to index
        %get3A_462 = arith.constant 96 : index
        %get3A_463 = tpu.vector_load %arg12[%get3A_461, %get3A_462] {strides = array<i32>} : memref<32x768xf32, #tpu.memory_space<vmem>>, vector<1x16xf32>,
        %get3A_464 = vector.shape_cast %get3A_463 : vector<1x16xf32> to vector<16xf32>
        %get3A_465 = arith.index_cast %scan3A_376 : i32 to index
        %get3A_466 = arith.constant 96 : index
        %get3A_467 = tpu.vector_load %arg13[%get3A_465, %get3A_466] {strides = array<i32>} : memref<32x768xf32, #tpu.memory_space<vmem>>, vector<1x16xf32>,
        %get3A_468 = vector.shape_cast %get3A_467 : vector<1x16xf32> to vector<16xf32>
        %add3A_469 = arith.addf %get3A_464, %get3A_468 : vector<16xf32>
        %swap3A_470 = arith.index_cast %scan3A_376 : i32 to index
        %swap3A_471 = arith.constant 96 : index
        %swap3A_472 = tpu.vector_load %arg10[%swap3A_470, %swap3A_471] {strides = array<i32>} : memref<32x768xf32, #tpu.memory_space<vmem>>, vector<1x16xf32>,
        %swap3A_473 = vector.shape_cast %swap3A_472 : vector<1x16xf32> to vector<16xf32>
        %swap3A_474 = vector.shape_cast %add3A_469 : vector<16xf32> to vector<1x16xf32>
        tpu.vector_store %arg10[%swap3A_470, %swap3A_471], %swap3A_474 {add = true, strides = array<i32>} : memref<32x768xf32, #tpu.memory_space<vmem>>, vector<1x16xf32>,
        %get3A_475 = arith.index_cast %scan3A_376 : i32 to index
        %get3A_476 = arith.constant 112 : index
        %get3A_477 = tpu.vector_load %arg12[%get3A_475, %get3A_476] {strides = array<i32>} : memref<32x768xf32, #tpu.memory_space<vmem>>, vector<1x16xf32>,
        %get3A_478 = vector.shape_cast %get3A_477 : vector<1x16xf32> to vector<16xf32>
        %get3A_479 = arith.index_cast %scan3A_376 : i32 to index
        %get3A_480 = arith.constant 112 : index
        %get3A_481 = tpu.vector_load %arg13[%get3A_479, %get3A_480] {strides = array<i32>} : memref<32x768xf32, #tpu.memory_space<vmem>>, vector<1x16xf32>,
        %get3A_482 = vector.shape_cast %get3A_481 : vector<1x16xf32> to vector<16xf32>
        %add3A_483 = arith.addf %get3A_478, %get3A_482 : vector<16xf32>
        %swap3A_484 = arith.index_cast %scan3A_376 : i32 to index
        %swap3A_485 = arith.constant 112 : index
        %swap3A_486 = tpu.vector_load %arg10[%swap3A_484, %swap3A_485] {strides = array<i32>} : memref<32x768xf32, #tpu.memory_space<vmem>>, vector<1x16xf32>,
        %swap3A_487 = vector.shape_cast %swap3A_486 : vector<1x16xf32> to vector<16xf32>
        %swap3A_488 = vector.shape_cast %add3A_483 : vector<16xf32> to vector<1x16xf32>
        tpu.vector_store %arg10[%swap3A_484, %swap3A_485], %swap3A_488 {add = true, strides = array<i32>} : memref<32x768xf32, #tpu.memory_space<vmem>>, vector<1x16xf32>,
        %get3A_489 = arith.index_cast %scan3A_376 : i32 to index
        %get3A_490 = arith.constant 128 : index
        %get3A_491 = tpu.vector_load %arg12[%get3A_489, %get3A_490] {strides = array<i32>} : memref<32x768xf32, #tpu.memory_space<vmem>>, vector<1x16xf32>,
        %get3A_492 = vector.shape_cast %get3A_491 : vector<1x16xf32> to vector<16xf32>
        %get3A_493 = arith.index_cast %scan3A_376 : i32 to index
        %get3A_494 = arith.constant 128 : index
        %get3A_495 = tpu.vector_load %arg13[%get3A_493, %get3A_494] {strides = array<i32>} : memref<32x768xf32, #tpu.memory_space<vmem>>, vector<1x16xf32>,
        %get3A_496 = vector.shape_cast %get3A_495 : vector<1x16xf32> to vector<16xf32>
        %add3A_497 = arith.addf %get3A_492, %get3A_496 : vector<16xf32>
        %swap3A_498 = arith.index_cast %scan3A_376 : i32 to index
        %swap3A_499 = arith.constant 128 : index
        %swap3A_500 = tpu.vector_load %arg10[%swap3A_498, %swap3A_499] {strides = array<i32>} : memref<32x768xf32, #tpu.memory_space<vmem>>, vector<1x16xf32>,
        %swap3A_501 = vector.shape_cast %swap3A_500 : vector<1x16xf32> to vector<16xf32>
        %swap3A_502 = vector.shape_cast %add3A_497 : vector<16xf32> to vector<1x16xf32>
        tpu.vector_store %arg10[%swap3A_498, %swap3A_499], %swap3A_502 {add = true, strides = array<i32>} : memref<32x768xf32, #tpu.memory_space<vmem>>, vector<1x16xf32>,
        %get3A_503 = arith.index_cast %scan3A_376 : i32 to index
        %get3A_504 = arith.constant 144 : index
        %get3A_505 = tpu.vector_load %arg12[%get3A_503, %get3A_504] {strides = array<i32>} : memref<32x768xf32, #tpu.memory_space<vmem>>, vector<1x16xf32>,
        %get3A_506 = vector.shape_cast %get3A_505 : vector<1x16xf32> to vector<16xf32>
        %get3A_507 = arith.index_cast %scan3A_376 : i32 to index
        %get3A_508 = arith.constant 144 : index
        %get3A_509 = tpu.vector_load %arg13[%get3A_507, %get3A_508] {strides = array<i32>} : memref<32x768xf32, #tpu.memory_space<vmem>>, vector<1x16xf32>,
        %get3A_510 = vector.shape_cast %get3A_509 : vector<1x16xf32> to vector<16xf32>
        %add3A_511 = arith.addf %get3A_506, %get3A_510 : vector<16xf32>
        %swap3A_512 = arith.index_cast %scan3A_376 : i32 to index
        %swap3A_513 = arith.constant 144 : index
        %swap3A_514 = tpu.vector_load %arg10[%swap3A_512, %swap3A_513] {strides = array<i32>} : memref<32x768xf32, #tpu.memory_space<vmem>>, vector<1x16xf32>,
        %swap3A_515 = vector.shape_cast %swap3A_514 : vector<1x16xf32> to vector<16xf32>
        %swap3A_516 = vector.shape_cast %add3A_511 : vector<16xf32> to vector<1x16xf32>
        tpu.vector_store %arg10[%swap3A_512, %swap3A_513], %swap3A_516 {add = true, strides = array<i32>} : memref<32x768xf32, #tpu.memory_space<vmem>>, vector<1x16xf32>,
        %get3A_517 = arith.index_cast %scan3A_376 : i32 to index
        %get3A_518 = arith.constant 160 : index
        %get3A_519 = tpu.vector_load %arg12[%get3A_517, %get3A_518] {strides = array<i32>} : memref<32x768xf32, #tpu.memory_space<vmem>>, vector<1x16xf32>,
        %get3A_520 = vector.shape_cast %get3A_519 : vector<1x16xf32> to vector<16xf32>
        %get3A_521 = arith.index_cast %scan3A_376 : i32 to index
        %get3A_522 = arith.constant 160 : index
        %get3A_523 = tpu.vector_load %arg13[%get3A_521, %get3A_522] {strides = array<i32>} : memref<32x768xf32, #tpu.memory_space<vmem>>, vector<1x16xf32>,
        %get3A_524 = vector.shape_cast %get3A_523 : vector<1x16xf32> to vector<16xf32>
        %add3A_525 = arith.addf %get3A_520, %get3A_524 : vector<16xf32>
        %swap3A_526 = arith.index_cast %scan3A_376 : i32 to index
        %swap3A_527 = arith.constant 160 : index
        %swap3A_528 = tpu.vector_load %arg10[%swap3A_526, %swap3A_527] {strides = array<i32>} : memref<32x768xf32, #tpu.memory_space<vmem>>, vector<1x16xf32>,
        %swap3A_529 = vector.shape_cast %swap3A_528 : vector<1x16xf32> to vector<16xf32>
        %swap3A_530 = vector.shape_cast %add3A_525 : vector<16xf32> to vector<1x16xf32>
        tpu.vector_store %arg10[%swap3A_526, %swap3A_527], %swap3A_530 {add = true, strides = array<i32>} : memref<32x768xf32, #tpu.memory_space<vmem>>, vector<1x16xf32>,
        %get3A_531 = arith.index_cast %scan3A_376 : i32 to index
        %get3A_532 = arith.constant 176 : index
        %get3A_533 = tpu.vector_load %arg12[%get3A_531, %get3A_532] {strides = array<i32>} : memref<32x768xf32, #tpu.memory_space<vmem>>, vector<1x16xf32>,
        %get3A_534 = vector.shape_cast %get3A_533 : vector<1x16xf32> to vector<16xf32>
        %get3A_535 = arith.index_cast %scan3A_376 : i32 to index
        %get3A_536 = arith.constant 176 : index
        %get3A_537 = tpu.vector_load %arg13[%get3A_535, %get3A_536] {strides = array<i32>} : memref<32x768xf32, #tpu.memory_space<vmem>>, vector<1x16xf32>,
        %get3A_538 = vector.shape_cast %get3A_537 : vector<1x16xf32> to vector<16xf32>
        %add3A_539 = arith.addf %get3A_534, %get3A_538 : vector<16xf32>
        %swap3A_540 = arith.index_cast %scan3A_376 : i32 to index
        %swap3A_541 = arith.constant 176 : index
        %swap3A_542 = tpu.vector_load %arg10[%swap3A_540, %swap3A_541] {strides = array<i32>} : memref<32x768xf32, #tpu.memory_space<vmem>>, vector<1x16xf32>,
        %swap3A_543 = vector.shape_cast %swap3A_542 : vector<1x16xf32> to vector<16xf32>
        %swap3A_544 = vector.shape_cast %add3A_539 : vector<16xf32> to vector<1x16xf32>
        tpu.vector_store %arg10[%swap3A_540, %swap3A_541], %swap3A_544 {add = true, strides = array<i32>} : memref<32x768xf32, #tpu.memory_space<vmem>>, vector<1x16xf32>,
        %get3A_545 = arith.index_cast %scan3A_376 : i32 to index
        %get3A_546 = arith.constant 192 : index
        %get3A_547 = tpu.vector_load %arg12[%get3A_545, %get3A_546] {strides = array<i32>} : memref<32x768xf32, #tpu.memory_space<vmem>>, vector<1x16xf32>,
        %get3A_548 = vector.shape_cast %get3A_547 : vector<1x16xf32> to vector<16xf32>
        %get3A_549 = arith.index_cast %scan3A_376 : i32 to index
        %get3A_550 = arith.constant 192 : index
        %get3A_551 = tpu.vector_load %arg13[%get3A_549, %get3A_550] {strides = array<i32>} : memref<32x768xf32, #tpu.memory_space<vmem>>, vector<1x16xf32>,
        %get3A_552 = vector.shape_cast %get3A_551 : vector<1x16xf32> to vector<16xf32>
        %add3A_553 = arith.addf %get3A_548, %get3A_552 : vector<16xf32>
        %swap3A_554 = arith.index_cast %scan3A_376 : i32 to index
        %swap3A_555 = arith.constant 192 : index
        %swap3A_556 = tpu.vector_load %arg10[%swap3A_554, %swap3A_555] {strides = array<i32>} : memref<32x768xf32, #tpu.memory_space<vmem>>, vector<1x16xf32>,
        %swap3A_557 = vector.shape_cast %swap3A_556 : vector<1x16xf32> to vector<16xf32>
        %swap3A_558 = vector.shape_cast %add3A_553 : vector<16xf32> to vector<1x16xf32>
        tpu.vector_store %arg10[%swap3A_554, %swap3A_555], %swap3A_558 {add = true, strides = array<i32>} : memref<32x768xf32, #tpu.memory_space<vmem>>, vector<1x16xf32>,
        %get3A_559 = arith.index_cast %scan3A_376 : i32 to index
        %get3A_560 = arith.constant 208 : index
        %get3A_561 = tpu.vector_load %arg12[%get3A_559, %get3A_560] {strides = array<i32>} : memref<32x768xf32, #tpu.memory_space<vmem>>, vector<1x16xf32>,
        %get3A_562 = vector.shape_cast %get3A_561 : vector<1x16xf32> to vector<16xf32>
        %get3A_563 = arith.index_cast %scan3A_376 : i32 to index
        %get3A_564 = arith.constant 208 : index
        %get3A_565 = tpu.vector_load %arg13[%get3A_563, %get3A_564] {strides = array<i32>} : memref<32x768xf32, #tpu.memory_space<vmem>>, vector<1x16xf32>,
        %get3A_566 = vector.shape_cast %get3A_565 : vector<1x16xf32> to vector<16xf32>
        %add3A_567 = arith.addf %get3A_562, %get3A_566 : vector<16xf32>
        %swap3A_568 = arith.index_cast %scan3A_376 : i32 to index
        %swap3A_569 = arith.constant 208 : index
        %swap3A_570 = tpu.vector_load %arg10[%swap3A_568, %swap3A_569] {strides = array<i32>} : memref<32x768xf32, #tpu.memory_space<vmem>>, vector<1x16xf32>,
        %swap3A_571 = vector.shape_cast %swap3A_570 : vector<1x16xf32> to vector<16xf32>
        %swap3A_572 = vector.shape_cast %add3A_567 : vector<16xf32> to vector<1x16xf32>
        tpu.vector_store %arg10[%swap3A_568, %swap3A_569], %swap3A_572 {add = true, strides = array<i32>} : memref<32x768xf32, #tpu.memory_space<vmem>>, vector<1x16xf32>,
        %get3A_573 = arith.index_cast %scan3A_376 : i32 to index
        %get3A_574 = arith.constant 224 : index
        %get3A_575 = tpu.vector_load %arg12[%get3A_573, %get3A_574] {strides = array<i32>} : memref<32x768xf32, #tpu.memory_space<vmem>>, vector<1x16xf32>,
        %get3A_576 = vector.shape_cast %get3A_575 : vector<1x16xf32> to vector<16xf32>
        %get3A_577 = arith.index_cast %scan3A_376 : i32 to index
        %get3A_578 = arith.constant 224 : index
        %get3A_579 = tpu.vector_load %arg13[%get3A_577, %get3A_578] {strides = array<i32>} : memref<32x768xf32, #tpu.memory_space<vmem>>, vector<1x16xf32>,
        %get3A_580 = vector.shape_cast %get3A_579 : vector<1x16xf32> to vector<16xf32>
        %add3A_581 = arith.addf %get3A_576, %get3A_580 : vector<16xf32>
        %swap3A_582 = arith.index_cast %scan3A_376 : i32 to index
        %swap3A_583 = arith.constant 224 : index
        %swap3A_584 = tpu.vector_load %arg10[%swap3A_582, %swap3A_583] {strides = array<i32>} : memref<32x768xf32, #tpu.memory_space<vmem>>, vector<1x16xf32>,
        %swap3A_585 = vector.shape_cast %swap3A_584 : vector<1x16xf32> to vector<16xf32>
        %swap3A_586 = vector.shape_cast %add3A_581 : vector<16xf32> to vector<1x16xf32>
        tpu.vector_store %arg10[%swap3A_582, %swap3A_583], %swap3A_586 {add = true, strides = array<i32>} : memref<32x768xf32, #tpu.memory_space<vmem>>, vector<1x16xf32>,
        %get3A_587 = arith.index_cast %scan3A_376 : i32 to index
        %get3A_588 = arith.constant 240 : index
        %get3A_589 = tpu.vector_load %arg12[%get3A_587, %get3A_588] {strides = array<i32>} : memref<32x768xf32, #tpu.memory_space<vmem>>, vector<1x16xf32>,
        %get3A_590 = vector.shape_cast %get3A_589 : vector<1x16xf32> to vector<16xf32>
        %get3A_591 = arith.index_cast %scan3A_376 : i32 to index
        %get3A_592 = arith.constant 240 : index
        %get3A_593 = tpu.vector_load %arg13[%get3A_591, %get3A_592] {strides = array<i32>} : memref<32x768xf32, #tpu.memory_space<vmem>>, vector<1x16xf32>,
        %get3A_594 = vector.shape_cast %get3A_593 : vector<1x16xf32> to vector<16xf32>
        %add3A_595 = arith.addf %get3A_590, %get3A_594 : vector<16xf32>
        %swap3A_596 = arith.index_cast %scan3A_376 : i32 to index
        %swap3A_597 = arith.constant 240 : index
        %swap3A_598 = tpu.vector_load %arg10[%swap3A_596, %swap3A_597] {strides = array<i32>} : memref<32x768xf32, #tpu.memory_space<vmem>>, vector<1x16xf32>,
        %swap3A_599 = vector.shape_cast %swap3A_598 : vector<1x16xf32> to vector<16xf32>
        %swap3A_600 = vector.shape_cast %add3A_595 : vector<16xf32> to vector<1x16xf32>
        tpu.vector_store %arg10[%swap3A_596, %swap3A_597], %swap3A_600 {add = true, strides = array<i32>} : memref<32x768xf32, #tpu.memory_space<vmem>>, vector<1x16xf32>,
        %get3A_601 = arith.index_cast %scan3A_376 : i32 to index
        %get3A_602 = arith.constant 256 : index
        %get3A_603 = tpu.vector_load %arg12[%get3A_601, %get3A_602] {strides = array<i32>} : memref<32x768xf32, #tpu.memory_space<vmem>>, vector<1x16xf32>,
        %get3A_604 = vector.shape_cast %get3A_603 : vector<1x16xf32> to vector<16xf32>
        %get3A_605 = arith.index_cast %scan3A_376 : i32 to index
        %get3A_606 = arith.constant 256 : index
        %get3A_607 = tpu.vector_load %arg13[%get3A_605, %get3A_606] {strides = array<i32>} : memref<32x768xf32, #tpu.memory_space<vmem>>, vector<1x16xf32>,
        %get3A_608 = vector.shape_cast %get3A_607 : vector<1x16xf32> to vector<16xf32>
        %add3A_609 = arith.addf %get3A_604, %get3A_608 : vector<16xf32>
        %swap3A_610 = arith.index_cast %scan3A_376 : i32 to index
        %swap3A_611 = arith.constant 256 : index
        %swap3A_612 = tpu.vector_load %arg10[%swap3A_610, %swap3A_611] {strides = array<i32>} : memref<32x768xf32, #tpu.memory_space<vmem>>, vector<1x16xf32>,
        %swap3A_613 = vector.shape_cast %swap3A_612 : vector<1x16xf32> to vector<16xf32>
        %swap3A_614 = vector.shape_cast %add3A_609 : vector<16xf32> to vector<1x16xf32>
        tpu.vector_store %arg10[%swap3A_610, %swap3A_611], %swap3A_614 {add = true, strides = array<i32>} : memref<32x768xf32, #tpu.memory_space<vmem>>, vector<1x16xf32>,
        %get3A_615 = arith.index_cast %scan3A_376 : i32 to index
        %get3A_616 = arith.constant 272 : index
        %get3A_617 = tpu.vector_load %arg12[%get3A_615, %get3A_616] {strides = array<i32>} : memref<32x768xf32, #tpu.memory_space<vmem>>, vector<1x16xf32>,
        %get3A_618 = vector.shape_cast %get3A_617 : vector<1x16xf32> to vector<16xf32>
        %get3A_619 = arith.index_cast %scan3A_376 : i32 to index
        %get3A_620 = arith.constant 272 : index
        %get3A_621 = tpu.vector_load %arg13[%get3A_619, %get3A_620] {strides = array<i32>} : memref<32x768xf32, #tpu.memory_space<vmem>>, vector<1x16xf32>,
        %get3A_622 = vector.shape_cast %get3A_621 : vector<1x16xf32> to vector<16xf32>
        %add3A_623 = arith.addf %get3A_618, %get3A_622 : vector<16xf32>
        %swap3A_624 = arith.index_cast %scan3A_376 : i32 to index
        %swap3A_625 = arith.constant 272 : index
        %swap3A_626 = tpu.vector_load %arg10[%swap3A_624, %swap3A_625] {strides = array<i32>} : memref<32x768xf32, #tpu.memory_space<vmem>>, vector<1x16xf32>,
        %swap3A_627 = vector.shape_cast %swap3A_626 : vector<1x16xf32> to vector<16xf32>
        %swap3A_628 = vector.shape_cast %add3A_623 : vector<16xf32> to vector<1x16xf32>
        tpu.vector_store %arg10[%swap3A_624, %swap3A_625], %swap3A_628 {add = true, strides = array<i32>} : memref<32x768xf32, #tpu.memory_space<vmem>>, vector<1x16xf32>,
        %get3A_629 = arith.index_cast %scan3A_376 : i32 to index
        %get3A_630 = arith.constant 288 : index
        %get3A_631 = tpu.vector_load %arg12[%get3A_629, %get3A_630] {strides = array<i32>} : memref<32x768xf32, #tpu.memory_space<vmem>>, vector<1x16xf32>,
        %get3A_632 = vector.shape_cast %get3A_631 : vector<1x16xf32> to vector<16xf32>
        %get3A_633 = arith.index_cast %scan3A_376 : i32 to index
        %get3A_634 = arith.constant 288 : index
        %get3A_635 = tpu.vector_load %arg13[%get3A_633, %get3A_634] {strides = array<i32>} : memref<32x768xf32, #tpu.memory_space<vmem>>, vector<1x16xf32>,
        %get3A_636 = vector.shape_cast %get3A_635 : vector<1x16xf32> to vector<16xf32>
        %add3A_637 = arith.addf %get3A_632, %get3A_636 : vector<16xf32>
        %swap3A_638 = arith.index_cast %scan3A_376 : i32 to index
        %swap3A_639 = arith.constant 288 : index
        %swap3A_640 = tpu.vector_load %arg10[%swap3A_638, %swap3A_639] {strides = array<i32>} : memref<32x768xf32, #tpu.memory_space<vmem>>, vector<1x16xf32>,
        %swap3A_641 = vector.shape_cast %swap3A_640 : vector<1x16xf32> to vector<16xf32>
        %swap3A_642 = vector.shape_cast %add3A_637 : vector<16xf32> to vector<1x16xf32>
        tpu.vector_store %arg10[%swap3A_638, %swap3A_639], %swap3A_642 {add = true, strides = array<i32>} : memref<32x768xf32, #tpu.memory_space<vmem>>, vector<1x16xf32>,
        %get3A_643 = arith.index_cast %scan3A_376 : i32 to index
        %get3A_644 = arith.constant 304 : index
        %get3A_645 = tpu.vector_load %arg12[%get3A_643, %get3A_644] {strides = array<i32>} : memref<32x768xf32, #tpu.memory_space<vmem>>, vector<1x16xf32>,
        %get3A_646 = vector.shape_cast %get3A_645 : vector<1x16xf32> to vector<16xf32>
        %get3A_647 = arith.index_cast %scan3A_376 : i32 to index
        %get3A_648 = arith.constant 304 : index
        %get3A_649 = tpu.vector_load %arg13[%get3A_647, %get3A_648] {strides = array<i32>} : memref<32x768xf32, #tpu.memory_space<vmem>>, vector<1x16xf32>,
        %get3A_650 = vector.shape_cast %get3A_649 : vector<1x16xf32> to vector<16xf32>
        %add3A_651 = arith.addf %get3A_646, %get3A_650 : vector<16xf32>
        %swap3A_652 = arith.index_cast %scan3A_376 : i32 to index
        %swap3A_653 = arith.constant 304 : index
        %swap3A_654 = tpu.vector_load %arg10[%swap3A_652, %swap3A_653] {strides = array<i32>} : memref<32x768xf32, #tpu.memory_space<vmem>>, vector<1x16xf32>,
        %swap3A_655 = vector.shape_cast %swap3A_654 : vector<1x16xf32> to vector<16xf32>
        %swap3A_656 = vector.shape_cast %add3A_651 : vector<16xf32> to vector<1x16xf32>
        tpu.vector_store %arg10[%swap3A_652, %swap3A_653], %swap3A_656 {add = true, strides = array<i32>} : memref<32x768xf32, #tpu.memory_space<vmem>>, vector<1x16xf32>,
        %get3A_657 = arith.index_cast %scan3A_376 : i32 to index
        %get3A_658 = arith.constant 320 : index
        %get3A_659 = tpu.vector_load %arg12[%get3A_657, %get3A_658] {strides = array<i32>} : memref<32x768xf32, #tpu.memory_space<vmem>>, vector<1x16xf32>,
        %get3A_660 = vector.shape_cast %get3A_659 : vector<1x16xf32> to vector<16xf32>
        %get3A_661 = arith.index_cast %scan3A_376 : i32 to index
        %get3A_662 = arith.constant 320 : index
        %get3A_663 = tpu.vector_load %arg13[%get3A_661, %get3A_662] {strides = array<i32>} : memref<32x768xf32, #tpu.memory_space<vmem>>, vector<1x16xf32>,
        %get3A_664 = vector.shape_cast %get3A_663 : vector<1x16xf32> to vector<16xf32>
        %add3A_665 = arith.addf %get3A_660, %get3A_664 : vector<16xf32>
        %swap3A_666 = arith.index_cast %scan3A_376 : i32 to index
        %swap3A_667 = arith.constant 320 : index
        %swap3A_668 = tpu.vector_load %arg10[%swap3A_666, %swap3A_667] {strides = array<i32>} : memref<32x768xf32, #tpu.memory_space<vmem>>, vector<1x16xf32>,
        %swap3A_669 = vector.shape_cast %swap3A_668 : vector<1x16xf32> to vector<16xf32>
        %swap3A_670 = vector.shape_cast %add3A_665 : vector<16xf32> to vector<1x16xf32>
        tpu.vector_store %arg10[%swap3A_666, %swap3A_667], %swap3A_670 {add = true, strides = array<i32>} : memref<32x768xf32, #tpu.memory_space<vmem>>, vector<1x16xf32>,
        %get3A_671 = arith.index_cast %scan3A_376 : i32 to index
        %get3A_672 = arith.constant 336 : index
        %get3A_673 = tpu.vector_load %arg12[%get3A_671, %get3A_672] {strides = array<i32>} : memref<32x768xf32, #tpu.memory_space<vmem>>, vector<1x16xf32>,
        %get3A_674 = vector.shape_cast %get3A_673 : vector<1x16xf32> to vector<16xf32>
        %get3A_675 = arith.index_cast %scan3A_376 : i32 to index
        %get3A_676 = arith.constant 336 : index
        %get3A_677 = tpu.vector_load %arg13[%get3A_675, %get3A_676] {strides = array<i32>} : memref<32x768xf32, #tpu.memory_space<vmem>>, vector<1x16xf32>,
        %get3A_678 = vector.shape_cast %get3A_677 : vector<1x16xf32> to vector<16xf32>
        %add3A_679 = arith.addf %get3A_674, %get3A_678 : vector<16xf32>
        %swap3A_680 = arith.index_cast %scan3A_376 : i32 to index
        %swap3A_681 = arith.constant 336 : index
        %swap3A_682 = tpu.vector_load %arg10[%swap3A_680, %swap3A_681] {strides = array<i32>} : memref<32x768xf32, #tpu.memory_space<vmem>>, vector<1x16xf32>,
        %swap3A_683 = vector.shape_cast %swap3A_682 : vector<1x16xf32> to vector<16xf32>
        %swap3A_684 = vector.shape_cast %add3A_679 : vector<16xf32> to vector<1x16xf32>
        tpu.vector_store %arg10[%swap3A_680, %swap3A_681], %swap3A_684 {add = true, strides = array<i32>} : memref<32x768xf32, #tpu.memory_space<vmem>>, vector<1x16xf32>,
        %get3A_685 = arith.index_cast %scan3A_376 : i32 to index
        %get3A_686 = arith.constant 352 : index
        %get3A_687 = tpu.vector_load %arg12[%get3A_685, %get3A_686] {strides = array<i32>} : memref<32x768xf32, #tpu.memory_space<vmem>>, vector<1x16xf32>,
        %get3A_688 = vector.shape_cast %get3A_687 : vector<1x16xf32> to vector<16xf32>
        %get3A_689 = arith.index_cast %scan3A_376 : i32 to index
        %get3A_690 = arith.constant 352 : index
        %get3A_691 = tpu.vector_load %arg13[%get3A_689, %get3A_690] {strides = array<i32>} : memref<32x768xf32, #tpu.memory_space<vmem>>, vector<1x16xf32>,
        %get3A_692 = vector.shape_cast %get3A_691 : vector<1x16xf32> to vector<16xf32>
        %add3A_693 = arith.addf %get3A_688, %get3A_692 : vector<16xf32>
        %swap3A_694 = arith.index_cast %scan3A_376 : i32 to index
        %swap3A_695 = arith.constant 352 : index
        %swap3A_696 = tpu.vector_load %arg10[%swap3A_694, %swap3A_695] {strides = array<i32>} : memref<32x768xf32, #tpu.memory_space<vmem>>, vector<1x16xf32>,
        %swap3A_697 = vector.shape_cast %swap3A_696 : vector<1x16xf32> to vector<16xf32>
        %swap3A_698 = vector.shape_cast %add3A_693 : vector<16xf32> to vector<1x16xf32>
        tpu.vector_store %arg10[%swap3A_694, %swap3A_695], %swap3A_698 {add = true, strides = array<i32>} : memref<32x768xf32, #tpu.memory_space<vmem>>, vector<1x16xf32>,
        %get3A_699 = arith.index_cast %scan3A_376 : i32 to index
        %get3A_700 = arith.constant 368 : index
        %get3A_701 = tpu.vector_load %arg12[%get3A_699, %get3A_700] {strides = array<i32>} : memref<32x768xf32, #tpu.memory_space<vmem>>, vector<1x16xf32>,
        %get3A_702 = vector.shape_cast %get3A_701 : vector<1x16xf32> to vector<16xf32>
        %get3A_703 = arith.index_cast %scan3A_376 : i32 to index
        %get3A_704 = arith.constant 368 : index
        %get3A_705 = tpu.vector_load %arg13[%get3A_703, %get3A_704] {strides = array<i32>} : memref<32x768xf32, #tpu.memory_space<vmem>>, vector<1x16xf32>,
        %get3A_706 = vector.shape_cast %get3A_705 : vector<1x16xf32> to vector<16xf32>
        %add3A_707 = arith.addf %get3A_702, %get3A_706 : vector<16xf32>
        %swap3A_708 = arith.index_cast %scan3A_376 : i32 to index
        %swap3A_709 = arith.constant 368 : index
        %swap3A_710 = tpu.vector_load %arg10[%swap3A_708, %swap3A_709] {strides = array<i32>} : memref<32x768xf32, #tpu.memory_space<vmem>>, vector<1x16xf32>,
        %swap3A_711 = vector.shape_cast %swap3A_710 : vector<1x16xf32> to vector<16xf32>
        %swap3A_712 = vector.shape_cast %add3A_707 : vector<16xf32> to vector<1x16xf32>
        tpu.vector_store %arg10[%swap3A_708, %swap3A_709], %swap3A_712 {add = true, strides = array<i32>} : memref<32x768xf32, #tpu.memory_space<vmem>>, vector<1x16xf32>,
        %get3A_713 = arith.index_cast %scan3A_376 : i32 to index
        %get3A_714 = arith.constant 384 : index
        %get3A_715 = tpu.vector_load %arg12[%get3A_713, %get3A_714] {strides = array<i32>} : memref<32x768xf32, #tpu.memory_space<vmem>>, vector<1x16xf32>,
        %get3A_716 = vector.shape_cast %get3A_715 : vector<1x16xf32> to vector<16xf32>
        %get3A_717 = arith.index_cast %scan3A_376 : i32 to index
        %get3A_718 = arith.constant 384 : index
        %get3A_719 = tpu.vector_load %arg13[%get3A_717, %get3A_718] {strides = array<i32>} : memref<32x768xf32, #tpu.memory_space<vmem>>, vector<1x16xf32>,
        %get3A_720 = vector.shape_cast %get3A_719 : vector<1x16xf32> to vector<16xf32>
        %add3A_721 = arith.addf %get3A_716, %get3A_720 : vector<16xf32>
        %swap3A_722 = arith.index_cast %scan3A_376 : i32 to index
        %swap3A_723 = arith.constant 384 : index
        %swap3A_724 = tpu.vector_load %arg10[%swap3A_722, %swap3A_723] {strides = array<i32>} : memref<32x768xf32, #tpu.memory_space<vmem>>, vector<1x16xf32>,
        %swap3A_725 = vector.shape_cast %swap3A_724 : vector<1x16xf32> to vector<16xf32>
        %swap3A_726 = vector.shape_cast %add3A_721 : vector<16xf32> to vector<1x16xf32>
        tpu.vector_store %arg10[%swap3A_722, %swap3A_723], %swap3A_726 {add = true, strides = array<i32>} : memref<32x768xf32, #tpu.memory_space<vmem>>, vector<1x16xf32>,
        %get3A_727 = arith.index_cast %scan3A_376 : i32 to index
        %get3A_728 = arith.constant 400 : index
        %get3A_729 = tpu.vector_load %arg12[%get3A_727, %get3A_728] {strides = array<i32>} : memref<32x768xf32, #tpu.memory_space<vmem>>, vector<1x16xf32>,
        %get3A_730 = vector.shape_cast %get3A_729 : vector<1x16xf32> to vector<16xf32>
        %get3A_731 = arith.index_cast %scan3A_376 : i32 to index
        %get3A_732 = arith.constant 400 : index
        %get3A_733 = tpu.vector_load %arg13[%get3A_731, %get3A_732] {strides = array<i32>} : memref<32x768xf32, #tpu.memory_space<vmem>>, vector<1x16xf32>,
        %get3A_734 = vector.shape_cast %get3A_733 : vector<1x16xf32> to vector<16xf32>
        %add3A_735 = arith.addf %get3A_730, %get3A_734 : vector<16xf32>
        %swap3A_736 = arith.index_cast %scan3A_376 : i32 to index
        %swap3A_737 = arith.constant 400 : index
        %swap3A_738 = tpu.vector_load %arg10[%swap3A_736, %swap3A_737] {strides = array<i32>} : memref<32x768xf32, #tpu.memory_space<vmem>>, vector<1x16xf32>,
        %swap3A_739 = vector.shape_cast %swap3A_738 : vector<1x16xf32> to vector<16xf32>
        %swap3A_740 = vector.shape_cast %add3A_735 : vector<16xf32> to vector<1x16xf32>
        tpu.vector_store %arg10[%swap3A_736, %swap3A_737], %swap3A_740 {add = true, strides = array<i32>} : memref<32x768xf32, #tpu.memory_space<vmem>>, vector<1x16xf32>,
        %get3A_741 = arith.index_cast %scan3A_376 : i32 to index
        %get3A_742 = arith.constant 416 : index
        %get3A_743 = tpu.vector_load %arg12[%get3A_741, %get3A_742] {strides = array<i32>} : memref<32x768xf32, #tpu.memory_space<vmem>>, vector<1x16xf32>,
        %get3A_744 = vector.shape_cast %get3A_743 : vector<1x16xf32> to vector<16xf32>
        %get3A_745 = arith.index_cast %scan3A_376 : i32 to index
        %get3A_746 = arith.constant 416 : index
        %get3A_747 = tpu.vector_load %arg13[%get3A_745, %get3A_746] {strides = array<i32>} : memref<32x768xf32, #tpu.memory_space<vmem>>, vector<1x16xf32>,
        %get3A_748 = vector.shape_cast %get3A_747 : vector<1x16xf32> to vector<16xf32>
        %add3A_749 = arith.addf %get3A_744, %get3A_748 : vector<16xf32>
        %swap3A_750 = arith.index_cast %scan3A_376 : i32 to index
        %swap3A_751 = arith.constant 416 : index
        %swap3A_752 = tpu.vector_load %arg10[%swap3A_750, %swap3A_751] {strides = array<i32>} : memref<32x768xf32, #tpu.memory_space<vmem>>, vector<1x16xf32>,
        %swap3A_753 = vector.shape_cast %swap3A_752 : vector<1x16xf32> to vector<16xf32>
        %swap3A_754 = vector.shape_cast %add3A_749 : vector<16xf32> to vector<1x16xf32>
        tpu.vector_store %arg10[%swap3A_750, %swap3A_751], %swap3A_754 {add = true, strides = array<i32>} : memref<32x768xf32, #tpu.memory_space<vmem>>, vector<1x16xf32>,
        %get3A_755 = arith.index_cast %scan3A_376 : i32 to index
        %get3A_756 = arith.constant 432 : index
        %get3A_757 = tpu.vector_load %arg12[%get3A_755, %get3A_756] {strides = array<i32>} : memref<32x768xf32, #tpu.memory_space<vmem>>, vector<1x16xf32>,
        %get3A_758 = vector.shape_cast %get3A_757 : vector<1x16xf32> to vector<16xf32>
        %get3A_759 = arith.index_cast %scan3A_376 : i32 to index
        %get3A_760 = arith.constant 432 : index
        %get3A_761 = tpu.vector_load %arg13[%get3A_759, %get3A_760] {strides = array<i32>} : memref<32x768xf32, #tpu.memory_space<vmem>>, vector<1x16xf32>,
        %get3A_762 = vector.shape_cast %get3A_761 : vector<1x16xf32> to vector<16xf32>
        %add3A_763 = arith.addf %get3A_758, %get3A_762 : vector<16xf32>
        %swap3A_764 = arith.index_cast %scan3A_376 : i32 to index
        %swap3A_765 = arith.constant 432 : index
        %swap3A_766 = tpu.vector_load %arg10[%swap3A_764, %swap3A_765] {strides = array<i32>} : memref<32x768xf32, #tpu.memory_space<vmem>>, vector<1x16xf32>,
        %swap3A_767 = vector.shape_cast %swap3A_766 : vector<1x16xf32> to vector<16xf32>
        %swap3A_768 = vector.shape_cast %add3A_763 : vector<16xf32> to vector<1x16xf32>
        tpu.vector_store %arg10[%swap3A_764, %swap3A_765], %swap3A_768 {add = true, strides = array<i32>} : memref<32x768xf32, #tpu.memory_space<vmem>>, vector<1x16xf32>,
        %get3A_769 = arith.index_cast %scan3A_376 : i32 to index
        %get3A_770 = arith.constant 448 : index
        %get3A_771 = tpu.vector_load %arg12[%get3A_769, %get3A_770] {strides = array<i32>} : memref<32x768xf32, #tpu.memory_space<vmem>>, vector<1x16xf32>,
        %get3A_772 = vector.shape_cast %get3A_771 : vector<1x16xf32> to vector<16xf32>
        %get3A_773 = arith.index_cast %scan3A_376 : i32 to index
        %get3A_774 = arith.constant 448 : index
        %get3A_775 = tpu.vector_load %arg13[%get3A_773, %get3A_774] {strides = array<i32>} : memref<32x768xf32, #tpu.memory_space<vmem>>, vector<1x16xf32>,
        %get3A_776 = vector.shape_cast %get3A_775 : vector<1x16xf32> to vector<16xf32>
        %add3A_777 = arith.addf %get3A_772, %get3A_776 : vector<16xf32>
        %swap3A_778 = arith.index_cast %scan3A_376 : i32 to index
        %swap3A_779 = arith.constant 448 : index
        %swap3A_780 = tpu.vector_load %arg10[%swap3A_778, %swap3A_779] {strides = array<i32>} : memref<32x768xf32, #tpu.memory_space<vmem>>, vector<1x16xf32>,
        %swap3A_781 = vector.shape_cast %swap3A_780 : vector<1x16xf32> to vector<16xf32>
        %swap3A_782 = vector.shape_cast %add3A_777 : vector<16xf32> to vector<1x16xf32>
        tpu.vector_store %arg10[%swap3A_778, %swap3A_779], %swap3A_782 {add = true, strides = array<i32>} : memref<32x768xf32, #tpu.memory_space<vmem>>, vector<1x16xf32>,
        %get3A_783 = arith.index_cast %scan3A_376 : i32 to index
        %get3A_784 = arith.constant 464 : index
        %get3A_785 = tpu.vector_load %arg12[%get3A_783, %get3A_784] {strides = array<i32>} : memref<32x768xf32, #tpu.memory_space<vmem>>, vector<1x16xf32>,
        %get3A_786 = vector.shape_cast %get3A_785 : vector<1x16xf32> to vector<16xf32>
        %get3A_787 = arith.index_cast %scan3A_376 : i32 to index
        %get3A_788 = arith.constant 464 : index
        %get3A_789 = tpu.vector_load %arg13[%get3A_787, %get3A_788] {strides = array<i32>} : memref<32x768xf32, #tpu.memory_space<vmem>>, vector<1x16xf32>,
        %get3A_790 = vector.shape_cast %get3A_789 : vector<1x16xf32> to vector<16xf32>
        %add3A_791 = arith.addf %get3A_786, %get3A_790 : vector<16xf32>
        %swap3A_792 = arith.index_cast %scan3A_376 : i32 to index
        %swap3A_793 = arith.constant 464 : index
        %swap3A_794 = tpu.vector_load %arg10[%swap3A_792, %swap3A_793] {strides = array<i32>} : memref<32x768xf32, #tpu.memory_space<vmem>>, vector<1x16xf32>,
        %swap3A_795 = vector.shape_cast %swap3A_794 : vector<1x16xf32> to vector<16xf32>
        %swap3A_796 = vector.shape_cast %add3A_791 : vector<16xf32> to vector<1x16xf32>
        tpu.vector_store %arg10[%swap3A_792, %swap3A_793], %swap3A_796 {add = true, strides = array<i32>} : memref<32x768xf32, #tpu.memory_space<vmem>>, vector<1x16xf32>,
        %get3A_797 = arith.index_cast %scan3A_376 : i32 to index
        %get3A_798 = arith.constant 480 : index
        %get3A_799 = tpu.vector_load %arg12[%get3A_797, %get3A_798] {strides = array<i32>} : memref<32x768xf32, #tpu.memory_space<vmem>>, vector<1x16xf32>,
        %get3A_800 = vector.shape_cast %get3A_799 : vector<1x16xf32> to vector<16xf32>
        %get3A_801 = arith.index_cast %scan3A_376 : i32 to index
        %get3A_802 = arith.constant 480 : index
        %get3A_803 = tpu.vector_load %arg13[%get3A_801, %get3A_802] {strides = array<i32>} : memref<32x768xf32, #tpu.memory_space<vmem>>, vector<1x16xf32>,
        %get3A_804 = vector.shape_cast %get3A_803 : vector<1x16xf32> to vector<16xf32>
        %add3A_805 = arith.addf %get3A_800, %get3A_804 : vector<16xf32>
        %swap3A_806 = arith.index_cast %scan3A_376 : i32 to index
        %swap3A_807 = arith.constant 480 : index
        %swap3A_808 = tpu.vector_load %arg10[%swap3A_806, %swap3A_807] {strides = array<i32>} : memref<32x768xf32, #tpu.memory_space<vmem>>, vector<1x16xf32>,
        %swap3A_809 = vector.shape_cast %swap3A_808 : vector<1x16xf32> to vector<16xf32>
        %swap3A_810 = vector.shape_cast %add3A_805 : vector<16xf32> to vector<1x16xf32>
        tpu.vector_store %arg10[%swap3A_806, %swap3A_807], %swap3A_810 {add = true, strides = array<i32>} : memref<32x768xf32, #tpu.memory_space<vmem>>, vector<1x16xf32>,
        %get3A_811 = arith.index_cast %scan3A_376 : i32 to index
        %get3A_812 = arith.constant 496 : index
        %get3A_813 = tpu.vector_load %arg12[%get3A_811, %get3A_812] {strides = array<i32>} : memref<32x768xf32, #tpu.memory_space<vmem>>, vector<1x16xf32>,
        %get3A_814 = vector.shape_cast %get3A_813 : vector<1x16xf32> to vector<16xf32>
        %get3A_815 = arith.index_cast %scan3A_376 : i32 to index
        %get3A_816 = arith.constant 496 : index
        %get3A_817 = tpu.vector_load %arg13[%get3A_815, %get3A_816] {strides = array<i32>} : memref<32x768xf32, #tpu.memory_space<vmem>>, vector<1x16xf32>,
        %get3A_818 = vector.shape_cast %get3A_817 : vector<1x16xf32> to vector<16xf32>
        %add3A_819 = arith.addf %get3A_814, %get3A_818 : vector<16xf32>
        %swap3A_820 = arith.index_cast %scan3A_376 : i32 to index
        %swap3A_821 = arith.constant 496 : index
        %swap3A_822 = tpu.vector_load %arg10[%swap3A_820, %swap3A_821] {strides = array<i32>} : memref<32x768xf32, #tpu.memory_space<vmem>>, vector<1x16xf32>,
        %swap3A_823 = vector.shape_cast %swap3A_822 : vector<1x16xf32> to vector<16xf32>
        %swap3A_824 = vector.shape_cast %add3A_819 : vector<16xf32> to vector<1x16xf32>
        tpu.vector_store %arg10[%swap3A_820, %swap3A_821], %swap3A_824 {add = true, strides = array<i32>} : memref<32x768xf32, #tpu.memory_space<vmem>>, vector<1x16xf32>,
        %get3A_825 = arith.index_cast %scan3A_376 : i32 to index
        %get3A_826 = arith.constant 512 : index
        %get3A_827 = tpu.vector_load %arg12[%get3A_825, %get3A_826] {strides = array<i32>} : memref<32x768xf32, #tpu.memory_space<vmem>>, vector<1x16xf32>,
        %get3A_828 = vector.shape_cast %get3A_827 : vector<1x16xf32> to vector<16xf32>
        %get3A_829 = arith.index_cast %scan3A_376 : i32 to index
        %get3A_830 = arith.constant 512 : index
        %get3A_831 = tpu.vector_load %arg13[%get3A_829, %get3A_830] {strides = array<i32>} : memref<32x768xf32, #tpu.memory_space<vmem>>, vector<1x16xf32>,
        %get3A_832 = vector.shape_cast %get3A_831 : vector<1x16xf32> to vector<16xf32>
        %add3A_833 = arith.addf %get3A_828, %get3A_832 : vector<16xf32>
        %swap3A_834 = arith.index_cast %scan3A_376 : i32 to index
        %swap3A_835 = arith.constant 512 : index
        %swap3A_836 = tpu.vector_load %arg10[%swap3A_834, %swap3A_835] {strides = array<i32>} : memref<32x768xf32, #tpu.memory_space<vmem>>, vector<1x16xf32>,
        %swap3A_837 = vector.shape_cast %swap3A_836 : vector<1x16xf32> to vector<16xf32>
        %swap3A_838 = vector.shape_cast %add3A_833 : vector<16xf32> to vector<1x16xf32>
        tpu.vector_store %arg10[%swap3A_834, %swap3A_835], %swap3A_838 {add = true, strides = array<i32>} : memref<32x768xf32, #tpu.memory_space<vmem>>, vector<1x16xf32>,
        %get3A_839 = arith.index_cast %scan3A_376 : i32 to index
        %get3A_840 = arith.constant 528 : index
        %get3A_841 = tpu.vector_load %arg12[%get3A_839, %get3A_840] {strides = array<i32>} : memref<32x768xf32, #tpu.memory_space<vmem>>, vector<1x16xf32>,
        %get3A_842 = vector.shape_cast %get3A_841 : vector<1x16xf32> to vector<16xf32>
        %get3A_843 = arith.index_cast %scan3A_376 : i32 to index
        %get3A_844 = arith.constant 528 : index
        %get3A_845 = tpu.vector_load %arg13[%get3A_843, %get3A_844] {strides = array<i32>} : memref<32x768xf32, #tpu.memory_space<vmem>>, vector<1x16xf32>,
        %get3A_846 = vector.shape_cast %get3A_845 : vector<1x16xf32> to vector<16xf32>
        %add3A_847 = arith.addf %get3A_842, %get3A_846 : vector<16xf32>
        %swap3A_848 = arith.index_cast %scan3A_376 : i32 to index
        %swap3A_849 = arith.constant 528 : index
        %swap3A_850 = tpu.vector_load %arg10[%swap3A_848, %swap3A_849] {strides = array<i32>} : memref<32x768xf32, #tpu.memory_space<vmem>>, vector<1x16xf32>,
        %swap3A_851 = vector.shape_cast %swap3A_850 : vector<1x16xf32> to vector<16xf32>
        %swap3A_852 = vector.shape_cast %add3A_847 : vector<16xf32> to vector<1x16xf32>
        tpu.vector_store %arg10[%swap3A_848, %swap3A_849], %swap3A_852 {add = true, strides = array<i32>} : memref<32x768xf32, #tpu.memory_space<vmem>>, vector<1x16xf32>,
        %get3A_853 = arith.index_cast %scan3A_376 : i32 to index
        %get3A_854 = arith.constant 544 : index
        %get3A_855 = tpu.vector_load %arg12[%get3A_853, %get3A_854] {strides = array<i32>} : memref<32x768xf32, #tpu.memory_space<vmem>>, vector<1x16xf32>,
        %get3A_856 = vector.shape_cast %get3A_855 : vector<1x16xf32> to vector<16xf32>
        %get3A_857 = arith.index_cast %scan3A_376 : i32 to index
        %get3A_858 = arith.constant 544 : index
        %get3A_859 = tpu.vector_load %arg13[%get3A_857, %get3A_858] {strides = array<i32>} : memref<32x768xf32, #tpu.memory_space<vmem>>, vector<1x16xf32>,
        %get3A_860 = vector.shape_cast %get3A_859 : vector<1x16xf32> to vector<16xf32>
        %add3A_861 = arith.addf %get3A_856, %get3A_860 : vector<16xf32>
        %swap3A_862 = arith.index_cast %scan3A_376 : i32 to index
        %swap3A_863 = arith.constant 544 : index
        %swap3A_864 = tpu.vector_load %arg10[%swap3A_862, %swap3A_863] {strides = array<i32>} : memref<32x768xf32, #tpu.memory_space<vmem>>, vector<1x16xf32>,
        %swap3A_865 = vector.shape_cast %swap3A_864 : vector<1x16xf32> to vector<16xf32>
        %swap3A_866 = vector.shape_cast %add3A_861 : vector<16xf32> to vector<1x16xf32>
        tpu.vector_store %arg10[%swap3A_862, %swap3A_863], %swap3A_866 {add = true, strides = array<i32>} : memref<32x768xf32, #tpu.memory_space<vmem>>, vector<1x16xf32>,
        %get3A_867 = arith.index_cast %scan3A_376 : i32 to index
        %get3A_868 = arith.constant 560 : index
        %get3A_869 = tpu.vector_load %arg12[%get3A_867, %get3A_868] {strides = array<i32>} : memref<32x768xf32, #tpu.memory_space<vmem>>, vector<1x16xf32>,
        %get3A_870 = vector.shape_cast %get3A_869 : vector<1x16xf32> to vector<16xf32>
        %get3A_871 = arith.index_cast %scan3A_376 : i32 to index
        %get3A_872 = arith.constant 560 : index
        %get3A_873 = tpu.vector_load %arg13[%get3A_871, %get3A_872] {strides = array<i32>} : memref<32x768xf32, #tpu.memory_space<vmem>>, vector<1x16xf32>,
        %get3A_874 = vector.shape_cast %get3A_873 : vector<1x16xf32> to vector<16xf32>
        %add3A_875 = arith.addf %get3A_870, %get3A_874 : vector<16xf32>
        %swap3A_876 = arith.index_cast %scan3A_376 : i32 to index
        %swap3A_877 = arith.constant 560 : index
        %swap3A_878 = tpu.vector_load %arg10[%swap3A_876, %swap3A_877] {strides = array<i32>} : memref<32x768xf32, #tpu.memory_space<vmem>>, vector<1x16xf32>,
        %swap3A_879 = vector.shape_cast %swap3A_878 : vector<1x16xf32> to vector<16xf32>
        %swap3A_880 = vector.shape_cast %add3A_875 : vector<16xf32> to vector<1x16xf32>
        tpu.vector_store %arg10[%swap3A_876, %swap3A_877], %swap3A_880 {add = true, strides = array<i32>} : memref<32x768xf32, #tpu.memory_space<vmem>>, vector<1x16xf32>,
        %get3A_881 = arith.index_cast %scan3A_376 : i32 to index
        %get3A_882 = arith.constant 576 : index
        %get3A_883 = tpu.vector_load %arg12[%get3A_881, %get3A_882] {strides = array<i32>} : memref<32x768xf32, #tpu.memory_space<vmem>>, vector<1x16xf32>,
        %get3A_884 = vector.shape_cast %get3A_883 : vector<1x16xf32> to vector<16xf32>
        %get3A_885 = arith.index_cast %scan3A_376 : i32 to index
        %get3A_886 = arith.constant 576 : index
        %get3A_887 = tpu.vector_load %arg13[%get3A_885, %get3A_886] {strides = array<i32>} : memref<32x768xf32, #tpu.memory_space<vmem>>, vector<1x16xf32>,
        %get3A_888 = vector.shape_cast %get3A_887 : vector<1x16xf32> to vector<16xf32>
        %add3A_889 = arith.addf %get3A_884, %get3A_888 : vector<16xf32>
        %swap3A_890 = arith.index_cast %scan3A_376 : i32 to index
        %swap3A_891 = arith.constant 576 : index
        %swap3A_892 = tpu.vector_load %arg10[%swap3A_890, %swap3A_891] {strides = array<i32>} : memref<32x768xf32, #tpu.memory_space<vmem>>, vector<1x16xf32>,
        %swap3A_893 = vector.shape_cast %swap3A_892 : vector<1x16xf32> to vector<16xf32>
        %swap3A_894 = vector.shape_cast %add3A_889 : vector<16xf32> to vector<1x16xf32>
        tpu.vector_store %arg10[%swap3A_890, %swap3A_891], %swap3A_894 {add = true, strides = array<i32>} : memref<32x768xf32, #tpu.memory_space<vmem>>, vector<1x16xf32>,
        %get3A_895 = arith.index_cast %scan3A_376 : i32 to index
        %get3A_896 = arith.constant 592 : index
        %get3A_897 = tpu.vector_load %arg12[%get3A_895, %get3A_896] {strides = array<i32>} : memref<32x768xf32, #tpu.memory_space<vmem>>, vector<1x16xf32>,
        %get3A_898 = vector.shape_cast %get3A_897 : vector<1x16xf32> to vector<16xf32>
        %get3A_899 = arith.index_cast %scan3A_376 : i32 to index
        %get3A_900 = arith.constant 592 : index
        %get3A_901 = tpu.vector_load %arg13[%get3A_899, %get3A_900] {strides = array<i32>} : memref<32x768xf32, #tpu.memory_space<vmem>>, vector<1x16xf32>,
        %get3A_902 = vector.shape_cast %get3A_901 : vector<1x16xf32> to vector<16xf32>
        %add3A_903 = arith.addf %get3A_898, %get3A_902 : vector<16xf32>
        %swap3A_904 = arith.index_cast %scan3A_376 : i32 to index
        %swap3A_905 = arith.constant 592 : index
        %swap3A_906 = tpu.vector_load %arg10[%swap3A_904, %swap3A_905] {strides = array<i32>} : memref<32x768xf32, #tpu.memory_space<vmem>>, vector<1x16xf32>,
        %swap3A_907 = vector.shape_cast %swap3A_906 : vector<1x16xf32> to vector<16xf32>
        %swap3A_908 = vector.shape_cast %add3A_903 : vector<16xf32> to vector<1x16xf32>
        tpu.vector_store %arg10[%swap3A_904, %swap3A_905], %swap3A_908 {add = true, strides = array<i32>} : memref<32x768xf32, #tpu.memory_space<vmem>>, vector<1x16xf32>,
        %get3A_909 = arith.index_cast %scan3A_376 : i32 to index
        %get3A_910 = arith.constant 608 : index
        %get3A_911 = tpu.vector_load %arg12[%get3A_909, %get3A_910] {strides = array<i32>} : memref<32x768xf32, #tpu.memory_space<vmem>>, vector<1x16xf32>,
        %get3A_912 = vector.shape_cast %get3A_911 : vector<1x16xf32> to vector<16xf32>
        %get3A_913 = arith.index_cast %scan3A_376 : i32 to index
        %get3A_914 = arith.constant 608 : index
        %get3A_915 = tpu.vector_load %arg13[%get3A_913, %get3A_914] {strides = array<i32>} : memref<32x768xf32, #tpu.memory_space<vmem>>, vector<1x16xf32>,
        %get3A_916 = vector.shape_cast %get3A_915 : vector<1x16xf32> to vector<16xf32>
        %add3A_917 = arith.addf %get3A_912, %get3A_916 : vector<16xf32>
        %swap3A_918 = arith.index_cast %scan3A_376 : i32 to index
        %swap3A_919 = arith.constant 608 : index
        %swap3A_920 = tpu.vector_load %arg10[%swap3A_918, %swap3A_919] {strides = array<i32>} : memref<32x768xf32, #tpu.memory_space<vmem>>, vector<1x16xf32>,
        %swap3A_921 = vector.shape_cast %swap3A_920 : vector<1x16xf32> to vector<16xf32>
        %swap3A_922 = vector.shape_cast %add3A_917 : vector<16xf32> to vector<1x16xf32>
        tpu.vector_store %arg10[%swap3A_918, %swap3A_919], %swap3A_922 {add = true, strides = array<i32>} : memref<32x768xf32, #tpu.memory_space<vmem>>, vector<1x16xf32>,
        %get3A_923 = arith.index_cast %scan3A_376 : i32 to index
        %get3A_924 = arith.constant 624 : index
        %get3A_925 = tpu.vector_load %arg12[%get3A_923, %get3A_924] {strides = array<i32>} : memref<32x768xf32, #tpu.memory_space<vmem>>, vector<1x16xf32>,
        %get3A_926 = vector.shape_cast %get3A_925 : vector<1x16xf32> to vector<16xf32>
        %get3A_927 = arith.index_cast %scan3A_376 : i32 to index
        %get3A_928 = arith.constant 624 : index
        %get3A_929 = tpu.vector_load %arg13[%get3A_927, %get3A_928] {strides = array<i32>} : memref<32x768xf32, #tpu.memory_space<vmem>>, vector<1x16xf32>,
        %get3A_930 = vector.shape_cast %get3A_929 : vector<1x16xf32> to vector<16xf32>
        %add3A_931 = arith.addf %get3A_926, %get3A_930 : vector<16xf32>
        %swap3A_932 = arith.index_cast %scan3A_376 : i32 to index
        %swap3A_933 = arith.constant 624 : index
        %swap3A_934 = tpu.vector_load %arg10[%swap3A_932, %swap3A_933] {strides = array<i32>} : memref<32x768xf32, #tpu.memory_space<vmem>>, vector<1x16xf32>,
        %swap3A_935 = vector.shape_cast %swap3A_934 : vector<1x16xf32> to vector<16xf32>
        %swap3A_936 = vector.shape_cast %add3A_931 : vector<16xf32> to vector<1x16xf32>
        tpu.vector_store %arg10[%swap3A_932, %swap3A_933], %swap3A_936 {add = true, strides = array<i32>} : memref<32x768xf32, #tpu.memory_space<vmem>>, vector<1x16xf32>,
        %get3A_937 = arith.index_cast %scan3A_376 : i32 to index
        %get3A_938 = arith.constant 640 : index
        %get3A_939 = tpu.vector_load %arg12[%get3A_937, %get3A_938] {strides = array<i32>} : memref<32x768xf32, #tpu.memory_space<vmem>>, vector<1x16xf32>,
        %get3A_940 = vector.shape_cast %get3A_939 : vector<1x16xf32> to vector<16xf32>
        %get3A_941 = arith.index_cast %scan3A_376 : i32 to index
        %get3A_942 = arith.constant 640 : index
        %get3A_943 = tpu.vector_load %arg13[%get3A_941, %get3A_942] {strides = array<i32>} : memref<32x768xf32, #tpu.memory_space<vmem>>, vector<1x16xf32>,
        %get3A_944 = vector.shape_cast %get3A_943 : vector<1x16xf32> to vector<16xf32>
        %add3A_945 = arith.addf %get3A_940, %get3A_944 : vector<16xf32>
        %swap3A_946 = arith.index_cast %scan3A_376 : i32 to index
        %swap3A_947 = arith.constant 640 : index
        %swap3A_948 = tpu.vector_load %arg10[%swap3A_946, %swap3A_947] {strides = array<i32>} : memref<32x768xf32, #tpu.memory_space<vmem>>, vector<1x16xf32>,
        %swap3A_949 = vector.shape_cast %swap3A_948 : vector<1x16xf32> to vector<16xf32>
        %swap3A_950 = vector.shape_cast %add3A_945 : vector<16xf32> to vector<1x16xf32>
        tpu.vector_store %arg10[%swap3A_946, %swap3A_947], %swap3A_950 {add = true, strides = array<i32>} : memref<32x768xf32, #tpu.memory_space<vmem>>, vector<1x16xf32>,
        %get3A_951 = arith.index_cast %scan3A_376 : i32 to index
        %get3A_952 = arith.constant 656 : index
        %get3A_953 = tpu.vector_load %arg12[%get3A_951, %get3A_952] {strides = array<i32>} : memref<32x768xf32, #tpu.memory_space<vmem>>, vector<1x16xf32>,
        %get3A_954 = vector.shape_cast %get3A_953 : vector<1x16xf32> to vector<16xf32>
        %get3A_955 = arith.index_cast %scan3A_376 : i32 to index
        %get3A_956 = arith.constant 656 : index
        %get3A_957 = tpu.vector_load %arg13[%get3A_955, %get3A_956] {strides = array<i32>} : memref<32x768xf32, #tpu.memory_space<vmem>>, vector<1x16xf32>,
        %get3A_958 = vector.shape_cast %get3A_957 : vector<1x16xf32> to vector<16xf32>
        %add3A_959 = arith.addf %get3A_954, %get3A_958 : vector<16xf32>
        %swap3A_960 = arith.index_cast %scan3A_376 : i32 to index
        %swap3A_961 = arith.constant 656 : index
        %swap3A_962 = tpu.vector_load %arg10[%swap3A_960, %swap3A_961] {strides = array<i32>} : memref<32x768xf32, #tpu.memory_space<vmem>>, vector<1x16xf32>,
        %swap3A_963 = vector.shape_cast %swap3A_962 : vector<1x16xf32> to vector<16xf32>
        %swap3A_964 = vector.shape_cast %add3A_959 : vector<16xf32> to vector<1x16xf32>
        tpu.vector_store %arg10[%swap3A_960, %swap3A_961], %swap3A_964 {add = true, strides = array<i32>} : memref<32x768xf32, #tpu.memory_space<vmem>>, vector<1x16xf32>,
        %get3A_965 = arith.index_cast %scan3A_376 : i32 to index
        %get3A_966 = arith.constant 672 : index
        %get3A_967 = tpu.vector_load %arg12[%get3A_965, %get3A_966] {strides = array<i32>} : memref<32x768xf32, #tpu.memory_space<vmem>>, vector<1x16xf32>,
        %get3A_968 = vector.shape_cast %get3A_967 : vector<1x16xf32> to vector<16xf32>
        %get3A_969 = arith.index_cast %scan3A_376 : i32 to index
        %get3A_970 = arith.constant 672 : index
        %get3A_971 = tpu.vector_load %arg13[%get3A_969, %get3A_970] {strides = array<i32>} : memref<32x768xf32, #tpu.memory_space<vmem>>, vector<1x16xf32>,
        %get3A_972 = vector.shape_cast %get3A_971 : vector<1x16xf32> to vector<16xf32>
        %add3A_973 = arith.addf %get3A_968, %get3A_972 : vector<16xf32>
        %swap3A_974 = arith.index_cast %scan3A_376 : i32 to index
        %swap3A_975 = arith.constant 672 : index
        %swap3A_976 = tpu.vector_load %arg10[%swap3A_974, %swap3A_975] {strides = array<i32>} : memref<32x768xf32, #tpu.memory_space<vmem>>, vector<1x16xf32>,
        %swap3A_977 = vector.shape_cast %swap3A_976 : vector<1x16xf32> to vector<16xf32>
        %swap3A_978 = vector.shape_cast %add3A_973 : vector<16xf32> to vector<1x16xf32>
        tpu.vector_store %arg10[%swap3A_974, %swap3A_975], %swap3A_978 {add = true, strides = array<i32>} : memref<32x768xf32, #tpu.memory_space<vmem>>, vector<1x16xf32>,
        %get3A_979 = arith.index_cast %scan3A_376 : i32 to index
        %get3A_980 = arith.constant 688 : index
        %get3A_981 = tpu.vector_load %arg12[%get3A_979, %get3A_980] {strides = array<i32>} : memref<32x768xf32, #tpu.memory_space<vmem>>, vector<1x16xf32>,
        %get3A_982 = vector.shape_cast %get3A_981 : vector<1x16xf32> to vector<16xf32>
        %get3A_983 = arith.index_cast %scan3A_376 : i32 to index
        %get3A_984 = arith.constant 688 : index
        %get3A_985 = tpu.vector_load %arg13[%get3A_983, %get3A_984] {strides = array<i32>} : memref<32x768xf32, #tpu.memory_space<vmem>>, vector<1x16xf32>,
        %get3A_986 = vector.shape_cast %get3A_985 : vector<1x16xf32> to vector<16xf32>
        %add3A_987 = arith.addf %get3A_982, %get3A_986 : vector<16xf32>
        %swap3A_988 = arith.index_cast %scan3A_376 : i32 to index
        %swap3A_989 = arith.constant 688 : index
        %swap3A_990 = tpu.vector_load %arg10[%swap3A_988, %swap3A_989] {strides = array<i32>} : memref<32x768xf32, #tpu.memory_space<vmem>>, vector<1x16xf32>,
        %swap3A_991 = vector.shape_cast %swap3A_990 : vector<1x16xf32> to vector<16xf32>
        %swap3A_992 = vector.shape_cast %add3A_987 : vector<16xf32> to vector<1x16xf32>
        tpu.vector_store %arg10[%swap3A_988, %swap3A_989], %swap3A_992 {add = true, strides = array<i32>} : memref<32x768xf32, #tpu.memory_space<vmem>>, vector<1x16xf32>,
        %get3A_993 = arith.index_cast %scan3A_376 : i32 to index
        %get3A_994 = arith.constant 704 : index
        %get3A_995 = tpu.vector_load %arg12[%get3A_993, %get3A_994] {strides = array<i32>} : memref<32x768xf32, #tpu.memory_space<vmem>>, vector<1x16xf32>,
        %get3A_996 = vector.shape_cast %get3A_995 : vector<1x16xf32> to vector<16xf32>
        %get3A_997 = arith.index_cast %scan3A_376 : i32 to index
        %get3A_998 = arith.constant 704 : index
        %get3A_999 = tpu.vector_load %arg13[%get3A_997, %get3A_998] {strides = array<i32>} : memref<32x768xf32, #tpu.memory_space<vmem>>, vector<1x16xf32>,
        %get3A_1000 = vector.shape_cast %get3A_999 : vector<1x16xf32> to vector<16xf32>
        %add3A_1001 = arith.addf %get3A_996, %get3A_1000 : vector<16xf32>
        %swap3A_1002 = arith.index_cast %scan3A_376 : i32 to index
        %swap3A_1003 = arith.constant 704 : index
        %swap3A_1004 = tpu.vector_load %arg10[%swap3A_1002, %swap3A_1003] {strides = array<i32>} : memref<32x768xf32, #tpu.memory_space<vmem>>, vector<1x16xf32>,
        %swap3A_1005 = vector.shape_cast %swap3A_1004 : vector<1x16xf32> to vector<16xf32>
        %swap3A_1006 = vector.shape_cast %add3A_1001 : vector<16xf32> to vector<1x16xf32>
        tpu.vector_store %arg10[%swap3A_1002, %swap3A_1003], %swap3A_1006 {add = true, strides = array<i32>} : memref<32x768xf32, #tpu.memory_space<vmem>>, vector<1x16xf32>,
        %get3A_1007 = arith.index_cast %scan3A_376 : i32 to index
        %get3A_1008 = arith.constant 720 : index
        %get3A_1009 = tpu.vector_load %arg12[%get3A_1007, %get3A_1008] {strides = array<i32>} : memref<32x768xf32, #tpu.memory_space<vmem>>, vector<1x16xf32>,
        %get3A_1010 = vector.shape_cast %get3A_1009 : vector<1x16xf32> to vector<16xf32>
        %get3A_1011 = arith.index_cast %scan3A_376 : i32 to index
        %get3A_1012 = arith.constant 720 : index
        %get3A_1013 = tpu.vector_load %arg13[%get3A_1011, %get3A_1012] {strides = array<i32>} : memref<32x768xf32, #tpu.memory_space<vmem>>, vector<1x16xf32>,
        %get3A_1014 = vector.shape_cast %get3A_1013 : vector<1x16xf32> to vector<16xf32>
        %add3A_1015 = arith.addf %get3A_1010, %get3A_1014 : vector<16xf32>
        %swap3A_1016 = arith.index_cast %scan3A_376 : i32 to index
        %swap3A_1017 = arith.constant 720 : index
        %swap3A_1018 = tpu.vector_load %arg10[%swap3A_1016, %swap3A_1017] {strides = array<i32>} : memref<32x768xf32, #tpu.memory_space<vmem>>, vector<1x16xf32>,
        %swap3A_1019 = vector.shape_cast %swap3A_1018 : vector<1x16xf32> to vector<16xf32>
        %swap3A_1020 = vector.shape_cast %add3A_1015 : vector<16xf32> to vector<1x16xf32>
        tpu.vector_store %arg10[%swap3A_1016, %swap3A_1017], %swap3A_1020 {add = true, strides = array<i32>} : memref<32x768xf32, #tpu.memory_space<vmem>>, vector<1x16xf32>,
        %get3A_1021 = arith.index_cast %scan3A_376 : i32 to index
        %get3A_1022 = arith.constant 736 : index
        %get3A_1023 = tpu.vector_load %arg12[%get3A_1021, %get3A_1022] {strides = array<i32>} : memref<32x768xf32, #tpu.memory_space<vmem>>, vector<1x16xf32>,
        %get3A_1024 = vector.shape_cast %get3A_1023 : vector<1x16xf32> to vector<16xf32>
        %get3A_1025 = arith.index_cast %scan3A_376 : i32 to index
        %get3A_1026 = arith.constant 736 : index
        %get3A_1027 = tpu.vector_load %arg13[%get3A_1025, %get3A_1026] {strides = array<i32>} : memref<32x768xf32, #tpu.memory_space<vmem>>, vector<1x16xf32>,
        %get3A_1028 = vector.shape_cast %get3A_1027 : vector<1x16xf32> to vector<16xf32>
        %add3A_1029 = arith.addf %get3A_1024, %get3A_1028 : vector<16xf32>
        %swap3A_1030 = arith.index_cast %scan3A_376 : i32 to index
        %swap3A_1031 = arith.constant 736 : index
        %swap3A_1032 = tpu.vector_load %arg10[%swap3A_1030, %swap3A_1031] {strides = array<i32>} : memref<32x768xf32, #tpu.memory_space<vmem>>, vector<1x16xf32>,
        %swap3A_1033 = vector.shape_cast %swap3A_1032 : vector<1x16xf32> to vector<16xf32>
        %swap3A_1034 = vector.shape_cast %add3A_1029 : vector<16xf32> to vector<1x16xf32>
        tpu.vector_store %arg10[%swap3A_1030, %swap3A_1031], %swap3A_1034 {add = true, strides = array<i32>} : memref<32x768xf32, #tpu.memory_space<vmem>>, vector<1x16xf32>,
        %get3A_1035 = arith.index_cast %scan3A_376 : i32 to index
        %get3A_1036 = arith.constant 752 : index
        %get3A_1037 = tpu.vector_load %arg12[%get3A_1035, %get3A_1036] {strides = array<i32>} : memref<32x768xf32, #tpu.memory_space<vmem>>, vector<1x16xf32>,
        %get3A_1038 = vector.shape_cast %get3A_1037 : vector<1x16xf32> to vector<16xf32>
        %get3A_1039 = arith.index_cast %scan3A_376 : i32 to index
        %get3A_1040 = arith.constant 752 : index
        %get3A_1041 = tpu.vector_load %arg13[%get3A_1039, %get3A_1040] {strides = array<i32>} : memref<32x768xf32, #tpu.memory_space<vmem>>, vector<1x16xf32>,
        %get3A_1042 = vector.shape_cast %get3A_1041 : vector<1x16xf32> to vector<16xf32>
        %add3A_1043 = arith.addf %get3A_1038, %get3A_1042 : vector<16xf32>
        %swap3A_1044 = arith.index_cast %scan3A_376 : i32 to index
        %swap3A_1045 = arith.constant 752 : index
        %swap3A_1046 = tpu.vector_load %arg10[%swap3A_1044, %swap3A_1045] {strides = array<i32>} : memref<32x768xf32, #tpu.memory_space<vmem>>, vector<1x16xf32>,
        %swap3A_1047 = vector.shape_cast %swap3A_1046 : vector<1x16xf32> to vector<16xf32>
        %swap3A_1048 = vector.shape_cast %add3A_1043 : vector<16xf32> to vector<1x16xf32>
        tpu.vector_store %arg10[%swap3A_1044, %swap3A_1045], %swap3A_1048 {add = true, strides = array<i32>} : memref<32x768xf32, #tpu.memory_space<vmem>>, vector<1x16xf32>,
      }
      %scan3A_301 = arith.constant 32 : i32
      %jit3A_302 = arith.constant 4 : i32
      %eq3A_303 = arith.constant 0 : i32
      %eq3A_304 = arith.cmpi eq, %jit3A_302, %eq3A_303 : i32
      %jit3A_305 = arith.constant 1 : i32
      %select_n3A_306 = arith.select %eq3A_304, %jit3A_305, %jit3A_302 : i32
      %rem3A_307 = arith.remsi %add3A_64, %select_n3A_306 : i32
      %ne3A_308 = arith.constant 0 : i32
      %ne3A_309 = arith.cmpi ne, %rem3A_307, %ne3A_308 : i32
      %lt3A_310 = arith.constant 0 : i32
      %lt3A_311 = arith.cmpi slt, %rem3A_307, %lt3A_310 : i32
      %lt3A_312 = arith.constant 0 : i32
      %lt3A_313 = arith.cmpi slt, %select_n3A_306, %lt3A_312 : i32
      %ne3A_314 = arith.xori %lt3A_311, %lt3A_313 : i1
      %and3A_315 = arith.andi %ne3A_314, %ne3A_309 : i1
      %add3A_316 = arith.addi %rem3A_307, %select_n3A_306 : i32
      %select_n3A_317 = arith.select %and3A_315, %add3A_316, %rem3A_307 : i32
      %jit3A_318 = arith.constant 4 : i32
      %div3A_319 = arith.divsi %add3A_64, %jit3A_318 : i32
      %sign3A_320 = arith.constant 0 : i32
      %sign3A_321 = arith.cmpi sgt, %add3A_64, %sign3A_320 : i32
      %sign3A_322 = arith.extui %sign3A_321 : i1 to i32
      %sign3A_323 = arith.constant 0 : i32
      %sign3A_324 = arith.cmpi slt, %add3A_64, %sign3A_323 : i32
      %sign3A_325 = arith.extui %sign3A_324 : i1 to i32
      %sign3A_326 = arith.subi %sign3A_322, %sign3A_325 : i32
      %sign3A_327 = arith.constant 0 : i32
      %sign3A_328 = arith.cmpi sgt, %jit3A_318, %sign3A_327 : i32
      %sign3A_329 = arith.extui %sign3A_328 : i1 to i32
      %sign3A_330 = arith.constant 0 : i32
      %sign3A_331 = arith.cmpi slt, %jit3A_318, %sign3A_330 : i32
      %sign3A_332 = arith.extui %sign3A_331 : i1 to i32
      %sign3A_333 = arith.subi %sign3A_329, %sign3A_332 : i32
      %ne3A_334 = arith.cmpi ne, %sign3A_326, %sign3A_333 : i32
      %rem3A_335 = arith.remsi %add3A_64, %jit3A_318 : i32
      %ne3A_336 = arith.constant 0 : i32
      %ne3A_337 = arith.cmpi ne, %rem3A_335, %ne3A_336 : i32
      %and3A_338 = arith.andi %ne3A_334, %ne3A_337 : i1
      %sub3A_339 = arith.constant 1 : i32
      %sub3A_340 = arith.subi %div3A_319, %sub3A_339 : i32
      %select_n3A_341 = arith.select %and3A_338, %sub3A_340, %div3A_319 : i32
      %mul3A_342 = arith.constant 32 : i32
      %mul3A_343 = arith.muli %select_n3A_341, %mul3A_342 : i32
      %add3A_344 = arith.addi %mul3A_2, %mul3A_343 : i32
      %multiple_of3A_345 = tpu.assume_multiple %add3A_344, 32 : i32
      %dma_start3A_346 = arith.constant 0 : i32
      %dma_start3A_347 = tpu.memref_slice %arg6[%select_n3A_317, %multiple_of3A_345, %dma_start3A_346] : memref<4x4096x768xf32, #tpu.memory_space<hbm>> -> memref<1x32x768xf32, #tpu.memory_space<hbm>>
      %dma_start3A_348 = tpu.memref_squeeze %dma_start3A_347 : memref<1x32x768xf32, #tpu.memory_space<hbm>> -> memref<32x768xf32, #tpu.memory_space<hbm>>
      %dma_start3A_349 = arith.constant 0 : i32
      %dma_start3A_350 = tpu.memref_slice %arg6[%select_n3A_317, %multiple_of3A_345, %dma_start3A_349] : memref<4x4096x768xf32, #tpu.memory_space<hbm>> -> memref<1x32x768xf32, #tpu.memory_space<hbm>>
      %dma_start3A_351 = tpu.memref_squeeze %dma_start3A_350 : memref<1x32x768xf32, #tpu.memory_space<hbm>> -> memref<32x768xf32, #tpu.memory_space<hbm>>
      tpu.enqueue_dma source(%arg10 : memref<32x768xf32, #tpu.memory_space<vmem>>) target(%dma_start3A_351 : memref<32x768xf32, #tpu.memory_space<hbm>>) target_semaphore(%arg19 : memref<!tpu.dma_semaphore, #tpu.memory_space<semaphore_mem>>)
      %jit3A_352 = arith.constant 2 : i32
      %eq3A_353 = arith.constant 0 : i32
      %eq3A_354 = arith.cmpi eq, %jit3A_352, %eq3A_353 : i32
      %jit3A_355 = arith.constant 1 : i32
      %select_n3A_356 = arith.select %eq3A_354, %jit3A_355, %jit3A_352 : i32
      %rem3A_357 = arith.remsi %scan3A_60, %select_n3A_356 : i32
      %ne3A_358 = arith.constant 0 : i32
      %ne3A_359 = arith.cmpi ne, %rem3A_357, %ne3A_358 : i32
      %lt3A_360 = arith.constant 0 : i32
      %lt3A_361 = arith.cmpi slt, %rem3A_357, %lt3A_360 : i32
      %lt3A_362 = arith.constant 0 : i32
      %lt3A_363 = arith.cmpi slt, %select_n3A_356, %lt3A_362 : i32
      %ne3A_364 = arith.xori %lt3A_361, %lt3A_363 : i1
      %and3A_365 = arith.andi %ne3A_364, %ne3A_359 : i1
      %add3A_366 = arith.addi %rem3A_357, %select_n3A_356 : i32
      %select_n3A_367 = arith.select %and3A_365, %add3A_366, %rem3A_357 : i32
      %eq3A_368 = arith.constant 1 : i32
      %eq3A_369 = arith.cmpi eq, %select_n3A_367, %eq3A_368 : i32
      %lt3A_370 = arith.constant 7 : i32
      %lt3A_371 = arith.cmpi slt, %scan3A_60, %lt3A_370 : i32
      %and3A_372 = arith.andi %eq3A_369, %lt3A_371 : i1
      %convert_element_type3A_373 = arith.extui %and3A_372 : i1 to i32
      %cond3A_374 = arith.constant 0 : i32
      %cond3A_375 = arith.cmpi ne, %convert_element_type3A_373, %cond3A_374 : i32
      scf.if %cond3A_375 {
        %add3A_376 = arith.constant 1 : i32
        %add3A_377 = arith.addi %add3A_64, %add3A_376 : i32
        %jit3A_378 = arith.constant 4 : i32
        %div3A_379 = arith.divsi %add3A_377, %jit3A_378 : i32
        %sign3A_380 = arith.constant 0 : i32
        %sign3A_381 = arith.cmpi sgt, %add3A_377, %sign3A_380 : i32
        %sign3A_382 = arith.extui %sign3A_381 : i1 to i32
        %sign3A_383 = arith.constant 0 : i32
        %sign3A_384 = arith.cmpi slt, %add3A_377, %sign3A_383 : i32
        %sign3A_385 = arith.extui %sign3A_384 : i1 to i32
        %sign3A_386 = arith.subi %sign3A_382, %sign3A_385 : i32
        %sign3A_387 = arith.constant 0 : i32
        %sign3A_388 = arith.cmpi sgt, %jit3A_378, %sign3A_387 : i32
        %sign3A_389 = arith.extui %sign3A_388 : i1 to i32
        %sign3A_390 = arith.constant 0 : i32
        %sign3A_391 = arith.cmpi slt, %jit3A_378, %sign3A_390 : i32
        %sign3A_392 = arith.extui %sign3A_391 : i1 to i32
        %sign3A_393 = arith.subi %sign3A_389, %sign3A_392 : i32
        %ne3A_394 = arith.cmpi ne, %sign3A_386, %sign3A_393 : i32
        %rem3A_395 = arith.remsi %add3A_377, %jit3A_378 : i32
        %ne3A_396 = arith.constant 0 : i32
        %ne3A_397 = arith.cmpi ne, %rem3A_395, %ne3A_396 : i32
        %and3A_398 = arith.andi %ne3A_394, %ne3A_397 : i1
        %sub3A_399 = arith.constant 1 : i32
        %sub3A_400 = arith.subi %div3A_379, %sub3A_399 : i32
        %select_n3A_401 = arith.select %and3A_398, %sub3A_400, %div3A_379 : i32
        %mul3A_402 = arith.constant 32 : i32
        %mul3A_403 = arith.muli %select_n3A_401, %mul3A_402 : i32
        %add3A_404 = arith.addi %mul3A_2, %mul3A_403 : i32
        %multiple_of3A_405 = tpu.assume_multiple %add3A_404, 32 : i32
        %dma_start3A_406 = arith.constant 0 : i32
        %dma_start3A_407 = tpu.memref_slice %arg4[%multiple_of3A_405, %dma_start3A_406] : memref<4096x768xf32, #tpu.memory_space<hbm>> -> memref<32x768xf32, #tpu.memory_space<hbm>>
        %dma_start3A_408 = arith.constant 0 : i32
        %dma_start3A_409 = tpu.memref_slice %arg4[%multiple_of3A_405, %dma_start3A_408] : memref<4096x768xf32, #tpu.memory_space<hbm>> -> memref<32x768xf32, #tpu.memory_space<hbm>>
        tpu.enqueue_dma source(%dma_start3A_409 : memref<32x768xf32, #tpu.memory_space<hbm>>) target(%arg13 : memref<32x768xf32, #tpu.memory_space<vmem>>) target_semaphore(%arg20 : memref<!tpu.dma_semaphore, #tpu.memory_space<semaphore_mem>>)
      } else {
      }
    }
    %scan3A_42 = arith.constant 8 : i32
    %dma_wait3A = arith.constant 0 : i32
    %dma_wait3A_43 = arith.constant 0 : i32
    %dma_wait3A_44 = arith.constant 0 : i32
    %dma_wait3A_45 = tpu.memref_slice %arg2[%dma_wait3A, %dma_wait3A_43, %dma_wait3A_44] : memref<4x4096x768xf32, #tpu.memory_space<hbm>> -> memref<1x32x768xf32, #tpu.memory_space<hbm>>
    %dma_wait3A_46 = tpu.memref_squeeze %dma_wait3A_45 : memref<1x32x768xf32, #tpu.memory_space<hbm>> -> memref<32x768xf32, #tpu.memory_space<hbm>>
    %dma_wait3A_47 = arith.constant 0 : i32
    %dma_wait3A_48 = arith.constant 0 : i32
    %dma_wait3A_49 = tpu.memref_slice %arg2[%dma_wait3A, %dma_wait3A_47, %dma_wait3A_48] : memref<4x4096x768xf32, #tpu.memory_space<hbm>> -> memref<1x32x768xf32, #tpu.memory_space<hbm>>
    %dma_wait3A_50 = tpu.memref_squeeze %dma_wait3A_49 : memref<1x32x768xf32, #tpu.memory_space<hbm>> -> memref<32x768xf32, #tpu.memory_space<hbm>>
    tpu.wait_dma2 semaphore(%arg18 : memref<!tpu.dma_semaphore, #tpu.memory_space<semaphore_mem>>) src(%dma_wait3A_50 : memref<32x768xf32, #tpu.memory_space<hbm>>) dst(%arg9 : memref<32x768xf32, #tpu.memory_space<vmem>>)
    %dma_wait3A_51 = arith.constant 0 : i32
    %dma_wait3A_52 = arith.constant 0 : i32
    %dma_wait3A_53 = arith.constant 0 : i32
    %dma_wait3A_54 = tpu.memref_slice %arg2[%dma_wait3A_51, %dma_wait3A_52, %dma_wait3A_53] : memref<4x4096x768xf32, #tpu.memory_space<hbm>> -> memref<1x32x768xf32, #tpu.memory_space<hbm>>
    %dma_wait3A_55 = tpu.memref_squeeze %dma_wait3A_54 : memref<1x32x768xf32, #tpu.memory_space<hbm>> -> memref<32x768xf32, #tpu.memory_space<hbm>>
    %dma_wait3A_56 = arith.constant 0 : i32
    %dma_wait3A_57 = arith.constant 0 : i32
    %dma_wait3A_58 = tpu.memref_slice %arg2[%dma_wait3A_51, %dma_wait3A_56, %dma_wait3A_57] : memref<4x4096x768xf32, #tpu.memory_space<hbm>> -> memref<1x32x768xf32, #tpu.memory_space<hbm>>
    %dma_wait3A_59 = tpu.memref_squeeze %dma_wait3A_58 : memref<1x32x768xf32, #tpu.memory_space<hbm>> -> memref<32x768xf32, #tpu.memory_space<hbm>>
    tpu.wait_dma2 semaphore(%arg19 : memref<!tpu.dma_semaphore, #tpu.memory_space<semaphore_mem>>) src(%dma_wait3A_59 : memref<32x768xf32, #tpu.memory_space<hbm>>) dst(%arg10 : memref<32x768xf32, #tpu.memory_space<vmem>>)
    return
  }
}

module attributes {stable_mosaic.version = 14 : i64} {
  func.func @_combined_body(%arg0: i32, %arg1: memref<4xi32, #tpu.memory_space<smem>>, %arg2: memref<100x768xf32, #tpu.memory_space<vmem>>, %arg3: memref<72x768xf32, #tpu.memory_space<vmem>>, %arg4: memref<512x768xf32, #tpu.memory_space<vmem>>) attributes {dimension_semantics = [#tpu.dimension_semantics<arbitrary>], iteration_bounds = array<i64: 1>, scalar_prefetch = 1 : i64, scratch_operands = 0 : i64, tpu.core_type = #tpu.core_type<tc>, window_params = [{pipeline_mode = #tpu.pipeline_mode<synchronous>, transform_indices = @transform_0, window_bounds = array<i64: 100, 768>}, {pipeline_mode = #tpu.pipeline_mode<synchronous>, transform_indices = @transform_1, window_bounds = array<i64: 72, 768>}, {pipeline_mode = #tpu.pipeline_mode<synchronous>, transform_indices = @transform_2, window_bounds = array<i64: 512, 768>}]} {
    %get3A = arith.constant 0 : index
    %get3A_0 = memref.load %arg1[%get3A] : memref<4xi32, #tpu.memory_space<smem>>
    %get3A_1 = arith.index_cast %get3A_0 : i32 to index
    %get3A_2 = arith.constant 0 : index
    %get3A_3 = vector.load %arg3[%get3A_1, %get3A_2] : memref<72x768xf32, #tpu.memory_space<vmem>>, vector<1x768xf32>
    %get3A_4 = arith.constant 0 : index
    %get3A_5 = arith.constant 0 : index
    %get3A_6 = vector.load %arg2[%get3A_4, %get3A_5] : memref<100x768xf32, #tpu.memory_space<vmem>>, vector<100x768xf32>
    %add3A = vector.broadcast %get3A_3 : vector<1x768xf32> to vector<100x768xf32>
    %add3A_7 = arith.addf %get3A_6, %add3A : vector<100x768xf32>
    %swap3A = arith.constant 0 : index
    %swap3A_8 = arith.constant 0 : index
    %swap3A_9 = vector.load %arg4[%swap3A, %swap3A_8] : memref<512x768xf32, #tpu.memory_space<vmem>>, vector<100x768xf32>
    tpu.vector_store %arg4[%swap3A, %swap3A_8], %add3A_7 {strides = array<i32>} : memref<512x768xf32, #tpu.memory_space<vmem>>, vector<100x768xf32>,
    %get3A_10 = arith.constant 1 : index
    %get3A_11 = memref.load %arg1[%get3A_10] : memref<4xi32, #tpu.memory_space<smem>>
    %get3A_12 = arith.index_cast %get3A_11 : i32 to index
    %get3A_13 = arith.constant 0 : index
    %get3A_14 = vector.load %arg3[%get3A_12, %get3A_13] : memref<72x768xf32, #tpu.memory_space<vmem>>, vector<1x768xf32>
    %get3A_15 = arith.constant 0 : index
    %get3A_16 = arith.constant 0 : index
    %get3A_17 = vector.load %arg2[%get3A_15, %get3A_16] : memref<100x768xf32, #tpu.memory_space<vmem>>, vector<100x768xf32>
    %add3A_18 = vector.broadcast %get3A_14 : vector<1x768xf32> to vector<100x768xf32>
    %add3A_19 = arith.addf %get3A_17, %add3A_18 : vector<100x768xf32>
    %swap3A_20 = arith.constant 128 : index
    %swap3A_21 = arith.constant 0 : index
    %swap3A_22 = vector.load %arg4[%swap3A_20, %swap3A_21] : memref<512x768xf32, #tpu.memory_space<vmem>>, vector<100x768xf32>
    tpu.vector_store %arg4[%swap3A_20, %swap3A_21], %add3A_19 {strides = array<i32>} : memref<512x768xf32, #tpu.memory_space<vmem>>, vector<100x768xf32>,
    %get3A_23 = arith.constant 2 : index
    %get3A_24 = memref.load %arg1[%get3A_23] : memref<4xi32, #tpu.memory_space<smem>>
    %get3A_25 = arith.index_cast %get3A_24 : i32 to index
    %get3A_26 = arith.constant 0 : index
    %get3A_27 = vector.load %arg3[%get3A_25, %get3A_26] : memref<72x768xf32, #tpu.memory_space<vmem>>, vector<1x768xf32>
    %get3A_28 = arith.constant 0 : index
    %get3A_29 = arith.constant 0 : index
    %get3A_30 = vector.load %arg2[%get3A_28, %get3A_29] : memref<100x768xf32, #tpu.memory_space<vmem>>, vector<100x768xf32>
    %add3A_31 = vector.broadcast %get3A_27 : vector<1x768xf32> to vector<100x768xf32>
    %add3A_32 = arith.addf %get3A_30, %add3A_31 : vector<100x768xf32>
    %swap3A_33 = arith.constant 256 : index
    %swap3A_34 = arith.constant 0 : index
    %swap3A_35 = vector.load %arg4[%swap3A_33, %swap3A_34] : memref<512x768xf32, #tpu.memory_space<vmem>>, vector<100x768xf32>
    tpu.vector_store %arg4[%swap3A_33, %swap3A_34], %add3A_32 {strides = array<i32>} : memref<512x768xf32, #tpu.memory_space<vmem>>, vector<100x768xf32>,
    %get3A_36 = arith.constant 3 : index
    %get3A_37 = memref.load %arg1[%get3A_36] : memref<4xi32, #tpu.memory_space<smem>>
    %get3A_38 = arith.index_cast %get3A_37 : i32 to index
    %get3A_39 = arith.constant 0 : index
    %get3A_40 = vector.load %arg3[%get3A_38, %get3A_39] : memref<72x768xf32, #tpu.memory_space<vmem>>, vector<1x768xf32>
    %get3A_41 = arith.constant 0 : index
    %get3A_42 = arith.constant 0 : index
    %get3A_43 = vector.load %arg2[%get3A_41, %get3A_42] : memref<100x768xf32, #tpu.memory_space<vmem>>, vector<100x768xf32>
    %add3A_44 = vector.broadcast %get3A_40 : vector<1x768xf32> to vector<100x768xf32>
    %add3A_45 = arith.addf %get3A_43, %add3A_44 : vector<100x768xf32>
    %swap3A_46 = arith.constant 384 : index
    %swap3A_47 = arith.constant 0 : index
    %swap3A_48 = vector.load %arg4[%swap3A_46, %swap3A_47] : memref<512x768xf32, #tpu.memory_space<vmem>>, vector<100x768xf32>
    tpu.vector_store %arg4[%swap3A_46, %swap3A_47], %add3A_45 {strides = array<i32>} : memref<512x768xf32, #tpu.memory_space<vmem>>, vector<100x768xf32>,
    return
  }
  func.func @transform_0(%arg0: i32, %arg1: memref<4xi32, #tpu.memory_space<smem>>) -> (i32, i32) {
    %c0_i32 = arith.constant 0 : i32
    %c0_i32_0 = arith.constant 0 : i32
    %c0_i32_1 = arith.constant 0 : i32
    return %c0_i32, %c0_i32_0 : i32, i32
  }
  func.func @transform_1(%arg0: i32, %arg1: memref<4xi32, #tpu.memory_space<smem>>) -> (i32, i32) {
    %c0_i32 = arith.constant 0 : i32
    %c0_i32_0 = arith.constant 0 : i32
    %c0_i32_1 = arith.constant 0 : i32
    return %c0_i32, %c0_i32_0 : i32, i32
  }
  func.func @transform_2(%arg0: i32, %arg1: memref<4xi32, #tpu.memory_space<smem>>) -> (i32, i32) {
    %c0_i32 = arith.constant 0 : i32
    %c0_i32_0 = arith.constant 0 : i32
    %c0_i32_1 = arith.constant 0 : i32
    return %c0_i32, %c0_i32_0 : i32, i32
  }
}

</mosaic_0001>

<sc_bundles>
// kernel: kernel.4.cloned.1.call-start
scs
__scs_entry_jumppad:
0x0: {  	(pc) =	sbr.rel $0x88, $3  }
0x1: {  	(tag) =	ssettag $0x0;
	lr =	simm.s32 $0x1  }
0x2: {  	[smem:$0x3F9B] =	sst lr;
	_ =	strace $0xD0000000  }
0x3: {  	_ = 	snop  }
0x4: {  	_ = 	snop  }
0x5: {  	_ = 	snop  }
0x6: {  	_ = 	snop  }
0x7: {  	_ = 	snop  }
__scs_overlays_trampoline_lowered:
0x8: {  	[smem:$0x3FAA] =	sst s0  }
0x9: {  	[smem:$0x3FAB] =	sst s1  }
0xa: {  	[smem:$0x3FAC] =	sst s2  }
0xb: {  	[smem:$0x3FAD] =	sst s3  }
0xc: {  	[smem:$0x3FAE] =	sst s4  }
0xd: {  	[smem:$0x3FAF] =	sst s5  }
0xe: {  	[smem:$0x3FB0] =	sst s6  }
0xf: {  	[smem:$0x3FB1] =	sst s7  }
0x10: {  	[smem:$0x3FB2] =	sst s8  }
0x11: {  	[smem:$0x3FB3] =	sst s9;
	s0 =	simm.s32 @!p0 $0x0  }
0x12: {  	s1 =	sld [smem:$0x3F99];
	s0 =	simm.s32 @p0 $0x1  }
0x13: {  	[smem:$0x3FB4] =	sst s0;
	s0 =	simm.s32 @!p1 $0x0  }
0x14: {  	s2 =	sld [smem:$0x3F98];
	s0 =	simm.s32 @p1 $0x1  }
0x15: {  	[smem:$0x3FB5] =	sst s0;
	s0 =	simm.s32 @!p2 $0x0  }
0x16: {  	s3 =	sld [smem:$0x3FDB];
	s0 =	simm.s32 @p2 $0x1  }
0x17: {  	s4 =	simm.s32 $0x1BF5;
	[smem:$0x3FB7] =	sst s0  }
0x18: {  	s0 =	sld [smem:$0x3F9A];
	_ =	swait.ge [sflag:s4], $0x0  }
0x19: {  	s7 =	sld [smem:$0x3F9B]  }
0x1a: {  	s8 =	sadd.s32 $0xFFFFE003, lr  }
0x1b: {  	s9 =	sadd.s32 $0xFFFFFEF7, lr;
	s5 =	simm.s32 $0xFFFFFFFF;
	p2 =	slt.u32 s8, $0xFFFFF086  }
0x1c: {  	p1 =	slt.u32 s9, $0xF7A;
	s5 =	simm.s32 @!p2 $0x0  }
0x1d: {  	s5 =	simm.s32 @p1 $0x1;
	p0 =	seq.s32 s7, s2  }
0x1e: {  	s7 =	smul.u32 @!p0 $0xF7A, s2;
	p2 =	seq.s32 @!p0 s5, $0x0  }
0x1f: {  	s9 =	smul.u32 $0xF7A, s1;
	s8 =	simm.s32 @!p0 $0x1BF5;
	p2 =	por !p2, p0  }
0x20: {  	[sflag:s8] =	ssyncset.s32 @!p0 $0xFFFFF086;
	s6 =	sadd.s32 @!p0 s3, s7;
	s7 =	simm.s32 @!p0 $0x108  }
0x21: {  	s3 =	sadd.s32 s3, s9;
	s6 =	sadd.s32 @!p0 $0x88, s6;
	s7 =	simm.s32 @p2 $0x1082  }
0x22: {  	[simem:s7], [sflag:s8] =	dma.local @!p0 [hbm:s6], $0xF7A  }
0x23: {  	s9 =	sor.u32 $0xD0000000, s2;
	s6 =	simm.s32 $0x108;
	_ =	swait.ge @!p0 [sflag:s8], $0x0  }
0x24: {  	s3 =	sadd.s32 $0x88, s3;
	s6 =	simm.s32 @!p1 $0x1082;
	[sflag:s4] =	ssyncset.s32 $0xFFFFF086  }
0x25: {  	[simem:s6], [sflag:s4] =	dma.local [hbm:s3], $0xF7A  }
0x26: {  	[smem:$0x3F9B] =	sst s1;
	(tag) =	ssettag s2;
	_ =	strace s9  }
0x27: {  	s1 =	sld [smem:$0x3FAB]  }
0x28: {  	s2 =	sld [smem:$0x3FAC]  }
0x29: {  	s4 =	sld [smem:$0x3FAE]  }
0x2a: {  	p0 =	seq.s32 s5, $0x0;
	s5 =	sld [smem:$0x3FAF]  }
0x2b: {  	s6 =	sld [smem:$0x3FB0]  }
0x2c: {  	s7 =	sld [smem:$0x3FB1]  }
0x2d: {  	s3 =	simm.s32 $0x108;
	s8 =	sld [smem:$0x3FB2]  }
0x2e: {  	s3 =	simm.s32 @!p0 $0x1082;
	s9 =	sld [smem:$0x3FB3]  }
0x2f: {  	lr =	sadd.s32 s0, s3;
	s0 =	sld [smem:$0x3FAA]  }
0x30: {  	s3 =	sld [smem:$0x3FAD]  }
0x31: {  	[smem:$0x3FB6] =	sst s10  }
0x32: {  	s10 =	sld [smem:$0x3FB4];
	_ =	sdelay $0x3  }
0x33: {  	p0 =	seq.s32 s10, $0x1;
	s10 =	sld [smem:$0x3FB6];
	_ =	sdelay $0x3  }
0x34: {  	[smem:$0x3FB6] =	sst s10  }
0x35: {  	s10 =	sld [smem:$0x3FB5];
	_ =	sdelay $0x3  }
0x36: {  	p1 =	seq.s32 s10, $0x1;
	s10 =	sld [smem:$0x3FB6];
	_ =	sdelay $0x3  }
0x37: {  	[smem:$0x3FB6] =	sst s10  }
0x38: {  	s10 =	sld [smem:$0x3FB7]  }
0x39: {  	_ = 	snop;
	(pc) =	sbr.ind lr, $3  }
0x3a: {  	_ = 	snop  }
0x3b: {  	_ = 	snop  }
0x3c: {  	p2 =	seq.s32 s10, $0x1;
	s10 =	sld [smem:$0x3FB6]  }
0x3d: {  	_ =	shalt  }
0x3e: {  	_ =	shalt  }
0x3f: {  	_ =	shalt  }
0x40: {  	_ =	shalt  }
0x41: {  	_ =	shalt  }
0x42: {  	_ =	shalt  }
0x43: {  	_ =	shalt  }
0x44: {  	_ =	shalt  }
0x45: {  	_ =	shalt  }
0x46: {  	_ =	shalt  }
0x47: {  	_ =	shalt  }
0x48: {  	_ =	shalt  }
0x49: {  	_ =	shalt  }
0x4a: {  	_ =	shalt  }
0x4b: {  	_ =	shalt  }
0x4c: {  	_ =	shalt  }
0x4d: {  	_ =	shalt  }
0x4e: {  	_ =	shalt  }
0x4f: {  	_ =	shalt  }
0x50: {  	_ =	shalt  }
0x51: {  	_ =	shalt  }
0x52: {  	_ =	shalt  }
0x53: {  	_ =	shalt  }
0x54: {  	_ =	shalt  }
0x55: {  	_ =	shalt  }
0x56: {  	_ =	shalt  }
0x57: {  	_ =	shalt  }
0x58: {  	_ =	shalt  }
0x59: {  	_ =	shalt  }
0x5a: {  	_ =	shalt  }
0x5b: {  	_ =	shalt  }
0x5c: {  	_ =	shalt  }
0x5d: {  	_ =	shalt  }
0x5e: {  	_ =	shalt  }
0x5f: {  	_ =	shalt  }
0x60: {  	_ =	shalt  }
0x61: {  	_ =	shalt  }
0x62: {  	_ =	shalt  }
0x63: {  	_ =	shalt  }
0x64: {  	_ =	shalt  }
0x65: {  	_ =	shalt  }
0x66: {  	_ =	shalt  }
0x67: {  	_ =	shalt  }
0x68: {  	_ =	shalt  }
0x69: {  	_ =	shalt  }
0x6a: {  	_ =	shalt  }
0x6b: {  	_ =	shalt  }
0x6c: {  	_ =	shalt  }
0x6d: {  	_ =	shalt  }
0x6e: {  	_ =	shalt  }
0x6f: {  	_ =	shalt  }
0x70: {  	_ =	shalt  }
0x71: {  	_ =	shalt  }
0x72: {  	_ =	shalt  }
0x73: {  	_ =	shalt  }
0x74: {  	_ =	shalt  }
0x75: {  	_ =	shalt  }
0x76: {  	_ =	shalt  }
0x77: {  	_ =	shalt  }
0x78: {  	_ =	shalt  }
0x79: {  	_ =	shalt  }
0x7a: {  	_ =	shalt  }
0x7b: {  	_ =	shalt  }
0x7c: {  	_ =	shalt  }
0x7d: {  	_ =	shalt  }
0x7e: {  	_ =	shalt  }
0x7f: {  	_ =	shalt  }
0x80: {  	_ =	shalt  }
0x81: {  	_ =	shalt  }
0x82: {  	_ =	shalt  }
0x83: {  	_ =	shalt  }
0x84: {  	_ =	shalt  }
0x85: {  	_ =	shalt  }
0x86: {  	_ =	shalt  }
0x87: {  	_ =	shalt  }
.Lfunc_end0:
.L_simem_size_0:
called_computation_lowered:
.L_overlay_start_0:
0x88: {  	s2 =	sld [smem:$0x3FD9]  }
0x89: {  	s3 =	sld [smem:$0x3FFE];
	_ =	sdelay $0x1  }
0x8a: {  	s1 =	srdreg.scid  }
0x8b: {  	s0 =	sand.u32 $0x1, s1  }
0x8c: {  	s17 =	sshll.u32 s0, $0xA;
	s2 =	sadd.s32 s3, s2  }
0x8d: {  	s2 =	sadd.s32 s2, s17  }
0x8e: {  	[smem:$0x3FC2] =	sst s2  }
0x8f: {  	_ = 	snop  }
0x90: {  	s2 =	sld [smem:$0x3FC9]  }
0x91: {  	s18 =	sld [smem:$0x3FC8]  }
0x92: {  	s4 =	sld [smem:$0x3FC7]  }
0x93: {  	s5 =	sld [smem:$0x3FD0];
	(tm) =	ssettm $0x1  }
0x94: {  	s6 =	sld [smem:$0x3FFB];
	_ =	sdelay $0x3  }
0x95: {  	_ =	strace s6  }
0x96: {  	s6 =	sld [smem:$0x3FFC];
	_ =	sdelay $0x3  }
0x97: {  	_ =	strace s6  }
0x98: {  	s6 =	sld [smem:$0x3FFD];
	_ =	sdelay $0x3  }
0x99: {  	_ =	strace s6  }
0x9a: {  	_ =	strace $0x8FFFFFFF  }
0x9b: {  	s19 =	sld [smem:$0x3FDB];
	_ =	sdelay $0x1  }
0x9c: {  	s7 =	simm.s32 $_scs_section_size  }
0x9d: {  	s8 =	simm.s32 $_size__tile_overlayer_lowered;
	s9 =	simm.s32 $_tile_overlayer_lowered  }
0x9e: {  	s22 =	simm.s32 $0x1BFF;
	s21 =	sshll.u32 s9, $0x1;
	s6 =	sadd.s32 s7, s19  }
0x9f: {  	s10 =	simm.s32 $0x0;
	s20 =	sshll.u32 s8, $0x1;
	s8 =	sadd.s32 s21, s6  }
0xa0: {  	[timem:s10], [sflag:s22] =	dma.local [hbm:s8], s20  }
0xa1: {  	_ =	swait.ge [sflag:s22], s20  }
0xa2: {  	s7 =	ssub.s32 $0x0, s20;
	[sflag:s22] =	ssyncset.done $0x0  }
0xa3: {  	[sflag:s22] =	ssyncadd.s32 s7;
	_ =	sdelay $0x1  }
0xa4: {  	s23 =	simm.s32 $0x1B8B  }
0xa5: {  	_ =	swait.ge [sflag:s23], $0x1  }
0xa6: {  	[sflag:s23] =	ssyncset.done $0x0  }
0xa7: {  	s25 =	simm.s32 $0x1B8E;
	s24 =	sld [smem:$0x3FFE];
	[sflag:s23] =	ssyncadd.s32 $0xFFFFFFFF  }
0xa8: {  	s26 =	simm.s32 $execute0_lowered;
	[smem:$0x3FD2] =	sst s25  }
0xa9: {  	s8 =	sshll.u32 s26, $0x1;
	_ =	strace $0x80000046;
	[dreg:$0x1] =	wrdreg $0xFFFFFFFF  }
0xaa: {  	s28 =	simm.s32 $_size_execute0_lowered;
	s6 =	sadd.s32 s6, s8;
	[dreg:$0x0] =	wrdreg $0x0  }
0xab: {  	s8 =	sshll.u32 s28, $0x1;
	[dreg:$0x2] =	wrdreg s6  }
0xac: {  	[dreg:$0x3] =	wrdreg s8  }
0xad: {  	[dreg:$0x4] =	wrdreg $0xC0  }
0xae: {  	_ =	task [dreg:s10], $0x5FFFF  }
0xaf: {  	[dreg:$0x1] =	wrdreg $0xFFFFFFFF  }
0xb0: {  	[dreg:$0x0] =	wrdreg $0x60  }
0xb1: {  	[dreg:$0x2] =	wrdreg s2  }
0xb2: {  	[dreg:$0x3] =	wrdreg s18  }
0xb3: {  	[dreg:$0x4] =	wrdreg s4  }
0xb4: {  	[dreg:$0x5] =	wrdreg s24  }
0xb5: {  	[dreg:$0x6] =	wrdreg s5  }
0xb6: {  	[dreg:$0x7] =	wrdreg $0x9  }
0xb7: {  	_ =	task.clear_ibuf [dreg:s10], $0x8FFFF;
	_ =	strace $0x90000046  }
0xb8: {  	s29 =	simm.s32 $0x9;
	_ =	strace $0x80000048  }
0xb9: {  	_ =	swait.ge [sflag:s29], $0x1  }
0xba: {  	[sflag:s29] =	ssyncadd.s32 $0xFFFFFFFF  }
0xbb: {  	_ =	strace $0x90000048  }
0xbc: {  	_ =	sfence  }
0xbd: {  	s30 =	sld [smem:$0x0];
	_ =	sdelay $0x2  }
0xbe: {  	s31 =	sshll.u32 s1, $0xD;
	s1 =	sshrl.u32 s1, $0x2  }
0xbf: {  	s3 =	sand.u32 $0x4000, s31;
	s1 =	sadd.s32 s1, s30  }
0xc0: {  	s0 =	sor.u32 s3, s0;
	s1 =	sshll.u32 s1, $0x11  }
0xc1: {  	s0 =	sor.u32 s1, s0  }
0xc2: {  	s0 =	sadd.s32 $0x8F2B, s0  }
0xc3: {  	[sflag:s0] =	ssyncadd.remote.s32 $0x1  }
0xc4: {  	_ =	sfence.sel $0xFFFF  }
0xc5: {  	[dreg:$0x0] =	wrdreg $0xFFFFFFFF;
	(pc) =	sbr.abs _section_cstart, $3  }
0xc6: {  	[dreg:$0x1] =	wrdreg $0xFFFFFFFF  }
0xc7: {  	_ =	task.clear_ibuf [dreg:s10], $0x2FFFF;
	_ =	strace $0x9FFFFFFF  }
0xc8: {  	(tm) =	ssettm $0x7FFFFFFF  }
0xc9: {  	_ =	shalt  }
tec
execute0_lowered:
.L_overlay_start_1:
0x0: {  	(tag) =	ssettag $0x1  }
0x1: {  	s0 =	rddreg [dreg:$0x0]  }
0x2: {  	s2 =	rddreg [dreg:$0x1]  }
0x3: {  	s11 =	rddreg [dreg:$0x2]  }
0x4: {  	s1 =	srdreg.scid;
	s3 =	rddreg [dreg:$0x3]  }
0x5: {  	s4 =	stileid.u32;
	s5 =	rddreg [dreg:$0x4]  }
0x6: {  	s6 =	simm.s32 $0x0;
	s18 =	simm.s32 $0x8;
	s28 =	simm.s32 $0x1  }
0x7: {  	s29 =	simm.s32 $0x3;
	s30 =	simm.s32 $0x5;
	s31 =	simm.s32 $0x2  }
0x8: {  	s1 =	sand.u32 $0x1, s1;
	s4 =	sshll.u32 s4, $0x8;
	[smem:$0x7FF] =	sst s6  }
0x9: {  	s8 =	sadd.s32 $0xC00, s3;
	s12 =	sadd.s32 $0xE00, s3;
	s7 =	sshll.u32 s1, $0x7  }
0xa: {  	_ =	strace $0x80000047;
	s1 =	ssub.s32 $0x2, s1;
	s7 =	sor.u32 s7, s4  }
0xb: {  	s9 =	sshrl.u32 s1, $0x1;
	s4 =	sshrl.u32 s7, $0x3;
	s10 =	sshrl.u32 s7, $0x1  }
0xc: {  	s1 =	ssub.s32 s1, s9;
	s14 =	sshll.u32 s7, $0x2;
	s25 =	sadd.s32 s2, s10  }
0xd: {  	v2 =	vlaneseq.u32;
	s4 =	smul.u32 $0x300, s4;
	s1 =	smax.u32 s1, $0x1;
	[dreg:$0x7] =	wrdreg s25  }
0xe: {  	v0 =	vand.u32 $0x7, v2;
	v1 =	vshrl.u32 v2, $0x3;
	s15 =	sor.u32 $0x10, s7;
	s10 =	simm.s32 $0x0;
	[dreg:$0x9] =	wrdreg s1  }
0xf: {  	v63 =	vor.u32 $0x8, v2;
	[tilespmem:$0x1FFD0] =	vst v0;
	v62 =	vmul.u32 $0x8, v1;
	s25 =	simm.s32 $0x17900;
	s24 =	sadd.s32 s11, s4;
	s11 =	sadd.s32 $0xD00, s3  }
0x10: {  	[tilespmem:$0x1FFF0] =	vst v63;
	s26 =	sadd.s32 s0, s4;
	s4 =	simm.s32 $0x100;
	[dreg:$0x6] =	wrdreg s24  }
0x11: {  	vm0 =	vmmov $0xffff;
	[tilespmem:$0x1FFE0] =	vst v62;
	s3 =	simm.s32 $0x4;
	[dreg:$0x8] =	wrdreg s26;
	s26 =	simm.s32 $0x6100  }
.LBB2_1:
0x12: {  	[dreg:$0xa] =	wrdreg s10  }
0x13: {  	s1 =	rddreg [dreg:$0x6];
	s9 =	simm.s32 $0x18100  }
0x14: {  	[tilespmem:s9], [sflag:$0x8] =	stream.linear.gather [hbm4b:s1+s6], $0x6000, $0x38;
	[tilespmem:$0x1E100] =	vst v63  }
0x15: {  	_ =	swait.ge [sflag:s18], $0x6000  }
0x16: {  	[sflag:s18] =	ssyncset.done $0x0  }
0x17: {  	s22 =	rddreg [dreg:$0x7];
	[sflag:s18] =	ssyncadd.s32 $0xFFFFA000  }
0x18: {  	[tilespmem:s6], [sflag:$0x8] =	stream.linear.gather [hbm4b:s22+s6], $0x20, $0x38;
	[tilespmem:$0x1E100] =	vst v63  }
0x19: {  	_ =	swait.ge [sflag:s18], $0x20  }
0x1a: {  	[sflag:s18] =	ssyncset.done $0x0  }
0x1b: {  	[sflag:s18] =	ssyncadd.s32 $0xFFFFFFE0  }
0x1c: {  	v3 =	vld [tilespmem:$0x0];
	_ =	sdelay $0x3  }
0x1d: {  	v0 =	vld [tilespmem:$0x1FFD0]  }
0x1e: {  	v4 =	vshrl.u32 v3, $0x3  }
0x1f: {  	v1 =	vld [tilespmem:$0x1FFE0];
	v4 =	vmul.u32 $0x30, v4  }
0x20: {  	v3 =	vand.u32 $0x7, v3  }
0x21: {  	v3 =	vor.u32 v3, v4  }
0x22: {  	v4 =	vperm.xlane v3, v0  }
0x23: {  	v2 =	vld [tilespmem:$0x1FFF0]  }
0x24: {  	v4 =	vadd.s32 v1, v4;
	_ =	sdelay $0x3  }
0x25: {  	s23 =	simm.s32 $0xC100;
	v3 =	vperm.xlane v3, v2  }
0x26: {  	[tilespmem:s23], [sflag:$0x1] =	stream.indirect_vreg.gather [hbm4b:s8+s6], $0x80, v4, vm0, $0xb8;
	[tilespmem:$0x1E100] =	vst v63  }
0x27: {  	s24 =	simm.s32 $0xC900;
	v3 =	vadd.s32 v1, v3  }
0x28: {  	[tilespmem:s24], [sflag:$0x1] =	stream.indirect_vreg.gather [hbm4b:s11+s6], $0x80, v4, vm0, $0xb8;
	[tilespmem:$0x1E100] =	vst v63  }
0x29: {  	s9 =	simm.s32 $0xD100  }
0x2a: {  	[tilespmem:s9], [sflag:$0x1] =	stream.indirect_vreg.gather [hbm4b:s12+s6], $0x80, v4, vm0, $0xb8;
	[tilespmem:$0x1E100] =	vst v63  }
0x2b: {  	s10 =	simm.s32 $0xD900  }
0x2c: {  	[tilespmem:s10], [sflag:$0x1] =	stream.indirect_vreg.gather [hbm4b:s8+s6], $0x80, v3, vm0, $0xb8;
	[tilespmem:$0x1E100] =	vst v63  }
0x2d: {  	s13 =	simm.s32 $0xE100  }
0x2e: {  	[tilespmem:s13], [sflag:$0x1] =	stream.indirect_vreg.gather [hbm4b:s11+s6], $0x80, v3, vm0, $0xb8;
	[tilespmem:$0x1E100] =	vst v63  }
0x2f: {  	s16 =	simm.s32 $0xE900  }
0x30: {  	[tilespmem:s16], [sflag:$0x1] =	stream.indirect_vreg.gather [hbm4b:s12+s6], $0x80, v3, vm0, $0xb8;
	[tilespmem:$0x1E100] =	vst v63  }
0x31: {  	v3 =	vld [tilespmem:$0x10];
	_ =	sdelay $0x4  }
0x32: {  	v63 =	vshrl.u32 v3, $0x3  }
0x33: {  	v4 =	vmul.u32 $0x30, v63  }
0x34: {  	v3 =	vand.u32 $0x7, v3  }
0x35: {  	v3 =	vor.u32 v3, v4  }
0x36: {  	v4 =	vperm.xlane v3, v0;
	_ =	sdelay $0x1  }
0x37: {  	v4 =	vadd.s32 v1, v4;
	_ =	sdelay $0x3  }
0x38: {  	s17 =	simm.s32 $0xF100;
	v3 =	vperm.xlane v3, v2  }
0x39: {  	[tilespmem:s17], [sflag:$0x1] =	stream.indirect_vreg.gather [hbm4b:s8+s6], $0x80, v4, vm0, $0xb8;
	[tilespmem:$0x1E100] =	vst v63  }
0x3a: {  	s19 =	simm.s32 $0xF900;
	v3 =	vadd.s32 v1, v3  }
0x3b: {  	[tilespmem:s19], [sflag:$0x1] =	stream.indirect_vreg.gather [hbm4b:s11+s6], $0x80, v4, vm0, $0xb8;
	[tilespmem:$0x1E100] =	vst v63  }
0x3c: {  	s20 =	simm.s32 $0x10100  }
0x3d: {  	[tilespmem:s20], [sflag:$0x1] =	stream.indirect_vreg.gather [hbm4b:s12+s6], $0x80, v4, vm0, $0xb8;
	[tilespmem:$0x1E100] =	vst v63  }
0x3e: {  	s21 =	simm.s32 $0x10900  }
0x3f: {  	[tilespmem:s21], [sflag:$0x1] =	stream.indirect_vreg.gather [hbm4b:s8+s6], $0x80, v3, vm0, $0xb8;
	[tilespmem:$0x1E100] =	vst v63  }
0x40: {  	s22 =	simm.s32 $0x11100  }
0x41: {  	[tilespmem:s22], [sflag:$0x1] =	stream.indirect_vreg.gather [hbm4b:s11+s6], $0x80, v3, vm0, $0xb8;
	[tilespmem:$0x1E100] =	vst v63  }
0x42: {  	s23 =	simm.s32 $0x11900  }
0x43: {  	[tilespmem:s23], [sflag:$0x1] =	stream.indirect_vreg.gather [hbm4b:s12+s6], $0x80, v3, vm0, $0xb8;
	[tilespmem:$0x1E100] =	vst v63  }
0x44: {  	s1 =	simm.s32 $0x0;
	s24 =	rddreg [dreg:$0x8]  }
0x45: {  	[tilespmem:s4], [sflag:$0x3] =	stream.linear.gather [hbm4b:s24+s6], $0x6000, $0x38;
	[tilespmem:$0x1E100] =	vst v63  }
.LBB2_2:
0x46: {  	s13 =	sshll.u32 s1, $0x1  }
0x47: {  	s16 =	sand.u32 $0x2, s13  }
0x48: {  	s9 =	sor.u32 $0x1, s16  }
0x49: {  	s17 =	sshll.u32 s1, $0x4;
	s10 =	sshll.u32 s9, $0x7  }
0x4a: {  	s19 =	sand.u32 $0x60, s17;
	s20 =	sor.u32 s14, s10  }
0x4b: {  	s20 =	sor.u32 s19, s20  }
0x4c: {  	s20 =	sshrl.u32 s20, $0x3  }
0x4d: {  	s21 =	simm.s32 $0x80;
	s20 =	sadd.s32 s2, s20  }
0x4e: {  	[tilespmem:s21], [sflag:$0x8] =	stream.linear.gather [hbm4b:s20+s6], $0x20, $0x38;
	[tilespmem:$0x1E100] =	vst v63  }
0x4f: {  	_ =	swait.ge [sflag:s18], $0x20  }
0x50: {  	[sflag:s18] =	ssyncset.done $0x0  }
0x51: {  	[sflag:s18] =	ssyncadd.s32 $0xFFFFFFE0  }
0x52: {  	v3 =	vld [tilespmem:$0x80];
	_ =	sdelay $0x4  }
0x53: {  	v0 =	vld [tilespmem:$0x1FFD0];
	v4 =	vadd.s32 s10, v3  }
0x54: {  	v5 =	vshrl.u32 v4, $0x3  }
0x55: {  	v1 =	vld [tilespmem:$0x1FFE0];
	v5 =	vmul.u32 $0x30, v5  }
0x56: {  	v3 =	vand.u32 $0x7, v3  }
0x57: {  	v3 =	vor.u32 v3, v5  }
0x58: {  	v5 =	vld [tilespmem:$0x90];
	v6 =	vperm.xlane v3, v0  }
0x59: {  	v2 =	vld [tilespmem:$0x1FFF0]  }
0x5a: {  	v6 =	vadd.s32 v1, v6;
	_ =	sdelay $0x2  }
0x5b: {  	[tilespmem:$0x80] =	vst v4;
	v4 =	vadd.s32 s10, v5  }
0x5c: {  	s24 =	simm.s32 $0x12100;
	v3 =	vperm.xlane v3, v2;
	[tilespmem:$0x90] =	vst v4  }
0x5d: {  	[tilespmem:s24], [sflag:$0x2] =	stream.indirect_vreg.gather [hbm4b:s8+s6], $0x80, v6, vm0, $0xb8;
	[tilespmem:$0x1E100] =	vst v63  }
0x5e: {  	s20 =	simm.s32 $0x12900;
	v3 =	vadd.s32 v1, v3  }
0x5f: {  	[tilespmem:s20], [sflag:$0x2] =	stream.indirect_vreg.gather [hbm4b:s11+s6], $0x80, v6, vm0, $0xb8;
	[tilespmem:$0x1E100] =	vst v63  }
0x60: {  	s21 =	simm.s32 $0x13100  }
0x61: {  	[tilespmem:s21], [sflag:$0x2] =	stream.indirect_vreg.gather [hbm4b:s12+s6], $0x80, v6, vm0, $0xb8;
	[tilespmem:$0x1E100] =	vst v63  }
0x62: {  	s22 =	simm.s32 $0x13900  }
0x63: {  	[tilespmem:s22], [sflag:$0x2] =	stream.indirect_vreg.gather [hbm4b:s8+s6], $0x80, v3, vm0, $0xb8;
	[tilespmem:$0x1E100] =	vst v63  }
0x64: {  	s23 =	simm.s32 $0x14100  }
0x65: {  	[tilespmem:s23], [sflag:$0x2] =	stream.indirect_vreg.gather [hbm4b:s11+s6], $0x80, v3, vm0, $0xb8;
	[tilespmem:$0x1E100] =	vst v63  }
0x66: {  	s24 =	simm.s32 $0x14900  }
0x67: {  	[tilespmem:s24], [sflag:$0x2] =	stream.indirect_vreg.gather [hbm4b:s12+s6], $0x80, v3, vm0, $0xb8;
	[tilespmem:$0x1E100] =	vst v63  }
0x68: {  	v3 =	vld [tilespmem:$0x90];
	_ =	sdelay $0x4  }
0x69: {  	v4 =	vshrl.u32 v3, $0x3  }
0x6a: {  	v4 =	vmul.u32 $0x30, v4  }
0x6b: {  	v3 =	vand.u32 $0x7, v3  }
0x6c: {  	v3 =	vor.u32 v3, v4  }
0x6d: {  	v4 =	vperm.xlane v3, v0;
	_ =	sdelay $0x1  }
0x6e: {  	v4 =	vadd.s32 v1, v4;
	_ =	sdelay $0x3  }
0x6f: {  	s20 =	simm.s32 $0x15100;
	v3 =	vperm.xlane v3, v2  }
0x70: {  	[tilespmem:s20], [sflag:$0x2] =	stream.indirect_vreg.gather [hbm4b:s8+s6], $0x80, v4, vm0, $0xb8;
	[tilespmem:$0x1E100] =	vst v63  }
0x71: {  	s21 =	simm.s32 $0x15900;
	v3 =	vadd.s32 v1, v3  }
0x72: {  	[tilespmem:s21], [sflag:$0x2] =	stream.indirect_vreg.gather [hbm4b:s11+s6], $0x80, v4, vm0, $0xb8;
	[tilespmem:$0x1E100] =	vst v63  }
0x73: {  	s22 =	simm.s32 $0x16100  }
0x74: {  	[tilespmem:s22], [sflag:$0x2] =	stream.indirect_vreg.gather [hbm4b:s12+s6], $0x80, v4, vm0, $0xb8;
	[tilespmem:$0x1E100] =	vst v63  }
0x75: {  	p0 =	seq.s32 s1, $0x0;
	s23 =	simm.s32 $0x16900;
	s20 =	sor.u32 s7, s19  }
0x76: {  	[tilespmem:s23], [sflag:$0x2] =	stream.indirect_vreg.gather [hbm4b:s8+s6], $0x80, v3, vm0, $0xb8;
	[tilespmem:$0x1E100] =	vst v63  }
0x77: {  	s9 =	smul.u32 $0x300000, s9;
	s24 =	simm.s32 $0x17100;
	s10 =	sshrl.u32 s20, $0x3  }
0x78: {  	[tilespmem:s24], [sflag:$0x2] =	stream.indirect_vreg.gather [hbm4b:s11+s6], $0x80, v3, vm0, $0xb8;
	[tilespmem:$0x1E100] =	vst v63  }
0x79: {  	s19 =	smul.u32 $0x1800, s10;
	s10 =	simm.s32 @!p0 $0x6  }
0x7a: {  	[tilespmem:s25], [sflag:$0x2] =	stream.indirect_vreg.gather [hbm4b:s12+s6], $0x80, v3, vm0, $0xb8;
	[tilespmem:$0x1E100] =	vst v63  }
0x7b: {  	s9 =	sadd.s32 s9, s19;
	_ =	swait.ge @!p0 [sflag:s10], $0x6000  }
0x7c: {  	s9 =	sshrl.u32 s9, $0x3;
	[sflag:s10] =	ssyncset.done @!p0 $0x0  }
0x7d: {  	s21 =	sadd.s32 s0, s9;
	[sflag:s10] =	ssyncadd.s32 @!p0 $0xFFFFA000;
	s10 =	sand.u32 $0x1, s1  }
0x7e: {  	[tilespmem:s26], [sflag:$0x4] =	stream.linear.gather [hbm4b:s21+s6], $0x6000, $0x38;
	[tilespmem:$0x1E100] =	vst v63  }
0x7f: {  	p1 =	sne.s32 @!p0 s10, $0x0  }
0x80: {  	p0 =	por p1, p0  }
0x81: {  	s20 =	simm.s32 @!p0 $0x7  }
0x82: {  	_ =	swait.ge @!p0 [sflag:s20], $0x6000  }
0x83: {  	[sflag:s20] =	ssyncset.done @!p0 $0x0  }
0x84: {  	[sflag:s20] =	ssyncadd.s32 @!p0 $0xFFFFA000  }
0x85: {  	_ =	swait.ge [sflag:s28], $0x6000  }
0x86: {  	[sflag:s28] =	ssyncset.done $0x0  }
0x87: {  	s22 =	simm.s32 $0x0;
	[sflag:s28] =	ssyncadd.s32 $0xFFFFA000  }
0x88: {  	s23 =	simm.s32 $0x0;
	s20 =	smul.u32 $0x1800, s22;
	_ =	swait.ge [sflag:s29], $0x6000  }
0x89: {  	s21 =	sand.u32 $0x380, s23;
	[sflag:s29] =	ssyncset.done $0x0  }
0x8a: {  	s20 =	sor.u32 s21, s20;
	[sflag:s29] =	ssyncadd.s32 $0xFFFFA000  }
0x8b: {  	v2 =	vld [tilespmem:s20+$0x18110];
	_ =	sdelay $0x4  }
0x8c: {  	[tilespmem:$0x1FDE0] =	vst v2;
	v2 =	vld [tilespmem:s20+$0xC120];
	_ =	sdelay $0x4  }
0x8d: {  	[tilespmem:$0x1FE00] =	vst v2;
	v2 =	vld [tilespmem:s20+$0xC130];
	_ =	sdelay $0x4  }
0x8e: {  	[tilespmem:$0x1FE10] =	vst v2;
	v2 =	vld [tilespmem:s20+$0xC140];
	_ =	sdelay $0x4  }
0x8f: {  	[tilespmem:$0x1FE20] =	vst v2;
	v2 =	vld [tilespmem:s20+$0xC150];
	_ =	sdelay $0x4  }
0x90: {  	[tilespmem:$0x1FE30] =	vst v2;
	v2 =	vld [tilespmem:s20+$0xC160];
	_ =	sdelay $0x4  }
0x91: {  	[tilespmem:$0x1FE40] =	vst v2;
	v2 =	vld [tilespmem:s20+$0xC170];
	_ =	sdelay $0x4  }
0x92: {  	[tilespmem:$0x1FE50] =	vst v2;
	v2 =	vld [tilespmem:s20+$0xC500];
	_ =	sdelay $0x4  }
0x93: {  	[tilespmem:$0x1FE60] =	vst v2;
	v2 =	vld [tilespmem:s20+$0xC510];
	_ =	sdelay $0x4  }
0x94: {  	[tilespmem:$0x1FE70] =	vst v2;
	v2 =	vld [tilespmem:s20+$0xC520];
	_ =	sdelay $0x4  }
0x95: {  	[tilespmem:$0x1FE80] =	vst v2;
	v2 =	vld [tilespmem:s20+$0xC530];
	_ =	sdelay $0x4  }
0x96: {  	[tilespmem:$0x1FE90] =	vst v2;
	v2 =	vld [tilespmem:s20+$0xC540];
	_ =	sdelay $0x1  }
0x97: {  	v3 =	vld [tilespmem:s20+$0xD570]  }
0x98: {  	v4 =	vld [tilespmem:s20+$0x19570]  }
0x99: {  	v0 =	vld [tilespmem:s20+$0xC100]  }
0x9a: {  	[tilespmem:$0x1FEA0] =	vst v2;
	v2 =	vld [tilespmem:s20+$0xC550]  }
0x9b: {  	v1 =	vld [tilespmem:s20+$0x18100]  }
0x9c: {  	v10 =	vld [tilespmem:s20+$0x18130]  }
0x9d: {  	v12 =	vld [tilespmem:s20+$0x18140]  }
0x9e: {  	v14 =	vld [tilespmem:s20+$0x18150]  }
0x9f: {  	[tilespmem:$0x1FEB0] =	vst v2;
	v2 =	vld [tilespmem:s20+$0xCD70]  }
0xa0: {  	v16 =	vld [tilespmem:s20+$0x18160]  }
0xa1: {  	v18 =	vld [tilespmem:s20+$0x18170]  }
0xa2: {  	v20 =	vld [tilespmem:s20+$0x18500]  }
0xa3: {  	v22 =	vld [tilespmem:s20+$0x18510]  }
0xa4: {  	[tilespmem:$0x1FEC0] =	vst v2;
	v2 =	vld [tilespmem:s20+$0xD100]  }
0xa5: {  	v24 =	vld [tilespmem:s20+$0x18520]  }
0xa6: {  	v26 =	vld [tilespmem:s20+$0x18530]  }
0xa7: {  	v28 =	vld [tilespmem:s20+$0x18540]  }
0xa8: {  	v30 =	vld [tilespmem:s20+$0x18550]  }
0xa9: {  	[tilespmem:$0x1FED0] =	vst v2;
	v2 =	vld [tilespmem:s20+$0xD110]  }
0xaa: {  	v31 =	vld [tilespmem:s20+$0xC560]  }
0xab: {  	v32 =	vld [tilespmem:s20+$0x18560]  }
0xac: {  	v33 =	vld [tilespmem:s20+$0xC570]  }
0xad: {  	v34 =	vld [tilespmem:s20+$0x18570]  }
0xae: {  	[tilespmem:$0x1FEE0] =	vst v2;
	v2 =	vld [tilespmem:s20+$0xD120]  }
0xaf: {  	v35 =	vld [tilespmem:s20+$0xC900]  }
0xb0: {  	v36 =	vld [tilespmem:s20+$0x18900]  }
0xb1: {  	v37 =	vld [tilespmem:s20+$0xC910]  }
0xb2: {  	v38 =	vld [tilespmem:s20+$0x18910]  }
0xb3: {  	[tilespmem:$0x1FEF0] =	vst v2;
	v2 =	vld [tilespmem:s20+$0xD130]  }
0xb4: {  	v39 =	vld [tilespmem:s20+$0xC920]  }
0xb5: {  	v40 =	vld [tilespmem:s20+$0x18920]  }
0xb6: {  	v41 =	vld [tilespmem:s20+$0xC930]  }
0xb7: {  	v42 =	vld [tilespmem:s20+$0x18930]  }
0xb8: {  	[tilespmem:$0x1FF00] =	vst v2;
	v2 =	vld [tilespmem:s20+$0xD140]  }
0xb9: {  	v43 =	vld [tilespmem:s20+$0xC940]  }
0xba: {  	v44 =	vld [tilespmem:s20+$0x18940]  }
0xbb: {  	v45 =	vld [tilespmem:s20+$0xC950]  }
0xbc: {  	v46 =	vld [tilespmem:s20+$0x18950]  }
0xbd: {  	[tilespmem:$0x1FF10] =	vst v2;
	v2 =	vld [tilespmem:s20+$0xD150]  }
0xbe: {  	v47 =	vld [tilespmem:s20+$0xC960]  }
0xbf: {  	v3 =	vadd.f32 v4, v3;
	v4 =	vld [tilespmem:s20+$0x18120]  }
0xc0: {  	v48 =	vld [tilespmem:s20+$0x18960]  }
0xc1: {  	v49 =	vld [tilespmem:s20+$0xC970]  }
0xc2: {  	[tilespmem:$0x1FF20] =	vst v2;
	v2 =	vld [tilespmem:s20+$0xD160]  }
0xc3: {  	v50 =	vld [tilespmem:s20+$0x18970]  }
0xc4: {  	[tilespmem:$0x1FDF0] =	vst v4;
	v4 =	vld [tilespmem:s20+$0xD550]  }
0xc5: {  	v51 =	vld [tilespmem:s20+$0xCD00]  }
0xc6: {  	v52 =	vld [tilespmem:s20+$0x18D00]  }
0xc7: {  	[tilespmem:$0x1FF30] =	vst v2;
	v2 =	vld [tilespmem:s20+$0xD170]  }
0xc8: {  	v53 =	vld [tilespmem:s20+$0xCD10]  }
0xc9: {  	[tilespmem:$0x1FFA0] =	vst v4;
	v4 =	vld [tilespmem:s20+$0x19550]  }
0xca: {  	v54 =	vld [tilespmem:s20+$0x18D10]  }
0xcb: {  	v55 =	vld [tilespmem:s20+$0xCD20]  }
0xcc: {  	[tilespmem:$0x1FF40] =	vst v2;
	v2 =	vld [tilespmem:s20+$0xD500]  }
0xcd: {  	v56 =	vld [tilespmem:s20+$0x18D20];
	[tilespmem:$0x1FDD0] =	vst v1  }
0xce: {  	[tilespmem:$0x1FFB0] =	vst v4;
	v4 =	vld [tilespmem:$0x1FDD0]  }
0xcf: {  	v57 =	vld [tilespmem:s20+$0xCD30]  }
0xd0: {  	v58 =	vld [tilespmem:s20+$0x18D30]  }
0xd1: {  	[tilespmem:$0x1FF50] =	vst v2;
	v2 =	vld [tilespmem:s20+$0xD510]  }
0xd2: {  	v1 =	vld [tilespmem:s20+$0xC110]  }
0xd3: {  	v0 =	vadd.f32 v4, v0;
	v4 =	vld [tilespmem:$0x1FDE0]  }
0xd4: {  	v59 =	vld [tilespmem:s20+$0xCD40]  }
0xd5: {  	v60 =	vld [tilespmem:s20+$0x18D40]  }
0xd6: {  	[tilespmem:$0x1FF60] =	vst v2;
	v2 =	vld [tilespmem:s20+$0xD520]  }
0xd7: {  	[tilespmem:s20+$0x100] =	vst.add.f32.msk $0xffff, v0  }
0xd8: {  	v0 =	vld [tilespmem:$0x1FE10];
	v1 =	vadd.f32 v4, v1  }
0xd9: {  	v61 =	vld [tilespmem:s20+$0xCD50]  }
0xda: {  	[tilespmem:s20+$0x110] =	vst.add.f32.msk $0xffff, v1  }
0xdb: {  	[tilespmem:$0x1FF70] =	vst v2;
	v2 =	vld [tilespmem:s20+$0xD530]  }
0xdc: {  	v1 =	vld [tilespmem:$0x1FE20]  }
0xdd: {  	v62 =	vld [tilespmem:s20+$0x18D50];
	v0 =	vadd.f32 v10, v0  }
0xde: {  	v63 =	vld [tilespmem:s20+$0xCD60]  }
0xdf: {  	[tilespmem:s20+$0x130] =	vst.add.f32.msk $0xffff, v0  }
0xe0: {  	[tilespmem:$0x1FF80] =	vst v2;
	v2 =	vld [tilespmem:s20+$0xD540]  }
0xe1: {  	v0 =	vld [tilespmem:$0x1FE40];
	v1 =	vadd.f32 v12, v1  }
0xe2: {  	v21 =	vld [tilespmem:s20+$0x18D60]  }
0xe3: {  	[tilespmem:s20+$0x140] =	vst.add.f32.msk $0xffff, v1  }
0xe4: {  	v1 =	vld [tilespmem:$0x1FE50]  }
0xe5: {  	[tilespmem:$0x1FF90] =	vst v2;
	v2 =	vld [tilespmem:s20+$0xD560]  }
0xe6: {  	v23 =	vld [tilespmem:s20+$0x18D70];
	v0 =	vadd.f32 v16, v0  }
0xe7: {  	v29 =	vld [tilespmem:$0x1FE00]  }
0xe8: {  	[tilespmem:s20+$0x160] =	vst.add.f32.msk $0xffff, v0  }
0xe9: {  	v1 =	vadd.f32 v18, v1;
	v0 =	vld [tilespmem:$0x1FE70]  }
0xea: {  	[tilespmem:$0x1FFC0] =	vst v2;
	v2 =	vld [tilespmem:$0x1FDF0]  }
0xeb: {  	[tilespmem:s20+$0x170] =	vst.add.f32.msk $0xffff, v1  }
0xec: {  	v1 =	vld [tilespmem:$0x1FE80]  }
0xed: {  	v25 =	vld [tilespmem:s20+$0x19100]  }
0xee: {  	v27 =	vld [tilespmem:s20+$0x19120];
	v0 =	vadd.f32 v22, v0  }
0xef: {  	v5 =	vld [tilespmem:s20+$0x19130];
	v2 =	vadd.f32 v2, v29  }
0xf0: {  	[tilespmem:s20+$0x510] =	vst.add.f32.msk $0xffff, v0  }
0xf1: {  	v1 =	vadd.f32 v24, v1;
	[tilespmem:s20+$0x120] =	vst.add.f32.msk $0xffff, v2  }
0xf2: {  	v2 =	vld [tilespmem:$0x1FE30]  }
0xf3: {  	[tilespmem:s20+$0x520] =	vst.add.f32.msk $0xffff, v1  }
0xf4: {  	v0 =	vld [tilespmem:$0x1FEA0]  }
0xf5: {  	v1 =	vld [tilespmem:$0x1FEB0]  }
0xf6: {  	v6 =	vld [tilespmem:s20+$0x19140]  }
0xf7: {  	[tilespmem:s20+$0x1570] =	vst.add.f32.msk $0xffff, v3;
	v2 =	vadd.f32 v14, v2  }
0xf8: {  	v3 =	vld [tilespmem:s20+$0x19110]  }
0xf9: {  	v0 =	vadd.f32 v28, v0;
	[tilespmem:s20+$0x150] =	vst.add.f32.msk $0xffff, v2  }
0xfa: {  	v1 =	vadd.f32 v30, v1;
	v2 =	vld [tilespmem:$0x1FE60]  }
0xfb: {  	[tilespmem:s20+$0x540] =	vst.add.f32.msk $0xffff, v0;
	v0 =	vadd.f32 v34, v33  }
0xfc: {  	[tilespmem:s20+$0x550] =	vst.add.f32.msk $0xffff, v1;
	v1 =	vadd.f32 v36, v35  }
0xfd: {  	[tilespmem:s20+$0x570] =	vst.add.f32.msk $0xffff, v0;
	v0 =	vadd.f32 v40, v39  }
0xfe: {  	[tilespmem:s20+$0x900] =	vst.add.f32.msk $0xffff, v1;
	v1 =	vadd.f32 v42, v41  }
0xff: {  	[tilespmem:s20+$0x920] =	vst.add.f32.msk $0xffff, v0;
	v2 =	vadd.f32 v20, v2  }
0x100: {  	[tilespmem:s20+$0x930] =	vst.add.f32.msk $0xffff, v1  }
0x101: {  	v1 =	vadd.f32 v48, v47;
	[tilespmem:s20+$0x500] =	vst.add.f32.msk $0xffff, v2  }
0x102: {  	v0 =	vadd.f32 v46, v45;
	v2 =	vld [tilespmem:$0x1FE90]  }
0x103: {  	[tilespmem:s20+$0x960] =	vst.add.f32.msk $0xffff, v1;
	v1 =	vadd.f32 v54, v53  }
0x104: {  	[tilespmem:s20+$0x950] =	vst.add.f32.msk $0xffff, v0;
	v0 =	vadd.f32 v52, v51  }
0x105: {  	[tilespmem:s20+$0xD10] =	vst.add.f32.msk $0xffff, v1;
	v1 =	vadd.f32 v60, v59  }
0x106: {  	[tilespmem:s20+$0xD00] =	vst.add.f32.msk $0xffff, v0  }
0x107: {  	[tilespmem:s20+$0xD40] =	vst.add.f32.msk $0xffff, v1;
	v2 =	vadd.f32 v26, v2  }
0x108: {  	v0 =	vadd.f32 v58, v57;
	v1 =	vld [tilespmem:$0x1FEC0]  }
0x109: {  	[tilespmem:s20+$0x530] =	vst.add.f32.msk $0xffff, v2;
	v2 =	vadd.f32 v32, v31  }
0x10a: {  	[tilespmem:s20+$0xD30] =	vst.add.f32.msk $0xffff, v0;
	v0 =	vadd.f32 v21, v63  }
0x10b: {  	[tilespmem:s20+$0x560] =	vst.add.f32.msk $0xffff, v2;
	v2 =	vadd.f32 v38, v37  }
0x10c: {  	[tilespmem:s20+$0xD60] =	vst.add.f32.msk $0xffff, v0  }
0x10d: {  	[tilespmem:s20+$0x910] =	vst.add.f32.msk $0xffff, v2;
	v2 =	vadd.f32 v44, v43  }
0x10e: {  	v0 =	vld [tilespmem:$0x1FEE0];
	v1 =	vadd.f32 v23, v1  }
0x10f: {  	[tilespmem:s20+$0x940] =	vst.add.f32.msk $0xffff, v2;
	v2 =	vadd.f32 v50, v49  }
0x110: {  	[tilespmem:s20+$0xD70] =	vst.add.f32.msk $0xffff, v1  }
0x111: {  	[tilespmem:s20+$0x970] =	vst.add.f32.msk $0xffff, v2;
	v2 =	vadd.f32 v56, v55  }
0x112: {  	v1 =	vld [tilespmem:$0x1FEF0]  }
0x113: {  	[tilespmem:s20+$0xD20] =	vst.add.f32.msk $0xffff, v2;
	v2 =	vadd.f32 v62, v61  }
0x114: {  	v7 =	vld [tilespmem:s20+$0x19150]  }
0x115: {  	[tilespmem:s20+$0xD50] =	vst.add.f32.msk $0xffff, v2  }
0x116: {  	v0 =	vadd.f32 v3, v0;
	v2 =	vld [tilespmem:$0x1FED0]  }
0x117: {  	v8 =	vld [tilespmem:s20+$0x19160]  }
0x118: {  	[tilespmem:s20+$0x1110] =	vst.add.f32.msk $0xffff, v0;
	v1 =	vadd.f32 v27, v1  }
0x119: {  	v0 =	vld [tilespmem:$0x1FF10]  }
0x11a: {  	[tilespmem:s20+$0x1120] =	vst.add.f32.msk $0xffff, v1  }
0x11b: {  	v1 =	vld [tilespmem:$0x1FF20];
	v2 =	vadd.f32 v25, v2  }
0x11c: {  	v9 =	vld [tilespmem:s20+$0x19170]  }
0x11d: {  	[tilespmem:s20+$0x1100] =	vst.add.f32.msk $0xffff, v2  }
0x11e: {  	v0 =	vadd.f32 v6, v0;
	v2 =	vld [tilespmem:$0x1FF00]  }
0x11f: {  	v11 =	vld [tilespmem:s20+$0x19500]  }
0x120: {  	[tilespmem:s20+$0x1140] =	vst.add.f32.msk $0xffff, v0;
	v1 =	vadd.f32 v7, v1  }
0x121: {  	v0 =	vld [tilespmem:$0x1FF40]  }
0x122: {  	[tilespmem:s20+$0x1150] =	vst.add.f32.msk $0xffff, v1  }
0x123: {  	v1 =	vld [tilespmem:$0x1FF50];
	v2 =	vadd.f32 v5, v2  }
0x124: {  	v15 =	vld [tilespmem:s20+$0x19520]  }
0x125: {  	[tilespmem:s20+$0x1130] =	vst.add.f32.msk $0xffff, v2  }
0x126: {  	v0 =	vadd.f32 v9, v0;
	v2 =	vld [tilespmem:$0x1FF30]  }
0x127: {  	v17 =	vld [tilespmem:s20+$0x19530]  }
0x128: {  	[tilespmem:s20+$0x1170] =	vst.add.f32.msk $0xffff, v0;
	v1 =	vadd.f32 v11, v1  }
0x129: {  	v0 =	vld [tilespmem:$0x1FF70]  }
0x12a: {  	[tilespmem:s20+$0x1500] =	vst.add.f32.msk $0xffff, v1  }
0x12b: {  	v1 =	vld [tilespmem:$0x1FF80];
	v2 =	vadd.f32 v8, v2  }
0x12c: {  	v13 =	vld [tilespmem:s20+$0x19510]  }
0x12d: {  	[tilespmem:s20+$0x1160] =	vst.add.f32.msk $0xffff, v2  }
0x12e: {  	v0 =	vadd.f32 v15, v0;
	v2 =	vld [tilespmem:$0x1FF60];
	_ =	sdelay $0x1  }
0x12f: {  	[tilespmem:s20+$0x1520] =	vst.add.f32.msk $0xffff, v0;
	v1 =	vadd.f32 v17, v1  }
0x130: {  	v0 =	vld [tilespmem:$0x1FFA0]  }
0x131: {  	[tilespmem:s20+$0x1530] =	vst.add.f32.msk $0xffff, v1  }
0x132: {  	v1 =	vld [tilespmem:$0x1FFB0];
	v2 =	vadd.f32 v13, v2  }
0x133: {  	v19 =	vld [tilespmem:s20+$0x19540]  }
0x134: {  	[tilespmem:s20+$0x1510] =	vst.add.f32.msk $0xffff, v2  }
0x135: {  	v2 =	vld [tilespmem:$0x1FF90]  }
0x136: {  	v4 =	vld [tilespmem:s20+$0x19560]  }
0x137: {  	v3 =	vadd.f32 v1, v0;
	v0 =	vld [tilespmem:$0x1FFC0];
	_ =	sdelay $0x2  }
0x138: {  	v2 =	vadd.f32 v19, v2  }
0x139: {  	s24 =	simm.s32 $0x0  }
0x13a: {  	s23 =	smul.u32 $0x1800, s24;
	s22 =	simm.s32 $0x80;
	s21 =	simm.s32 $0x2;
	v4 =	vadd.f32 v4, v0;
	[tilespmem:s20+$0x1540] =	vst.add.f32.msk $0xffff, v2  }
.LBB2_3:
0x13b: {  	p0 =	sne.s32 s21, $0x1F;
	s24 =	sand.u32 $0x380, s22;
	[tilespmem:s20+$0x1550] =	vst.add.f32.msk $0xffff, v3  }
0x13c: {  	[tilespmem:s20+$0x1560] =	vst.add.f32.msk $0xffff, v4;
	s20 =	sor.u32 s24, s23  }
0x13d: {  	v0 =	vld [tilespmem:s20+$0xD570]  }
0x13e: {  	v1 =	vld [tilespmem:s20+$0x19570]  }
0x13f: {  	v2 =	vld [tilespmem:s20+$0xC100]  }
0x140: {  	v3 =	vld [tilespmem:s20+$0x18100]  }
0x141: {  	v4 =	vld [tilespmem:s20+$0xC110]  }
0x142: {  	v5 =	vld [tilespmem:s20+$0x18110]  }
0x143: {  	v6 =	vld [tilespmem:s20+$0xC120];
	v0 =	vadd.f32 v1, v0  }
0x144: {  	v1 =	vld [tilespmem:s20+$0x18120]  }
0x145: {  	v3 =	vadd.f32 v3, v2;
	[tilespmem:s20+$0x1570] =	vst.add.f32.msk $0xffff, v0  }
0x146: {  	v0 =	vld [tilespmem:s20+$0xC130]  }
0x147: {  	v4 =	vadd.f32 v5, v4;
	v2 =	vld [tilespmem:s20+$0x18130]  }
0x148: {  	v7 =	vld [tilespmem:s20+$0xC140]  }
0x149: {  	v5 =	vadd.f32 v1, v6;
	v1 =	vld [tilespmem:s20+$0x18140]  }
0x14a: {  	v8 =	vld [tilespmem:s20+$0xC150]  }
0x14b: {  	v9 =	vld [tilespmem:s20+$0x18150]  }
0x14c: {  	v6 =	vadd.f32 v2, v0;
	v0 =	vld [tilespmem:s20+$0xC160]  }
0x14d: {  	v2 =	vld [tilespmem:s20+$0x18160]  }
0x14e: {  	v7 =	vadd.f32 v1, v7;
	v1 =	vld [tilespmem:s20+$0xC170]  }
0x14f: {  	v10 =	vld [tilespmem:s20+$0x18170]  }
0x150: {  	v8 =	vadd.f32 v9, v8;
	v11 =	vld [tilespmem:s20+$0xC500]  }
0x151: {  	v12 =	vld [tilespmem:s20+$0x18500]  }
0x152: {  	v9 =	vadd.f32 v2, v0;
	v0 =	vld [tilespmem:s20+$0xC510]  }
0x153: {  	v2 =	vld [tilespmem:s20+$0x18510]  }
0x154: {  	v10 =	vadd.f32 v10, v1;
	v1 =	vld [tilespmem:s20+$0xC520]  }
0x155: {  	v13 =	vld [tilespmem:s20+$0x18520]  }
0x156: {  	v11 =	vadd.f32 v12, v11;
	v14 =	vld [tilespmem:s20+$0xC530]  }
0x157: {  	v15 =	vld [tilespmem:s20+$0x18530]  }
0x158: {  	v12 =	vadd.f32 v2, v0;
	v0 =	vld [tilespmem:s20+$0xC540]  }
0x159: {  	v2 =	vld [tilespmem:s20+$0x18540]  }
0x15a: {  	v13 =	vadd.f32 v13, v1;
	v1 =	vld [tilespmem:s20+$0xC550]  }
0x15b: {  	v16 =	vld [tilespmem:s20+$0x18550]  }
0x15c: {  	v14 =	vadd.f32 v15, v14;
	v17 =	vld [tilespmem:s20+$0xC560]  }
0x15d: {  	v18 =	vld [tilespmem:s20+$0x18560]  }
0x15e: {  	v15 =	vadd.f32 v2, v0;
	v0 =	vld [tilespmem:s20+$0xC570]  }
0x15f: {  	v2 =	vld [tilespmem:s20+$0x18570]  }
0x160: {  	v16 =	vadd.f32 v16, v1;
	v1 =	vld [tilespmem:s20+$0xC900]  }
0x161: {  	v19 =	vld [tilespmem:s20+$0x18900]  }
0x162: {  	v17 =	vadd.f32 v18, v17;
	v20 =	vld [tilespmem:s20+$0xC910]  }
0x163: {  	v21 =	vld [tilespmem:s20+$0x18910]  }
0x164: {  	v18 =	vadd.f32 v2, v0;
	v0 =	vld [tilespmem:s20+$0xC920]  }
0x165: {  	v2 =	vld [tilespmem:s20+$0x18920]  }
0x166: {  	v19 =	vadd.f32 v19, v1;
	v1 =	vld [tilespmem:s20+$0xC930]  }
0x167: {  	v22 =	vld [tilespmem:s20+$0x18930]  }
0x168: {  	v20 =	vadd.f32 v21, v20;
	v23 =	vld [tilespmem:s20+$0xC940]  }
0x169: {  	v24 =	vld [tilespmem:s20+$0x18940]  }
0x16a: {  	v21 =	vadd.f32 v2, v0;
	v0 =	vld [tilespmem:s20+$0xC950]  }
0x16b: {  	v2 =	vld [tilespmem:s20+$0x18950]  }
0x16c: {  	v22 =	vadd.f32 v22, v1;
	v1 =	vld [tilespmem:s20+$0xC960]  }
0x16d: {  	v25 =	vld [tilespmem:s20+$0x18960]  }
0x16e: {  	v23 =	vadd.f32 v24, v23;
	v26 =	vld [tilespmem:s20+$0xC970]  }
0x16f: {  	v27 =	vld [tilespmem:s20+$0x18970]  }
0x170: {  	v24 =	vadd.f32 v2, v0;
	v0 =	vld [tilespmem:s20+$0xCD00]  }
0x171: {  	v2 =	vld [tilespmem:s20+$0x18D00]  }
0x172: {  	v25 =	vadd.f32 v25, v1;
	v1 =	vld [tilespmem:s20+$0xCD10]  }
0x173: {  	v28 =	vld [tilespmem:s20+$0x18D10]  }
0x174: {  	v26 =	vadd.f32 v27, v26;
	v29 =	vld [tilespmem:s20+$0xCD20]  }
0x175: {  	v30 =	vld [tilespmem:s20+$0x18D20]  }
0x176: {  	v27 =	vadd.f32 v2, v0;
	v0 =	vld [tilespmem:s20+$0xCD30]  }
0x177: {  	v2 =	vld [tilespmem:s20+$0x18D30]  }
0x178: {  	v28 =	vadd.f32 v28, v1;
	v1 =	vld [tilespmem:s20+$0xCD40]  }
0x179: {  	v31 =	vld [tilespmem:s20+$0x18D40]  }
0x17a: {  	v29 =	vadd.f32 v30, v29;
	v32 =	vld [tilespmem:s20+$0xCD50]  }
0x17b: {  	v33 =	vld [tilespmem:s20+$0x18D50]  }
0x17c: {  	v30 =	vadd.f32 v2, v0;
	v0 =	vld [tilespmem:s20+$0xCD60]  }
0x17d: {  	v2 =	vld [tilespmem:s20+$0x18D60]  }
0x17e: {  	v31 =	vadd.f32 v31, v1;
	v1 =	vld [tilespmem:s20+$0xCD70]  }
0x17f: {  	v34 =	vld [tilespmem:s20+$0x18D70]  }
0x180: {  	v32 =	vadd.f32 v33, v32;
	v35 =	vld [tilespmem:s20+$0xD100]  }
0x181: {  	v36 =	vld [tilespmem:s20+$0x19100]  }
0x182: {  	v33 =	vadd.f32 v2, v0;
	v0 =	vld [tilespmem:s20+$0xD110]  }
0x183: {  	v2 =	vld [tilespmem:s20+$0x19110]  }
0x184: {  	v34 =	vadd.f32 v34, v1;
	v1 =	vld [tilespmem:s20+$0xD120]  }
0x185: {  	v37 =	vld [tilespmem:s20+$0x19120]  }
0x186: {  	v35 =	vadd.f32 v36, v35;
	v36 =	vld [tilespmem:s20+$0xD130]  }
0x187: {  	v38 =	vld [tilespmem:s20+$0x19130]  }
0x188: {  	v0 =	vadd.f32 v2, v0;
	v2 =	vld [tilespmem:s20+$0xD140]  }
0x189: {  	v39 =	vld [tilespmem:s20+$0x19140]  }
0x18a: {  	v1 =	vadd.f32 v37, v1;
	v37 =	vld [tilespmem:s20+$0xD150]  }
0x18b: {  	v40 =	vld [tilespmem:s20+$0x19150]  }
0x18c: {  	v36 =	vadd.f32 v38, v36;
	v38 =	vld [tilespmem:s20+$0xD160]  }
0x18d: {  	v41 =	vld [tilespmem:s20+$0x19160]  }
0x18e: {  	v2 =	vadd.f32 v39, v2;
	v39 =	vld [tilespmem:s20+$0xD170]  }
0x18f: {  	v42 =	vld [tilespmem:s20+$0x19170]  }
0x190: {  	v37 =	vadd.f32 v40, v37;
	v40 =	vld [tilespmem:s20+$0xD500]  }
0x191: {  	v43 =	vld [tilespmem:s20+$0x19500]  }
0x192: {  	v38 =	vadd.f32 v41, v38;
	v41 =	vld [tilespmem:s20+$0xD510]  }
0x193: {  	v44 =	vld [tilespmem:s20+$0x19510]  }
0x194: {  	v39 =	vadd.f32 v42, v39;
	v42 =	vld [tilespmem:s20+$0xD520]  }
0x195: {  	v45 =	vld [tilespmem:s20+$0x19520]  }
0x196: {  	v40 =	vadd.f32 v43, v40;
	v43 =	vld [tilespmem:s20+$0xD530]  }
0x197: {  	v46 =	vld [tilespmem:s20+$0x19530]  }
0x198: {  	v41 =	vadd.f32 v44, v41;
	v44 =	vld [tilespmem:s20+$0xD540]  }
0x199: {  	v47 =	vld [tilespmem:s20+$0x19540]  }
0x19a: {  	v42 =	vadd.f32 v45, v42;
	v45 =	vld [tilespmem:s20+$0xD550]  }
0x19b: {  	v48 =	vld [tilespmem:s20+$0x19550]  }
0x19c: {  	v43 =	vadd.f32 v46, v43;
	v46 =	vld [tilespmem:s20+$0xD560]  }
0x19d: {  	v49 =	vld [tilespmem:s20+$0x19560]  }
0x19e: {  	[tilespmem:s20+$0x100] =	vst.add.f32.msk $0xffff, v3;
	v44 =	vadd.f32 v47, v44  }
0x19f: {  	[tilespmem:s20+$0x110] =	vst.add.f32.msk $0xffff, v4  }
0x1a0: {  	[tilespmem:s20+$0x120] =	vst.add.f32.msk $0xffff, v5;
	v3 =	vadd.f32 v48, v45  }
0x1a1: {  	[tilespmem:s20+$0x130] =	vst.add.f32.msk $0xffff, v6  }
0x1a2: {  	[tilespmem:s20+$0x140] =	vst.add.f32.msk $0xffff, v7;
	v4 =	vadd.f32 v49, v46  }
0x1a3: {  	[tilespmem:s20+$0x150] =	vst.add.f32.msk $0xffff, v8  }
0x1a4: {  	[tilespmem:s20+$0x160] =	vst.add.f32.msk $0xffff, v9  }
0x1a5: {  	[tilespmem:s20+$0x170] =	vst.add.f32.msk $0xffff, v10  }
0x1a6: {  	[tilespmem:s20+$0x500] =	vst.add.f32.msk $0xffff, v11  }
0x1a7: {  	[tilespmem:s20+$0x510] =	vst.add.f32.msk $0xffff, v12  }
0x1a8: {  	[tilespmem:s20+$0x520] =	vst.add.f32.msk $0xffff, v13  }
0x1a9: {  	[tilespmem:s20+$0x530] =	vst.add.f32.msk $0xffff, v14  }
0x1aa: {  	[tilespmem:s20+$0x540] =	vst.add.f32.msk $0xffff, v15  }
0x1ab: {  	[tilespmem:s20+$0x550] =	vst.add.f32.msk $0xffff, v16  }
0x1ac: {  	[tilespmem:s20+$0x560] =	vst.add.f32.msk $0xffff, v17  }
0x1ad: {  	[tilespmem:s20+$0x570] =	vst.add.f32.msk $0xffff, v18  }
0x1ae: {  	[tilespmem:s20+$0x900] =	vst.add.f32.msk $0xffff, v19  }
0x1af: {  	[tilespmem:s20+$0x910] =	vst.add.f32.msk $0xffff, v20  }
0x1b0: {  	[tilespmem:s20+$0x920] =	vst.add.f32.msk $0xffff, v21  }
0x1b1: {  	[tilespmem:s20+$0x930] =	vst.add.f32.msk $0xffff, v22  }
0x1b2: {  	[tilespmem:s20+$0x940] =	vst.add.f32.msk $0xffff, v23  }
0x1b3: {  	[tilespmem:s20+$0x950] =	vst.add.f32.msk $0xffff, v24  }
0x1b4: {  	[tilespmem:s20+$0x960] =	vst.add.f32.msk $0xffff, v25  }
0x1b5: {  	[tilespmem:s20+$0x970] =	vst.add.f32.msk $0xffff, v26  }
0x1b6: {  	[tilespmem:s20+$0xD00] =	vst.add.f32.msk $0xffff, v27  }
0x1b7: {  	[tilespmem:s20+$0xD10] =	vst.add.f32.msk $0xffff, v28  }
0x1b8: {  	[tilespmem:s20+$0xD20] =	vst.add.f32.msk $0xffff, v29  }
0x1b9: {  	[tilespmem:s20+$0xD30] =	vst.add.f32.msk $0xffff, v30  }
0x1ba: {  	[tilespmem:s20+$0xD40] =	vst.add.f32.msk $0xffff, v31  }
0x1bb: {  	[tilespmem:s20+$0xD50] =	vst.add.f32.msk $0xffff, v32  }
0x1bc: {  	[tilespmem:s20+$0xD60] =	vst.add.f32.msk $0xffff, v33  }
0x1bd: {  	[tilespmem:s20+$0xD70] =	vst.add.f32.msk $0xffff, v34  }
0x1be: {  	[tilespmem:s20+$0x1100] =	vst.add.f32.msk $0xffff, v35  }
0x1bf: {  	[tilespmem:s20+$0x1110] =	vst.add.f32.msk $0xffff, v0  }
0x1c0: {  	[tilespmem:s20+$0x1120] =	vst.add.f32.msk $0xffff, v1  }
0x1c1: {  	[tilespmem:s20+$0x1130] =	vst.add.f32.msk $0xffff, v36  }
0x1c2: {  	[tilespmem:s20+$0x1140] =	vst.add.f32.msk $0xffff, v2  }
0x1c3: {  	[tilespmem:s20+$0x1150] =	vst.add.f32.msk $0xffff, v37  }
0x1c4: {  	[tilespmem:s20+$0x1160] =	vst.add.f32.msk $0xffff, v38  }
0x1c5: {  	[tilespmem:s20+$0x1170] =	vst.add.f32.msk $0xffff, v39  }
.Ltmp0:
0x1c6: {  	[tilespmem:s20+$0x1500] =	vst.add.f32.msk $0xffff, v40;
	(pc) =	sbr.rel @p0 .LBB2_3-.Ltmp0, $4  }
0x1c7: {  	[tilespmem:s20+$0x1510] =	vst.add.f32.msk $0xffff, v41  }
0x1c8: {  	[tilespmem:s20+$0x1520] =	vst.add.f32.msk $0xffff, v42  }
0x1c9: {  	s23 =	sshrl.u32 s21, $0x3;
	[tilespmem:s20+$0x1530] =	vst.add.f32.msk $0xffff, v43  }
0x1ca: {  	s22 =	sadd.s32 $0x80, s22;
	s21 =	sadd.s32 $0x1, s21;
	s23 =	smul.u32 $0x1800, s23;
	[tilespmem:s20+$0x1540] =	vst.add.f32.msk $0xffff, v44  }
0x1cb: {  	s21 =	sand.u32 $0x380, s22;
	[tilespmem:s20+$0x1550] =	vst.add.f32.msk $0xffff, v3  }
0x1cc: {  	[tilespmem:s20+$0x1560] =	vst.add.f32.msk $0xffff, v4;
	s21 =	sor.u32 s21, s23  }
0x1cd: {  	v0 =	vld [tilespmem:s21+$0xD570]  }
0x1ce: {  	v1 =	vld [tilespmem:s21+$0x19570]  }
0x1cf: {  	v2 =	vld [tilespmem:s21+$0xC100]  }
0x1d0: {  	v3 =	vld [tilespmem:s21+$0x18100]  }
0x1d1: {  	v4 =	vld [tilespmem:s21+$0xC110]  }
0x1d2: {  	v5 =	vld [tilespmem:s21+$0x18110]  }
0x1d3: {  	v6 =	vld [tilespmem:s21+$0xC120]  }
0x1d4: {  	v7 =	vld [tilespmem:s21+$0x18130]  }
0x1d5: {  	v8 =	vld [tilespmem:s21+$0xC140]  }
0x1d6: {  	v9 =	vld [tilespmem:s21+$0x18140]  }
0x1d7: {  	v10 =	vld [tilespmem:s21+$0xC150]  }
0x1d8: {  	v11 =	vld [tilespmem:s21+$0x18150]  }
0x1d9: {  	v12 =	vld [tilespmem:s21+$0xC160]  }
0x1da: {  	v13 =	vld [tilespmem:s21+$0x18160]  }
0x1db: {  	v14 =	vld [tilespmem:s21+$0xC170]  }
0x1dc: {  	v15 =	vld [tilespmem:s21+$0x18170]  }
0x1dd: {  	v16 =	vld [tilespmem:s21+$0xC500]  }
0x1de: {  	v17 =	vld [tilespmem:s21+$0x18500]  }
0x1df: {  	v18 =	vld [tilespmem:s21+$0xC510]  }
0x1e0: {  	v19 =	vld [tilespmem:s21+$0x18510]  }
0x1e1: {  	v20 =	vld [tilespmem:s21+$0xC520]  }
0x1e2: {  	v21 =	vld [tilespmem:s21+$0x18520]  }
0x1e3: {  	v22 =	vld [tilespmem:s21+$0xC530]  }
0x1e4: {  	v23 =	vld [tilespmem:s21+$0x18530]  }
0x1e5: {  	v24 =	vld [tilespmem:s21+$0xC540]  }
0x1e6: {  	v25 =	vld [tilespmem:s21+$0x18540]  }
0x1e7: {  	v26 =	vld [tilespmem:s21+$0xC550]  }
0x1e8: {  	v27 =	vld [tilespmem:s21+$0x18550]  }
0x1e9: {  	v28 =	vld [tilespmem:s21+$0xC560]  }
0x1ea: {  	v29 =	vld [tilespmem:s21+$0x18560]  }
0x1eb: {  	v30 =	vld [tilespmem:s21+$0xC570]  }
0x1ec: {  	v31 =	vld [tilespmem:s21+$0x18570]  }
0x1ed: {  	v32 =	vld [tilespmem:s21+$0xC900]  }
0x1ee: {  	v33 =	vld [tilespmem:s21+$0x18900]  }
0x1ef: {  	v34 =	vld [tilespmem:s21+$0xC910]  }
0x1f0: {  	v35 =	vld [tilespmem:s21+$0x18910]  }
0x1f1: {  	v36 =	vld [tilespmem:s21+$0xC920]  }
0x1f2: {  	v37 =	vld [tilespmem:s21+$0x18920]  }
0x1f3: {  	v38 =	vld [tilespmem:s21+$0xC930]  }
0x1f4: {  	v39 =	vld [tilespmem:s21+$0x18930]  }
0x1f5: {  	v40 =	vld [tilespmem:s21+$0xC940]  }
0x1f6: {  	v41 =	vld [tilespmem:s21+$0x18940]  }
0x1f7: {  	v42 =	vld [tilespmem:s21+$0xC950]  }
0x1f8: {  	v43 =	vld [tilespmem:s21+$0x18950]  }
0x1f9: {  	v44 =	vld [tilespmem:s21+$0xC960]  }
0x1fa: {  	v45 =	vld [tilespmem:s21+$0x18960]  }
0x1fb: {  	v46 =	vld [tilespmem:s21+$0xC970]  }
0x1fc: {  	v47 =	vld [tilespmem:s21+$0x18970]  }
0x1fd: {  	v48 =	vld [tilespmem:s21+$0xCD00]  }
0x1fe: {  	v49 =	vld [tilespmem:s21+$0x18D00]  }
0x1ff: {  	v50 =	vld [tilespmem:s21+$0xCD10]  }
0x200: {  	v51 =	vld [tilespmem:s21+$0x18D10]  }
0x201: {  	v52 =	vld [tilespmem:s21+$0xCD20]  }
0x202: {  	v53 =	vld [tilespmem:s21+$0x18D20]  }
0x203: {  	v54 =	vld [tilespmem:s21+$0xCD30]  }
0x204: {  	v55 =	vld [tilespmem:s21+$0x18D30]  }
0x205: {  	v56 =	vld [tilespmem:s21+$0xCD40]  }
0x206: {  	v57 =	vld [tilespmem:s21+$0x18D40]  }
0x207: {  	v58 =	vld [tilespmem:s21+$0xCD50]  }
0x208: {  	v59 =	vld [tilespmem:s21+$0x18D50]  }
0x209: {  	v60 =	vld [tilespmem:s21+$0xCD60]  }
0x20a: {  	v61 =	vld [tilespmem:s21+$0x18D60]  }
0x20b: {  	v62 =	vld [tilespmem:s21+$0xCD70]  }
0x20c: {  	v63 =	vld [tilespmem:s21+$0xD100]  }
0x20d: {  	v0 =	vadd.f32 v1, v0;
	v1 =	vld [tilespmem:s21+$0x18120]  }
0x20e: {  	[tilespmem:$0x1FDC0] =	vst v42;
	v42 =	vld [tilespmem:s21+$0x18D70]  }
0x20f: {  	v2 =	vadd.f32 v3, v2;
	v3 =	vld [tilespmem:s21+$0x19100]  }
0x210: {  	v4 =	vadd.f32 v5, v4;
	v5 =	vld [tilespmem:s21+$0xD110]  }
0x211: {  	v8 =	vadd.f32 v9, v8;
	v9 =	vadd.f32 v11, v10;
	v10 =	vld [tilespmem:s21+$0xD150]  }
0x212: {  	v11 =	vld [tilespmem:s21+$0x19150];
	v12 =	vadd.f32 v13, v12  }
0x213: {  	v13 =	vadd.f32 v15, v14;
	v14 =	vadd.f32 v17, v16;
	v16 =	vld [tilespmem:s21+$0x19500]  }
0x214: {  	v17 =	vld [tilespmem:s21+$0xD510]  }
0x215: {  	v15 =	vadd.f32 v19, v18;
	v18 =	vld [tilespmem:s21+$0x19510]  }
0x216: {  	v19 =	vld [tilespmem:s21+$0xD520]  }
0x217: {  	v21 =	vadd.f32 v21, v20;
	v20 =	vld [tilespmem:s21+$0x19520]  }
0x218: {  	v23 =	vadd.f32 v23, v22;
	v28 =	vadd.f32 v29, v28;
	v22 =	vld [tilespmem:s21+$0x19530]  }
0x219: {  	v29 =	vadd.f32 v31, v30;
	v30 =	vadd.f32 v33, v32;
	v33 =	vld [tilespmem:s21+$0xD540]  }
0x21a: {  	v31 =	vadd.f32 v35, v34;
	v35 =	vld [tilespmem:s21+$0x19540]  }
0x21b: {  	v32 =	vadd.f32 v37, v36;
	v37 =	vld [tilespmem:s21+$0xD550]  }
0x21c: {  	v34 =	vadd.f32 v39, v38;
	v38 =	vld [tilespmem:s21+$0x19550]  }
0x21d: {  	v36 =	vadd.f32 v41, v40;
	v40 =	vld [tilespmem:s21+$0xD560]  }
0x21e: {  	v39 =	vld [tilespmem:$0x1FDC0]  }
0x21f: {  	[tilespmem:s21+$0x1570] =	vst.add.f32.msk $0xffff, v0  }
0x220: {  	v0 =	vld [tilespmem:s21+$0xC130]  }
0x221: {  	[tilespmem:s21+$0x100] =	vst.add.f32.msk $0xffff, v2  }
0x222: {  	v2 =	vld [tilespmem:s21+$0x19110]  }
0x223: {  	[tilespmem:s21+$0x110] =	vst.add.f32.msk $0xffff, v4  }
0x224: {  	v4 =	vld [tilespmem:s21+$0xD120]  }
0x225: {  	[tilespmem:s21+$0x140] =	vst.add.f32.msk $0xffff, v8  }
0x226: {  	v8 =	vld [tilespmem:s21+$0x19140]  }
0x227: {  	[tilespmem:s21+$0x150] =	vst.add.f32.msk $0xffff, v9  }
0x228: {  	v9 =	vld [tilespmem:s21+$0xD160]  }
0x229: {  	[tilespmem:s21+$0x160] =	vst.add.f32.msk $0xffff, v12  }
0x22a: {  	v12 =	vld [tilespmem:s21+$0x19160]  }
0x22b: {  	[tilespmem:s21+$0x170] =	vst.add.f32.msk $0xffff, v13  }
0x22c: {  	v13 =	vld [tilespmem:s21+$0xD170]  }
0x22d: {  	[tilespmem:s21+$0x500] =	vst.add.f32.msk $0xffff, v14  }
0x22e: {  	v14 =	vld [tilespmem:s21+$0x19170]  }
0x22f: {  	[tilespmem:s21+$0x510] =	vst.add.f32.msk $0xffff, v15  }
0x230: {  	v15 =	vld [tilespmem:s21+$0xD500]  }
0x231: {  	v25 =	vadd.f32 v25, v24;
	[tilespmem:s21+$0x520] =	vst.add.f32.msk $0xffff, v21  }
0x232: {  	v27 =	vadd.f32 v27, v26;
	[tilespmem:s21+$0x530] =	vst.add.f32.msk $0xffff, v23  }
0x233: {  	[tilespmem:s21+$0x540] =	vst.add.f32.msk $0xffff, v25  }
0x234: {  	[tilespmem:s21+$0x550] =	vst.add.f32.msk $0xffff, v27  }
0x235: {  	[tilespmem:s21+$0x560] =	vst.add.f32.msk $0xffff, v28  }
0x236: {  	[tilespmem:s21+$0x570] =	vst.add.f32.msk $0xffff, v29  }
0x237: {  	v21 =	vld [tilespmem:s21+$0xD530]  }
0x238: {  	[tilespmem:s21+$0x900] =	vst.add.f32.msk $0xffff, v30  }
0x239: {  	[tilespmem:s21+$0x910] =	vst.add.f32.msk $0xffff, v31  }
0x23a: {  	[tilespmem:s21+$0x920] =	vst.add.f32.msk $0xffff, v32  }
0x23b: {  	v41 =	vadd.f32 v45, v44;
	[tilespmem:s21+$0x930] =	vst.add.f32.msk $0xffff, v34  }
0x23c: {  	v44 =	vadd.f32 v47, v46;
	[tilespmem:s21+$0x940] =	vst.add.f32.msk $0xffff, v36  }
0x23d: {  	v45 =	vadd.f32 v49, v48;
	[tilespmem:s21+$0x960] =	vst.add.f32.msk $0xffff, v41  }
0x23e: {  	v46 =	vadd.f32 v51, v50;
	[tilespmem:s21+$0x970] =	vst.add.f32.msk $0xffff, v44  }
0x23f: {  	v47 =	vadd.f32 v53, v52;
	[tilespmem:s21+$0xD00] =	vst.add.f32.msk $0xffff, v45  }
0x240: {  	v48 =	vadd.f32 v55, v54;
	[tilespmem:s21+$0xD10] =	vst.add.f32.msk $0xffff, v46  }
0x241: {  	v49 =	vadd.f32 v57, v56;
	[tilespmem:s21+$0xD20] =	vst.add.f32.msk $0xffff, v47  }
0x242: {  	v50 =	vadd.f32 v59, v58;
	[tilespmem:s21+$0xD30] =	vst.add.f32.msk $0xffff, v48  }
0x243: {  	v51 =	vadd.f32 v61, v60;
	[tilespmem:s21+$0xD40] =	vst.add.f32.msk $0xffff, v49  }
0x244: {  	[tilespmem:s21+$0xD50] =	vst.add.f32.msk $0xffff, v50  }
0x245: {  	[tilespmem:s21+$0xD60] =	vst.add.f32.msk $0xffff, v51  }
0x246: {  	v1 =	vadd.f32 v1, v6;
	v6 =	vld [tilespmem:s21+$0xD130]  }
0x247: {  	v27 =	vadd.f32 v43, v39;
	v43 =	vld [tilespmem:s21+$0x19560]  }
0x248: {  	[tilespmem:s21+$0x120] =	vst.add.f32.msk $0xffff, v1  }
0x249: {  	v52 =	vadd.f32 v42, v62;
	v1 =	vld [tilespmem:s21+$0x19120]  }
0x24a: {  	v3 =	vadd.f32 v3, v63;
	v0 =	vadd.f32 v7, v0;
	v7 =	vld [tilespmem:s21+$0x19130]  }
0x24b: {  	v54 =	vadd.f32 v11, v10;
	[tilespmem:s21+$0xD70] =	vst.add.f32.msk $0xffff, v52  }
0x24c: {  	v58 =	vadd.f32 v18, v17;
	[tilespmem:s21+$0x1100] =	vst.add.f32.msk $0xffff, v3  }
0x24d: {  	v59 =	vadd.f32 v20, v19;
	[tilespmem:s21+$0x1150] =	vst.add.f32.msk $0xffff, v54  }
0x24e: {  	v61 =	vadd.f32 v35, v33;
	[tilespmem:s21+$0x1510] =	vst.add.f32.msk $0xffff, v58  }
0x24f: {  	v62 =	vadd.f32 v38, v37;
	[tilespmem:s21+$0x1520] =	vst.add.f32.msk $0xffff, v59  }
0x250: {  	[tilespmem:s21+$0x1540] =	vst.add.f32.msk $0xffff, v61  }
0x251: {  	[tilespmem:s21+$0x1550] =	vst.add.f32.msk $0xffff, v62  }
0x252: {  	[tilespmem:s21+$0x950] =	vst.add.f32.msk $0xffff, v27  }
0x253: {  	v2 =	vadd.f32 v2, v5;
	[tilespmem:s21+$0x130] =	vst.add.f32.msk $0xffff, v0  }
0x254: {  	v55 =	vadd.f32 v12, v9;
	v0 =	vld [tilespmem:s21+$0xD140]  }
0x255: {  	v56 =	vadd.f32 v14, v13;
	[tilespmem:s21+$0x1110] =	vst.add.f32.msk $0xffff, v2  }
0x256: {  	v57 =	vadd.f32 v16, v15;
	[tilespmem:s21+$0x1160] =	vst.add.f32.msk $0xffff, v55  }
0x257: {  	v60 =	vadd.f32 v22, v21;
	[tilespmem:s21+$0x1170] =	vst.add.f32.msk $0xffff, v56  }
0x258: {  	[tilespmem:s21+$0x1500] =	vst.add.f32.msk $0xffff, v57;
	v63 =	vadd.f32 v43, v40  }
0x259: {  	s16 =	smul.u32 $0x300000, s16;
	p0 =	seq.s32 s1, $0x7;
	[tilespmem:s21+$0x1530] =	vst.add.f32.msk $0xffff, v60;
	v1 =	vadd.f32 v1, v4  }
.Ltmp1:
0x25a: {  	v53 =	vadd.f32 v7, v6;
	[tilespmem:s21+$0x1560] =	vst.add.f32.msk $0xffff, v63;
	(pc) =	sbr.rel @p0 .LBB2_6-.Ltmp1, $4  }
0x25b: {  	s16 =	sadd.s32 s16, s19;
	v0 =	vadd.f32 v8, v0;
	[tilespmem:s21+$0x1120] =	vst.add.f32.msk $0xffff, v1  }
0x25c: {  	s16 =	sshrl.u32 s16, $0x3;
	[tilespmem:s21+$0x1130] =	vst.add.f32.msk $0xffff, v53  }
0x25d: {  	s16 =	sadd.s32 s5, s16;
	[tilespmem:s21+$0x1140] =	vst.add.f32.msk $0xffff, v0  }
0x25e: {  	[hbm4b:s16+s6] =	stream.linear.scatter [tilespmem:s4], [sflag:$0x5], $0x6000, $0x38;
	[tilespmem:$0x1E100] =	vst v63  }
0x25f: {  	s13 =	sadd.s32 $0x2, s13  }
0x260: {  	s16 =	sshll.u32 s13, $0x3  }
0x261: {  	s19 =	sand.u32 $0xE0, s16  }
0x262: {  	s19 =	sadd.s32 s7, s19  }
0x263: {  	s20 =	sshll.u32 s19, $0x2  }
0x264: {  	s13 =	sand.u32 $0x2, s13;
	s16 =	sand.u32 $0x60, s16;
	s20 =	sand.u32 $0x7E00, s20  }
0x265: {  	s21 =	sshll.u32 s13, $0x7;
	s16 =	sor.u32 s20, s16  }
0x266: {  	s16 =	sor.u32 s21, s16  }
0x267: {  	s16 =	sshrl.u32 s16, $0x3  }
0x268: {  	s16 =	sadd.s32 s2, s16  }
0x269: {  	[tilespmem:s6], [sflag:$0x8] =	stream.linear.gather [hbm4b:s16+s6], $0x20, $0x38;
	[tilespmem:$0x1E100] =	vst v63  }
0x26a: {  	_ =	swait.ge [sflag:s18], $0x20  }
0x26b: {  	[sflag:s18] =	ssyncset.done $0x0  }
0x26c: {  	[sflag:s18] =	ssyncadd.s32 $0xFFFFFFE0  }
0x26d: {  	v0 =	vld [tilespmem:$0x0];
	_ =	sdelay $0x4  }
0x26e: {  	v4 =	vld [tilespmem:$0x1FFD0];
	v1 =	vadd.s32 s21, v0  }
0x26f: {  	v2 =	vshrl.u32 v1, $0x3  }
0x270: {  	v5 =	vld [tilespmem:$0x1FFE0];
	v2 =	vmul.u32 $0x30, v2  }
0x271: {  	v0 =	vand.u32 $0x7, v0  }
0x272: {  	v0 =	vor.u32 v0, v2  }
0x273: {  	v61 =	vld [tilespmem:$0x10];
	v3 =	vperm.xlane v0, v4  }
0x274: {  	v62 =	vld [tilespmem:$0x1FFF0]  }
0x275: {  	v3 =	vadd.s32 v5, v3;
	_ =	sdelay $0x2  }
0x276: {  	[tilespmem:$0x0] =	vst v1;
	v2 =	vadd.s32 s21, v61  }
0x277: {  	s22 =	simm.s32 $0xC100;
	[tilespmem:$0x10] =	vst v2;
	v0 =	vperm.xlane v0, v62  }
0x278: {  	[tilespmem:s22], [sflag:$0x1] =	stream.indirect_vreg.gather [hbm4b:s8+s6], $0x80, v3, vm0, $0xb8;
	[tilespmem:$0x1E100] =	vst v63  }
0x279: {  	s23 =	simm.s32 $0xC900;
	v0 =	vadd.s32 v5, v0  }
0x27a: {  	[tilespmem:s23], [sflag:$0x1] =	stream.indirect_vreg.gather [hbm4b:s11+s6], $0x80, v3, vm0, $0xb8;
	[tilespmem:$0x1E100] =	vst v63  }
0x27b: {  	s24 =	simm.s32 $0xD100  }
0x27c: {  	[tilespmem:s24], [sflag:$0x1] =	stream.indirect_vreg.gather [hbm4b:s12+s6], $0x80, v3, vm0, $0xb8;
	[tilespmem:$0x1E100] =	vst v63  }
0x27d: {  	s20 =	simm.s32 $0xD900  }
0x27e: {  	[tilespmem:s20], [sflag:$0x1] =	stream.indirect_vreg.gather [hbm4b:s8+s6], $0x80, v0, vm0, $0xb8;
	[tilespmem:$0x1E100] =	vst v63  }
0x27f: {  	s21 =	simm.s32 $0xE100  }
0x280: {  	[tilespmem:s21], [sflag:$0x1] =	stream.indirect_vreg.gather [hbm4b:s11+s6], $0x80, v0, vm0, $0xb8;
	[tilespmem:$0x1E100] =	vst v63  }
0x281: {  	s22 =	simm.s32 $0xE900  }
0x282: {  	[tilespmem:s22], [sflag:$0x1] =	stream.indirect_vreg.gather [hbm4b:s12+s6], $0x80, v0, vm0, $0xb8;
	[tilespmem:$0x1E100] =	vst v63  }
0x283: {  	v0 =	vld [tilespmem:$0x10];
	_ =	sdelay $0x4  }
0x284: {  	v63 =	vshrl.u32 v0, $0x3  }
0x285: {  	v1 =	vmul.u32 $0x30, v63  }
0x286: {  	v0 =	vand.u32 $0x7, v0  }
0x287: {  	v0 =	vor.u32 v0, v1  }
0x288: {  	v1 =	vperm.xlane v0, v4;
	_ =	sdelay $0x1  }
0x289: {  	v1 =	vadd.s32 v5, v1;
	_ =	sdelay $0x3  }
0x28a: {  	s23 =	simm.s32 $0xF100;
	v0 =	vperm.xlane v0, v62  }
0x28b: {  	[tilespmem:s23], [sflag:$0x1] =	stream.indirect_vreg.gather [hbm4b:s8+s6], $0x80, v1, vm0, $0xb8;
	[tilespmem:$0x1E100] =	vst v63  }
0x28c: {  	s24 =	simm.s32 $0xF900;
	v0 =	vadd.s32 v5, v0  }
0x28d: {  	[tilespmem:s24], [sflag:$0x1] =	stream.indirect_vreg.gather [hbm4b:s11+s6], $0x80, v1, vm0, $0xb8;
	[tilespmem:$0x1E100] =	vst v63  }
0x28e: {  	s20 =	simm.s32 $0x10100  }
0x28f: {  	[tilespmem:s20], [sflag:$0x1] =	stream.indirect_vreg.gather [hbm4b:s12+s6], $0x80, v1, vm0, $0xb8;
	[tilespmem:$0x1E100] =	vst v63  }
0x290: {  	s21 =	simm.s32 $0x10900  }
0x291: {  	[tilespmem:s21], [sflag:$0x1] =	stream.indirect_vreg.gather [hbm4b:s8+s6], $0x80, v0, vm0, $0xb8;
	[tilespmem:$0x1E100] =	vst v63  }
0x292: {  	s13 =	smul.u32 $0x300000, s13;
	s22 =	simm.s32 $0x11100;
	s23 =	sshrl.u32 s19, $0x3  }
0x293: {  	[tilespmem:s22], [sflag:$0x1] =	stream.indirect_vreg.gather [hbm4b:s11+s6], $0x80, v0, vm0, $0xb8;
	[tilespmem:$0x1E100] =	vst v63  }
0x294: {  	s16 =	smul.u32 $0x1800, s23;
	s24 =	simm.s32 $0x11900  }
0x295: {  	[tilespmem:s24], [sflag:$0x1] =	stream.indirect_vreg.gather [hbm4b:s12+s6], $0x80, v0, vm0, $0xb8;
	[tilespmem:$0x1E100] =	vst v63  }
0x296: {  	s13 =	sadd.s32 s13, s16;
	_ =	swait.ge [sflag:s30], $0x6000  }
0x297: {  	s13 =	sshrl.u32 s13, $0x3;
	[sflag:s30] =	ssyncset.done $0x0  }
0x298: {  	s13 =	sadd.s32 s0, s13;
	[sflag:s30] =	ssyncadd.s32 $0xFFFFA000  }
0x299: {  	[tilespmem:s4], [sflag:$0x3] =	stream.linear.gather [hbm4b:s13+s6], $0x6000, $0x38;
	[tilespmem:$0x1E100] =	vst v63  }
.LBB2_6:
0x29a: {  	_ =	swait.ge [sflag:s31], $0x6000  }
0x29b: {  	[sflag:s31] =	ssyncset.done $0x0  }
0x29c: {  	s13 =	simm.s32 $0x0;
	[sflag:s31] =	ssyncadd.s32 $0xFFFFA000  }
0x29d: {  	s16 =	simm.s32 $0x0;
	s13 =	smul.u32 $0x1800, s13;
	_ =	swait.ge [sflag:s3], $0x6000  }
0x29e: {  	s16 =	sand.u32 $0x380, s16;
	[sflag:s3] =	ssyncset.done $0x0  }
0x29f: {  	s13 =	sor.u32 s16, s13;
	[sflag:s3] =	ssyncadd.s32 $0xFFFFA000  }
0x2a0: {  	v0 =	vld [tilespmem:s13+$0x13570]  }
0x2a1: {  	v1 =	vld [tilespmem:s13+$0x19570];
	_ =	sdelay $0x4  }
0x2a2: {  	v0 =	vadd.f32 v1, v0;
	_ =	sdelay $0x1  }
0x2a3: {  	[tilespmem:s13+$0x7570] =	vst.add.f32.msk $0xffff, v0  }
0x2a4: {  	v0 =	vld [tilespmem:s13+$0x12130];
	_ =	sdelay $0x4  }
0x2a5: {  	[tilespmem:$0x1FC00] =	vst v0;
	v0 =	vld [tilespmem:s13+$0x12140];
	_ =	sdelay $0x4  }
0x2a6: {  	[tilespmem:$0x1FC10] =	vst v0;
	v0 =	vld [tilespmem:s13+$0x12150];
	_ =	sdelay $0x4  }
0x2a7: {  	[tilespmem:$0x1FC20] =	vst v0;
	v0 =	vld [tilespmem:s13+$0x12160];
	_ =	sdelay $0x4  }
0x2a8: {  	[tilespmem:$0x1FC30] =	vst v0;
	v0 =	vld [tilespmem:s13+$0x12170];
	_ =	sdelay $0x4  }
0x2a9: {  	[tilespmem:$0x1FC40] =	vst v0;
	v0 =	vld [tilespmem:s13+$0x12500];
	_ =	sdelay $0x4  }
0x2aa: {  	[tilespmem:$0x1FC50] =	vst v0;
	v0 =	vld [tilespmem:s13+$0x12510];
	_ =	sdelay $0x4  }
0x2ab: {  	[tilespmem:$0x1FC60] =	vst v0;
	v0 =	vld [tilespmem:s13+$0x12520];
	_ =	sdelay $0x4  }
0x2ac: {  	[tilespmem:$0x1FC70] =	vst v0;
	v0 =	vld [tilespmem:s13+$0x12530];
	_ =	sdelay $0x4  }
0x2ad: {  	[tilespmem:$0x1FC80] =	vst v0;
	v0 =	vld [tilespmem:s13+$0x12540];
	_ =	sdelay $0x4  }
0x2ae: {  	[tilespmem:$0x1FC90] =	vst v0;
	v0 =	vld [tilespmem:s13+$0x12550];
	_ =	sdelay $0x4  }
0x2af: {  	[tilespmem:$0x1FCA0] =	vst v0;
	v0 =	vld [tilespmem:s13+$0x12560];
	_ =	sdelay $0x4  }
0x2b0: {  	[tilespmem:$0x1FCB0] =	vst v0;
	v0 =	vld [tilespmem:s13+$0x13100];
	_ =	sdelay $0x4  }
0x2b1: {  	[tilespmem:$0x1FCC0] =	vst v0;
	v0 =	vld [tilespmem:s13+$0x13110];
	_ =	sdelay $0x3  }
0x2b2: {  	v2 =	vld [tilespmem:s13+$0x12100]  }
0x2b3: {  	[tilespmem:$0x1FCD0] =	vst v0;
	v0 =	vld [tilespmem:s13+$0x13120]  }
0x2b4: {  	v3 =	vld [tilespmem:s13+$0x18100]  }
0x2b5: {  	v4 =	vld [tilespmem:s13+$0x12110]  }
0x2b6: {  	v7 =	vld [tilespmem:s13+$0x18130]  }
0x2b7: {  	v9 =	vld [tilespmem:s13+$0x18140]  }
0x2b8: {  	[tilespmem:$0x1FCE0] =	vst v0;
	v0 =	vld [tilespmem:s13+$0x13130]  }
0x2b9: {  	v11 =	vld [tilespmem:s13+$0x18150]  }
0x2ba: {  	v13 =	vld [tilespmem:s13+$0x18160]  }
0x2bb: {  	v15 =	vld [tilespmem:s13+$0x18170]  }
0x2bc: {  	v17 =	vld [tilespmem:s13+$0x18500]  }
0x2bd: {  	[tilespmem:$0x1FCF0] =	vst v0;
	v0 =	vld [tilespmem:s13+$0x13140]  }
0x2be: {  	v19 =	vld [tilespmem:s13+$0x18510]  }
0x2bf: {  	v21 =	vld [tilespmem:s13+$0x18520]  }
0x2c0: {  	v23 =	vld [tilespmem:s13+$0x18530]  }
0x2c1: {  	v25 =	vld [tilespmem:s13+$0x18540]  }
0x2c2: {  	[tilespmem:$0x1FD00] =	vst v0;
	v0 =	vld [tilespmem:s13+$0x13150]  }
0x2c3: {  	v27 =	vld [tilespmem:s13+$0x18550]  }
0x2c4: {  	v29 =	vld [tilespmem:s13+$0x18560]  }
0x2c5: {  	v30 =	vld [tilespmem:s13+$0x12570]  }
0x2c6: {  	v31 =	vld [tilespmem:s13+$0x18570]  }
0x2c7: {  	[tilespmem:$0x1FD10] =	vst v0;
	v0 =	vld [tilespmem:s13+$0x13160]  }
0x2c8: {  	v32 =	vld [tilespmem:s13+$0x12900]  }
0x2c9: {  	v33 =	vld [tilespmem:s13+$0x18900]  }
0x2ca: {  	v34 =	vld [tilespmem:s13+$0x12910]  }
0x2cb: {  	v35 =	vld [tilespmem:s13+$0x18910]  }
0x2cc: {  	[tilespmem:$0x1FD20] =	vst v0;
	v0 =	vld [tilespmem:s13+$0x13170]  }
0x2cd: {  	v36 =	vld [tilespmem:s13+$0x12920]  }
0x2ce: {  	v37 =	vld [tilespmem:s13+$0x18920]  }
0x2cf: {  	v38 =	vld [tilespmem:s13+$0x12930]  }
0x2d0: {  	v39 =	vld [tilespmem:s13+$0x18930]  }
0x2d1: {  	[tilespmem:$0x1FD30] =	vst v0;
	v0 =	vld [tilespmem:s13+$0x13500]  }
0x2d2: {  	v40 =	vld [tilespmem:s13+$0x12940]  }
0x2d3: {  	v41 =	vld [tilespmem:s13+$0x18940]  }
0x2d4: {  	v42 =	vld [tilespmem:s13+$0x12950]  }
0x2d5: {  	v43 =	vld [tilespmem:s13+$0x18950]  }
0x2d6: {  	[tilespmem:$0x1FD40] =	vst v0;
	v0 =	vld [tilespmem:s13+$0x13510]  }
0x2d7: {  	v44 =	vld [tilespmem:s13+$0x12960]  }
0x2d8: {  	v45 =	vld [tilespmem:s13+$0x18960]  }
0x2d9: {  	v46 =	vld [tilespmem:s13+$0x12970]  }
0x2da: {  	v47 =	vld [tilespmem:s13+$0x18970]  }
0x2db: {  	[tilespmem:$0x1FD50] =	vst v0;
	v0 =	vld [tilespmem:s13+$0x13520]  }
0x2dc: {  	v1 =	vld [tilespmem:s13+$0x18120]  }
0x2dd: {  	v48 =	vld [tilespmem:s13+$0x12D00]  }
0x2de: {  	v49 =	vld [tilespmem:s13+$0x18D00]  }
0x2df: {  	[tilespmem:$0x1FBC0] =	vst v3;
	v3 =	vld [tilespmem:s13+$0x18110]  }
0x2e0: {  	[tilespmem:$0x1FD60] =	vst v0;
	v0 =	vld [tilespmem:s13+$0x13530]  }
0x2e1: {  	[tilespmem:$0x1FBF0] =	vst v1;
	v1 =	vld [tilespmem:s13+$0x13560]  }
0x2e2: {  	v50 =	vld [tilespmem:s13+$0x12D10]  }
0x2e3: {  	v51 =	vld [tilespmem:s13+$0x18D10]  }
0x2e4: {  	v52 =	vld [tilespmem:s13+$0x12D20];
	[tilespmem:$0x1FBD0] =	vst v3  }
0x2e5: {  	[tilespmem:$0x1FD70] =	vst v0;
	v0 =	vld [tilespmem:s13+$0x13540]  }
0x2e6: {  	[tilespmem:$0x1FDB0] =	vst v1;
	v1 =	vld [tilespmem:$0x1FBD0]  }
0x2e7: {  	v53 =	vld [tilespmem:s13+$0x18D20]  }
0x2e8: {  	v54 =	vld [tilespmem:s13+$0x12D30]  }
0x2e9: {  	v55 =	vld [tilespmem:s13+$0x18D30]  }
0x2ea: {  	[tilespmem:$0x1FD80] =	vst v0;
	v0 =	vld [tilespmem:s13+$0x13550]  }
0x2eb: {  	v56 =	vld [tilespmem:s13+$0x12D40];
	v1 =	vadd.f32 v1, v4  }
0x2ec: {  	v57 =	vld [tilespmem:s13+$0x18D40]  }
0x2ed: {  	[tilespmem:s13+$0x6110] =	vst.add.f32.msk $0xffff, v1  }
0x2ee: {  	v1 =	vld [tilespmem:$0x1FC10]  }
0x2ef: {  	[tilespmem:$0x1FD90] =	vst v0;
	v0 =	vld [tilespmem:s13+$0x19550]  }
0x2f0: {  	v58 =	vld [tilespmem:s13+$0x12D50]  }
0x2f1: {  	v59 =	vld [tilespmem:s13+$0x18D50]  }
0x2f2: {  	v60 =	vld [tilespmem:s13+$0x12D60]  }
0x2f3: {  	v3 =	vld [tilespmem:s13+$0x12120];
	v1 =	vadd.f32 v9, v1  }
0x2f4: {  	[tilespmem:$0x1FDA0] =	vst v0;
	v0 =	vld [tilespmem:$0x1FBC0]  }
0x2f5: {  	[tilespmem:s13+$0x6140] =	vst.add.f32.msk $0xffff, v1  }
0x2f6: {  	v1 =	vld [tilespmem:$0x1FC40]  }
0x2f7: {  	v61 =	vld [tilespmem:s13+$0x18D60]  }
0x2f8: {  	v28 =	vld [tilespmem:$0x1FBF0];
	[tilespmem:$0x1FBE0] =	vst v3  }
0x2f9: {  	v0 =	vadd.f32 v0, v2;
	v2 =	vld [tilespmem:$0x1FBE0]  }
0x2fa: {  	v62 =	vld [tilespmem:s13+$0x12D70]  }
0x2fb: {  	v1 =	vadd.f32 v15, v1;
	[tilespmem:s13+$0x6100] =	vst.add.f32.msk $0xffff, v0  }
0x2fc: {  	v0 =	vld [tilespmem:$0x1FC00]  }
0x2fd: {  	[tilespmem:s13+$0x6170] =	vst.add.f32.msk $0xffff, v1  }
0x2fe: {  	v1 =	vld [tilespmem:$0x1FC70];
	v2 =	vadd.f32 v28, v2  }
0x2ff: {  	v63 =	vld [tilespmem:s13+$0x18D70]  }
0x300: {  	[tilespmem:s13+$0x6120] =	vst.add.f32.msk $0xffff, v2  }
0x301: {  	v0 =	vadd.f32 v7, v0;
	v2 =	vld [tilespmem:$0x1FC20]  }
0x302: {  	v20 =	vld [tilespmem:s13+$0x19100]  }
0x303: {  	v1 =	vadd.f32 v21, v1;
	[tilespmem:s13+$0x6130] =	vst.add.f32.msk $0xffff, v0  }
0x304: {  	v0 =	vld [tilespmem:$0x1FC30]  }
0x305: {  	[tilespmem:s13+$0x6520] =	vst.add.f32.msk $0xffff, v1  }
0x306: {  	v1 =	vld [tilespmem:$0x1FCA0];
	v2 =	vadd.f32 v11, v2  }
0x307: {  	v22 =	vld [tilespmem:s13+$0x19110]  }
0x308: {  	[tilespmem:s13+$0x6150] =	vst.add.f32.msk $0xffff, v2  }
0x309: {  	v0 =	vadd.f32 v13, v0;
	v2 =	vld [tilespmem:$0x1FC50]  }
0x30a: {  	v24 =	vld [tilespmem:s13+$0x19120]  }
0x30b: {  	v1 =	vadd.f32 v27, v1;
	[tilespmem:s13+$0x6160] =	vst.add.f32.msk $0xffff, v0  }
0x30c: {  	v0 =	vld [tilespmem:$0x1FC60]  }
0x30d: {  	[tilespmem:s13+$0x6550] =	vst.add.f32.msk $0xffff, v1;
	v1 =	vadd.f32 v33, v32  }
0x30e: {  	v26 =	vld [tilespmem:s13+$0x19140];
	v2 =	vadd.f32 v17, v2  }
0x30f: {  	[tilespmem:s13+$0x6900] =	vst.add.f32.msk $0xffff, v1  }
0x310: {  	v1 =	vadd.f32 v39, v38;
	[tilespmem:s13+$0x6500] =	vst.add.f32.msk $0xffff, v2  }
0x311: {  	v0 =	vadd.f32 v19, v0;
	v2 =	vld [tilespmem:$0x1FC80]  }
0x312: {  	[tilespmem:s13+$0x6930] =	vst.add.f32.msk $0xffff, v1  }
0x313: {  	v1 =	vadd.f32 v45, v44;
	[tilespmem:s13+$0x6510] =	vst.add.f32.msk $0xffff, v0  }
0x314: {  	v0 =	vld [tilespmem:$0x1FC90]  }
0x315: {  	[tilespmem:s13+$0x6960] =	vst.add.f32.msk $0xffff, v1;
	v1 =	vadd.f32 v51, v50  }
0x316: {  	v5 =	vld [tilespmem:s13+$0x19150];
	v2 =	vadd.f32 v23, v2  }
0x317: {  	[tilespmem:s13+$0x6D10] =	vst.add.f32.msk $0xffff, v1  }
0x318: {  	v1 =	vadd.f32 v57, v56;
	[tilespmem:s13+$0x6530] =	vst.add.f32.msk $0xffff, v2  }
0x319: {  	v0 =	vadd.f32 v25, v0;
	v2 =	vld [tilespmem:$0x1FCB0]  }
0x31a: {  	[tilespmem:s13+$0x6D40] =	vst.add.f32.msk $0xffff, v1;
	v1 =	vadd.f32 v63, v62  }
0x31b: {  	[tilespmem:s13+$0x6540] =	vst.add.f32.msk $0xffff, v0;
	v0 =	vadd.f32 v31, v30  }
0x31c: {  	[tilespmem:s13+$0x6D70] =	vst.add.f32.msk $0xffff, v1  }
0x31d: {  	[tilespmem:s13+$0x6570] =	vst.add.f32.msk $0xffff, v0;
	v0 =	vadd.f32 v37, v36  }
0x31e: {  	v1 =	vld [tilespmem:$0x1FCE0];
	v2 =	vadd.f32 v29, v2  }
0x31f: {  	[tilespmem:s13+$0x6920] =	vst.add.f32.msk $0xffff, v0;
	v0 =	vadd.f32 v43, v42  }
0x320: {  	[tilespmem:s13+$0x6560] =	vst.add.f32.msk $0xffff, v2;
	v2 =	vadd.f32 v35, v34  }
0x321: {  	[tilespmem:s13+$0x6950] =	vst.add.f32.msk $0xffff, v0;
	v0 =	vadd.f32 v49, v48  }
0x322: {  	[tilespmem:s13+$0x6910] =	vst.add.f32.msk $0xffff, v2;
	v2 =	vadd.f32 v41, v40  }
0x323: {  	[tilespmem:s13+$0x6D00] =	vst.add.f32.msk $0xffff, v0;
	v0 =	vadd.f32 v55, v54  }
0x324: {  	[tilespmem:s13+$0x6940] =	vst.add.f32.msk $0xffff, v2;
	v2 =	vadd.f32 v47, v46  }
0x325: {  	[tilespmem:s13+$0x6D30] =	vst.add.f32.msk $0xffff, v0;
	v0 =	vadd.f32 v61, v60  }
0x326: {  	[tilespmem:s13+$0x6970] =	vst.add.f32.msk $0xffff, v2  }
0x327: {  	v2 =	vadd.f32 v53, v52;
	[tilespmem:s13+$0x6D60] =	vst.add.f32.msk $0xffff, v0  }
0x328: {  	v0 =	vld [tilespmem:$0x1FCD0]  }
0x329: {  	[tilespmem:s13+$0x6D20] =	vst.add.f32.msk $0xffff, v2;
	v2 =	vadd.f32 v59, v58  }
0x32a: {  	v6 =	vld [tilespmem:s13+$0x19160]  }
0x32b: {  	[tilespmem:s13+$0x6D50] =	vst.add.f32.msk $0xffff, v2  }
0x32c: {  	v1 =	vadd.f32 v24, v1;
	v2 =	vld [tilespmem:$0x1FCC0]  }
0x32d: {  	v8 =	vld [tilespmem:s13+$0x19170]  }
0x32e: {  	[tilespmem:s13+$0x7120] =	vst.add.f32.msk $0xffff, v1;
	v0 =	vadd.f32 v22, v0  }
0x32f: {  	v1 =	vld [tilespmem:$0x1FD10]  }
0x330: {  	[tilespmem:s13+$0x7110] =	vst.add.f32.msk $0xffff, v0  }
0x331: {  	v0 =	vld [tilespmem:$0x1FD00];
	v2 =	vadd.f32 v20, v2  }
0x332: {  	v3 =	vld [tilespmem:s13+$0x19130]  }
0x333: {  	[tilespmem:s13+$0x7100] =	vst.add.f32.msk $0xffff, v2  }
0x334: {  	v1 =	vadd.f32 v5, v1;
	v2 =	vld [tilespmem:$0x1FCF0]  }
0x335: {  	v10 =	vld [tilespmem:s13+$0x19500]  }
0x336: {  	[tilespmem:s13+$0x7150] =	vst.add.f32.msk $0xffff, v1;
	v0 =	vadd.f32 v26, v0  }
0x337: {  	v1 =	vld [tilespmem:$0x1FD40]  }
0x338: {  	[tilespmem:s13+$0x7140] =	vst.add.f32.msk $0xffff, v0  }
0x339: {  	v0 =	vld [tilespmem:$0x1FD30];
	v2 =	vadd.f32 v3, v2  }
0x33a: {  	v14 =	vld [tilespmem:s13+$0x19520]  }
0x33b: {  	[tilespmem:s13+$0x7130] =	vst.add.f32.msk $0xffff, v2  }
0x33c: {  	v1 =	vadd.f32 v10, v1;
	v2 =	vld [tilespmem:$0x1FD20]  }
0x33d: {  	v16 =	vld [tilespmem:s13+$0x19530]  }
0x33e: {  	[tilespmem:s13+$0x7500] =	vst.add.f32.msk $0xffff, v1;
	v0 =	vadd.f32 v8, v0  }
0x33f: {  	v1 =	vld [tilespmem:$0x1FD70]  }
0x340: {  	[tilespmem:s13+$0x7170] =	vst.add.f32.msk $0xffff, v0  }
0x341: {  	v0 =	vld [tilespmem:$0x1FD60];
	v2 =	vadd.f32 v6, v2  }
0x342: {  	v12 =	vld [tilespmem:s13+$0x19510]  }
0x343: {  	[tilespmem:s13+$0x7160] =	vst.add.f32.msk $0xffff, v2  }
0x344: {  	v1 =	vadd.f32 v16, v1;
	v2 =	vld [tilespmem:$0x1FD50];
	_ =	sdelay $0x1  }
0x345: {  	[tilespmem:s13+$0x7530] =	vst.add.f32.msk $0xffff, v1;
	v0 =	vadd.f32 v14, v0  }
0x346: {  	v1 =	vld [tilespmem:$0x1FDA0]  }
0x347: {  	[tilespmem:s13+$0x7520] =	vst.add.f32.msk $0xffff, v0  }
0x348: {  	v0 =	vld [tilespmem:$0x1FD90];
	v2 =	vadd.f32 v12, v2  }
0x349: {  	v18 =	vld [tilespmem:s13+$0x19540]  }
0x34a: {  	[tilespmem:s13+$0x7510] =	vst.add.f32.msk $0xffff, v2  }
0x34b: {  	v2 =	vld [tilespmem:$0x1FD80]  }
0x34c: {  	v4 =	vld [tilespmem:s13+$0x19560]  }
0x34d: {  	v3 =	vadd.f32 v1, v0;
	v0 =	vld [tilespmem:$0x1FDB0];
	_ =	sdelay $0x2  }
0x34e: {  	v2 =	vadd.f32 v18, v2  }
0x34f: {  	s24 =	simm.s32 $0x0  }
0x350: {  	s19 =	simm.s32 $0x80;
	s20 =	smul.u32 $0x1800, s24;
	s16 =	simm.s32 $0x2;
	v4 =	vadd.f32 v4, v0;
	[tilespmem:s13+$0x7540] =	vst.add.f32.msk $0xffff, v2  }
.LBB2_7:
0x351: {  	p1 =	sne.s32 s16, $0x1F;
	s21 =	sand.u32 $0x380, s19;
	[tilespmem:s13+$0x7550] =	vst.add.f32.msk $0xffff, v3  }
0x352: {  	[tilespmem:s13+$0x7560] =	vst.add.f32.msk $0xffff, v4;
	s13 =	sor.u32 s21, s20  }
0x353: {  	v0 =	vld [tilespmem:s13+$0x13570]  }
0x354: {  	v1 =	vld [tilespmem:s13+$0x19570]  }
0x355: {  	v2 =	vld [tilespmem:s13+$0x12100]  }
0x356: {  	v3 =	vld [tilespmem:s13+$0x18100]  }
0x357: {  	v4 =	vld [tilespmem:s13+$0x12110]  }
0x358: {  	v5 =	vld [tilespmem:s13+$0x18110]  }
0x359: {  	v6 =	vld [tilespmem:s13+$0x12120];
	v0 =	vadd.f32 v1, v0  }
0x35a: {  	v1 =	vld [tilespmem:s13+$0x18120]  }
0x35b: {  	v3 =	vadd.f32 v3, v2;
	[tilespmem:s13+$0x7570] =	vst.add.f32.msk $0xffff, v0  }
0x35c: {  	v0 =	vld [tilespmem:s13+$0x12130]  }
0x35d: {  	v4 =	vadd.f32 v5, v4;
	v2 =	vld [tilespmem:s13+$0x18130]  }
0x35e: {  	v7 =	vld [tilespmem:s13+$0x12140]  }
0x35f: {  	v5 =	vadd.f32 v1, v6;
	v1 =	vld [tilespmem:s13+$0x18140]  }
0x360: {  	v8 =	vld [tilespmem:s13+$0x12150]  }
0x361: {  	v9 =	vld [tilespmem:s13+$0x18150]  }
0x362: {  	v6 =	vadd.f32 v2, v0;
	v0 =	vld [tilespmem:s13+$0x12160]  }
0x363: {  	v2 =	vld [tilespmem:s13+$0x18160]  }
0x364: {  	v7 =	vadd.f32 v1, v7;
	v1 =	vld [tilespmem:s13+$0x12170]  }
0x365: {  	v10 =	vld [tilespmem:s13+$0x18170]  }
0x366: {  	v8 =	vadd.f32 v9, v8;
	v11 =	vld [tilespmem:s13+$0x12500]  }
0x367: {  	v12 =	vld [tilespmem:s13+$0x18500]  }
0x368: {  	v9 =	vadd.f32 v2, v0;
	v0 =	vld [tilespmem:s13+$0x12510]  }
0x369: {  	v2 =	vld [tilespmem:s13+$0x18510]  }
0x36a: {  	v10 =	vadd.f32 v10, v1;
	v1 =	vld [tilespmem:s13+$0x12520]  }
0x36b: {  	v13 =	vld [tilespmem:s13+$0x18520]  }
0x36c: {  	v11 =	vadd.f32 v12, v11;
	v14 =	vld [tilespmem:s13+$0x12530]  }
0x36d: {  	v15 =	vld [tilespmem:s13+$0x18530]  }
0x36e: {  	v12 =	vadd.f32 v2, v0;
	v0 =	vld [tilespmem:s13+$0x12540]  }
0x36f: {  	v2 =	vld [tilespmem:s13+$0x18540]  }
0x370: {  	v13 =	vadd.f32 v13, v1;
	v1 =	vld [tilespmem:s13+$0x12550]  }
0x371: {  	v16 =	vld [tilespmem:s13+$0x18550]  }
0x372: {  	v14 =	vadd.f32 v15, v14;
	v17 =	vld [tilespmem:s13+$0x12560]  }
0x373: {  	v18 =	vld [tilespmem:s13+$0x18560]  }
0x374: {  	v15 =	vadd.f32 v2, v0;
	v0 =	vld [tilespmem:s13+$0x12570]  }
0x375: {  	v2 =	vld [tilespmem:s13+$0x18570]  }
0x376: {  	v16 =	vadd.f32 v16, v1;
	v1 =	vld [tilespmem:s13+$0x12900]  }
0x377: {  	v19 =	vld [tilespmem:s13+$0x18900]  }
0x378: {  	v17 =	vadd.f32 v18, v17;
	v20 =	vld [tilespmem:s13+$0x12910]  }
0x379: {  	v21 =	vld [tilespmem:s13+$0x18910]  }
0x37a: {  	v18 =	vadd.f32 v2, v0;
	v0 =	vld [tilespmem:s13+$0x12920]  }
0x37b: {  	v2 =	vld [tilespmem:s13+$0x18920]  }
0x37c: {  	v19 =	vadd.f32 v19, v1;
	v1 =	vld [tilespmem:s13+$0x12930]  }
0x37d: {  	v22 =	vld [tilespmem:s13+$0x18930]  }
0x37e: {  	v20 =	vadd.f32 v21, v20;
	v23 =	vld [tilespmem:s13+$0x12940]  }
0x37f: {  	v24 =	vld [tilespmem:s13+$0x18940]  }
0x380: {  	v21 =	vadd.f32 v2, v0;
	v0 =	vld [tilespmem:s13+$0x12950]  }
0x381: {  	v2 =	vld [tilespmem:s13+$0x18950]  }
0x382: {  	v22 =	vadd.f32 v22, v1;
	v1 =	vld [tilespmem:s13+$0x12960]  }
0x383: {  	v25 =	vld [tilespmem:s13+$0x18960]  }
0x384: {  	v23 =	vadd.f32 v24, v23;
	v26 =	vld [tilespmem:s13+$0x12970]  }
0x385: {  	v27 =	vld [tilespmem:s13+$0x18970]  }
0x386: {  	v24 =	vadd.f32 v2, v0;
	v0 =	vld [tilespmem:s13+$0x12D00]  }
0x387: {  	v2 =	vld [tilespmem:s13+$0x18D00]  }
0x388: {  	v25 =	vadd.f32 v25, v1;
	v1 =	vld [tilespmem:s13+$0x12D10]  }
0x389: {  	v28 =	vld [tilespmem:s13+$0x18D10]  }
0x38a: {  	v26 =	vadd.f32 v27, v26;
	v29 =	vld [tilespmem:s13+$0x12D20]  }
0x38b: {  	v30 =	vld [tilespmem:s13+$0x18D20]  }
0x38c: {  	v27 =	vadd.f32 v2, v0;
	v0 =	vld [tilespmem:s13+$0x12D30]  }
0x38d: {  	v2 =	vld [tilespmem:s13+$0x18D30]  }
0x38e: {  	v28 =	vadd.f32 v28, v1;
	v1 =	vld [tilespmem:s13+$0x12D40]  }
0x38f: {  	v31 =	vld [tilespmem:s13+$0x18D40]  }
0x390: {  	v29 =	vadd.f32 v30, v29;
	v32 =	vld [tilespmem:s13+$0x12D50]  }
0x391: {  	v33 =	vld [tilespmem:s13+$0x18D50]  }
0x392: {  	v30 =	vadd.f32 v2, v0;
	v0 =	vld [tilespmem:s13+$0x12D60]  }
0x393: {  	v2 =	vld [tilespmem:s13+$0x18D60]  }
0x394: {  	v31 =	vadd.f32 v31, v1;
	v1 =	vld [tilespmem:s13+$0x12D70]  }
0x395: {  	v34 =	vld [tilespmem:s13+$0x18D70]  }
0x396: {  	v32 =	vadd.f32 v33, v32;
	v35 =	vld [tilespmem:s13+$0x13100]  }
0x397: {  	v36 =	vld [tilespmem:s13+$0x19100]  }
0x398: {  	v33 =	vadd.f32 v2, v0;
	v0 =	vld [tilespmem:s13+$0x13110]  }
0x399: {  	v2 =	vld [tilespmem:s13+$0x19110]  }
0x39a: {  	v34 =	vadd.f32 v34, v1;
	v1 =	vld [tilespmem:s13+$0x13120]  }
0x39b: {  	v37 =	vld [tilespmem:s13+$0x19120]  }
0x39c: {  	v35 =	vadd.f32 v36, v35;
	v36 =	vld [tilespmem:s13+$0x13130]  }
0x39d: {  	v38 =	vld [tilespmem:s13+$0x19130]  }
0x39e: {  	v0 =	vadd.f32 v2, v0;
	v2 =	vld [tilespmem:s13+$0x13140]  }
0x39f: {  	v39 =	vld [tilespmem:s13+$0x19140]  }
0x3a0: {  	v1 =	vadd.f32 v37, v1;
	v37 =	vld [tilespmem:s13+$0x13150]  }
0x3a1: {  	v40 =	vld [tilespmem:s13+$0x19150]  }
0x3a2: {  	v36 =	vadd.f32 v38, v36;
	v38 =	vld [tilespmem:s13+$0x13160]  }
0x3a3: {  	v41 =	vld [tilespmem:s13+$0x19160]  }
0x3a4: {  	v2 =	vadd.f32 v39, v2;
	v39 =	vld [tilespmem:s13+$0x13170]  }
0x3a5: {  	v42 =	vld [tilespmem:s13+$0x19170]  }
0x3a6: {  	v37 =	vadd.f32 v40, v37;
	v40 =	vld [tilespmem:s13+$0x13500]  }
0x3a7: {  	v43 =	vld [tilespmem:s13+$0x19500]  }
0x3a8: {  	v38 =	vadd.f32 v41, v38;
	v41 =	vld [tilespmem:s13+$0x13510]  }
0x3a9: {  	v44 =	vld [tilespmem:s13+$0x19510]  }
0x3aa: {  	v39 =	vadd.f32 v42, v39;
	v42 =	vld [tilespmem:s13+$0x13520]  }
0x3ab: {  	v45 =	vld [tilespmem:s13+$0x19520]  }
0x3ac: {  	v40 =	vadd.f32 v43, v40;
	v43 =	vld [tilespmem:s13+$0x13530]  }
0x3ad: {  	v46 =	vld [tilespmem:s13+$0x19530]  }
0x3ae: {  	v41 =	vadd.f32 v44, v41;
	v44 =	vld [tilespmem:s13+$0x13540]  }
0x3af: {  	v47 =	vld [tilespmem:s13+$0x19540]  }
0x3b0: {  	v42 =	vadd.f32 v45, v42;
	v45 =	vld [tilespmem:s13+$0x13550]  }
0x3b1: {  	v48 =	vld [tilespmem:s13+$0x19550]  }
0x3b2: {  	v43 =	vadd.f32 v46, v43;
	v46 =	vld [tilespmem:s13+$0x13560]  }
0x3b3: {  	v49 =	vld [tilespmem:s13+$0x19560]  }
0x3b4: {  	[tilespmem:s13+$0x6100] =	vst.add.f32.msk $0xffff, v3;
	v44 =	vadd.f32 v47, v44  }
0x3b5: {  	[tilespmem:s13+$0x6110] =	vst.add.f32.msk $0xffff, v4  }
0x3b6: {  	[tilespmem:s13+$0x6120] =	vst.add.f32.msk $0xffff, v5;
	v3 =	vadd.f32 v48, v45  }
0x3b7: {  	[tilespmem:s13+$0x6130] =	vst.add.f32.msk $0xffff, v6  }
0x3b8: {  	[tilespmem:s13+$0x6140] =	vst.add.f32.msk $0xffff, v7;
	v4 =	vadd.f32 v49, v46  }
0x3b9: {  	[tilespmem:s13+$0x6150] =	vst.add.f32.msk $0xffff, v8  }
0x3ba: {  	[tilespmem:s13+$0x6160] =	vst.add.f32.msk $0xffff, v9  }
0x3bb: {  	[tilespmem:s13+$0x6170] =	vst.add.f32.msk $0xffff, v10  }
0x3bc: {  	[tilespmem:s13+$0x6500] =	vst.add.f32.msk $0xffff, v11  }
0x3bd: {  	[tilespmem:s13+$0x6510] =	vst.add.f32.msk $0xffff, v12  }
0x3be: {  	[tilespmem:s13+$0x6520] =	vst.add.f32.msk $0xffff, v13  }
0x3bf: {  	[tilespmem:s13+$0x6530] =	vst.add.f32.msk $0xffff, v14  }
0x3c0: {  	[tilespmem:s13+$0x6540] =	vst.add.f32.msk $0xffff, v15  }
0x3c1: {  	[tilespmem:s13+$0x6550] =	vst.add.f32.msk $0xffff, v16  }
0x3c2: {  	[tilespmem:s13+$0x6560] =	vst.add.f32.msk $0xffff, v17  }
0x3c3: {  	[tilespmem:s13+$0x6570] =	vst.add.f32.msk $0xffff, v18  }
0x3c4: {  	[tilespmem:s13+$0x6900] =	vst.add.f32.msk $0xffff, v19  }
0x3c5: {  	[tilespmem:s13+$0x6910] =	vst.add.f32.msk $0xffff, v20  }
0x3c6: {  	[tilespmem:s13+$0x6920] =	vst.add.f32.msk $0xffff, v21  }
0x3c7: {  	[tilespmem:s13+$0x6930] =	vst.add.f32.msk $0xffff, v22  }
0x3c8: {  	[tilespmem:s13+$0x6940] =	vst.add.f32.msk $0xffff, v23  }
0x3c9: {  	[tilespmem:s13+$0x6950] =	vst.add.f32.msk $0xffff, v24  }
0x3ca: {  	[tilespmem:s13+$0x6960] =	vst.add.f32.msk $0xffff, v25  }
0x3cb: {  	[tilespmem:s13+$0x6970] =	vst.add.f32.msk $0xffff, v26  }
0x3cc: {  	[tilespmem:s13+$0x6D00] =	vst.add.f32.msk $0xffff, v27  }
0x3cd: {  	[tilespmem:s13+$0x6D10] =	vst.add.f32.msk $0xffff, v28  }
0x3ce: {  	[tilespmem:s13+$0x6D20] =	vst.add.f32.msk $0xffff, v29  }
0x3cf: {  	[tilespmem:s13+$0x6D30] =	vst.add.f32.msk $0xffff, v30  }
0x3d0: {  	[tilespmem:s13+$0x6D40] =	vst.add.f32.msk $0xffff, v31  }
0x3d1: {  	[tilespmem:s13+$0x6D50] =	vst.add.f32.msk $0xffff, v32  }
0x3d2: {  	[tilespmem:s13+$0x6D60] =	vst.add.f32.msk $0xffff, v33  }
0x3d3: {  	[tilespmem:s13+$0x6D70] =	vst.add.f32.msk $0xffff, v34  }
0x3d4: {  	[tilespmem:s13+$0x7100] =	vst.add.f32.msk $0xffff, v35  }
0x3d5: {  	[tilespmem:s13+$0x7110] =	vst.add.f32.msk $0xffff, v0  }
0x3d6: {  	[tilespmem:s13+$0x7120] =	vst.add.f32.msk $0xffff, v1  }
0x3d7: {  	[tilespmem:s13+$0x7130] =	vst.add.f32.msk $0xffff, v36  }
0x3d8: {  	[tilespmem:s13+$0x7140] =	vst.add.f32.msk $0xffff, v2  }
0x3d9: {  	[tilespmem:s13+$0x7150] =	vst.add.f32.msk $0xffff, v37  }
0x3da: {  	[tilespmem:s13+$0x7160] =	vst.add.f32.msk $0xffff, v38  }
0x3db: {  	[tilespmem:s13+$0x7170] =	vst.add.f32.msk $0xffff, v39  }
.Ltmp2:
0x3dc: {  	[tilespmem:s13+$0x7500] =	vst.add.f32.msk $0xffff, v40;
	(pc) =	sbr.rel @p1 .LBB2_7-.Ltmp2, $4  }
0x3dd: {  	[tilespmem:s13+$0x7510] =	vst.add.f32.msk $0xffff, v41  }
0x3de: {  	[tilespmem:s13+$0x7520] =	vst.add.f32.msk $0xffff, v42  }
0x3df: {  	s20 =	sshrl.u32 s16, $0x3;
	[tilespmem:s13+$0x7530] =	vst.add.f32.msk $0xffff, v43  }
0x3e0: {  	s19 =	sadd.s32 $0x80, s19;
	s16 =	sadd.s32 $0x1, s16;
	s20 =	smul.u32 $0x1800, s20;
	[tilespmem:s13+$0x7540] =	vst.add.f32.msk $0xffff, v44  }
0x3e1: {  	s16 =	sand.u32 $0x380, s19;
	[tilespmem:s13+$0x7550] =	vst.add.f32.msk $0xffff, v3  }
0x3e2: {  	[tilespmem:s13+$0x7560] =	vst.add.f32.msk $0xffff, v4;
	s16 =	sor.u32 s16, s20  }
0x3e3: {  	v0 =	vld [tilespmem:s16+$0x13570]  }
0x3e4: {  	v1 =	vld [tilespmem:s16+$0x19570]  }
0x3e5: {  	v2 =	vld [tilespmem:s16+$0x12100]  }
0x3e6: {  	v3 =	vld [tilespmem:s16+$0x18100]  }
0x3e7: {  	v4 =	vld [tilespmem:s16+$0x12110]  }
0x3e8: {  	v5 =	vld [tilespmem:s16+$0x18110]  }
0x3e9: {  	v6 =	vld [tilespmem:s16+$0x12120]  }
0x3ea: {  	v7 =	vld [tilespmem:s16+$0x18130]  }
0x3eb: {  	v8 =	vld [tilespmem:s16+$0x12140]  }
0x3ec: {  	v9 =	vld [tilespmem:s16+$0x18140]  }
0x3ed: {  	v10 =	vld [tilespmem:s16+$0x12150]  }
0x3ee: {  	v11 =	vld [tilespmem:s16+$0x18150]  }
0x3ef: {  	v12 =	vld [tilespmem:s16+$0x12160]  }
0x3f0: {  	v13 =	vld [tilespmem:s16+$0x18160]  }
0x3f1: {  	v14 =	vld [tilespmem:s16+$0x12170]  }
0x3f2: {  	v15 =	vld [tilespmem:s16+$0x18170]  }
0x3f3: {  	v16 =	vld [tilespmem:s16+$0x12500]  }
0x3f4: {  	v17 =	vld [tilespmem:s16+$0x18500]  }
0x3f5: {  	v18 =	vld [tilespmem:s16+$0x12510]  }
0x3f6: {  	v19 =	vld [tilespmem:s16+$0x18510]  }
0x3f7: {  	v20 =	vld [tilespmem:s16+$0x12520]  }
0x3f8: {  	v21 =	vld [tilespmem:s16+$0x18520]  }
0x3f9: {  	v22 =	vld [tilespmem:s16+$0x12530]  }
0x3fa: {  	v23 =	vld [tilespmem:s16+$0x18530]  }
0x3fb: {  	v24 =	vld [tilespmem:s16+$0x12540]  }
0x3fc: {  	v25 =	vld [tilespmem:s16+$0x18540]  }
0x3fd: {  	v26 =	vld [tilespmem:s16+$0x12550]  }
0x3fe: {  	v27 =	vld [tilespmem:s16+$0x18550]  }
0x3ff: {  	v28 =	vld [tilespmem:s16+$0x12560]  }
0x400: {  	v29 =	vld [tilespmem:s16+$0x18560]  }
0x401: {  	v30 =	vld [tilespmem:s16+$0x12570]  }
0x402: {  	v31 =	vld [tilespmem:s16+$0x18570]  }
0x403: {  	v32 =	vld [tilespmem:s16+$0x12900]  }
0x404: {  	v33 =	vld [tilespmem:s16+$0x18900]  }
0x405: {  	v34 =	vld [tilespmem:s16+$0x12910]  }
0x406: {  	v35 =	vld [tilespmem:s16+$0x18910]  }
0x407: {  	v36 =	vld [tilespmem:s16+$0x12920]  }
0x408: {  	v37 =	vld [tilespmem:s16+$0x18920]  }
0x409: {  	v38 =	vld [tilespmem:s16+$0x12930]  }
0x40a: {  	v39 =	vld [tilespmem:s16+$0x18930]  }
0x40b: {  	v40 =	vld [tilespmem:s16+$0x12940]  }
0x40c: {  	v41 =	vld [tilespmem:s16+$0x18940]  }
0x40d: {  	v42 =	vld [tilespmem:s16+$0x12950]  }
0x40e: {  	v43 =	vld [tilespmem:s16+$0x18950]  }
0x40f: {  	v44 =	vld [tilespmem:s16+$0x12960]  }
0x410: {  	v45 =	vld [tilespmem:s16+$0x18960]  }
0x411: {  	v46 =	vld [tilespmem:s16+$0x12970]  }
0x412: {  	v47 =	vld [tilespmem:s16+$0x18970]  }
0x413: {  	v48 =	vld [tilespmem:s16+$0x12D00]  }
0x414: {  	v49 =	vld [tilespmem:s16+$0x18D00]  }
0x415: {  	v50 =	vld [tilespmem:s16+$0x12D10]  }
0x416: {  	v51 =	vld [tilespmem:s16+$0x18D10]  }
0x417: {  	v52 =	vld [tilespmem:s16+$0x12D20]  }
0x418: {  	v53 =	vld [tilespmem:s16+$0x18D20]  }
0x419: {  	v54 =	vld [tilespmem:s16+$0x12D30]  }
0x41a: {  	v55 =	vld [tilespmem:s16+$0x18D30]  }
0x41b: {  	v56 =	vld [tilespmem:s16+$0x12D40]  }
0x41c: {  	v57 =	vld [tilespmem:s16+$0x18D40]  }
0x41d: {  	v58 =	vld [tilespmem:s16+$0x12D50]  }
0x41e: {  	v59 =	vld [tilespmem:s16+$0x18D50]  }
0x41f: {  	v60 =	vld [tilespmem:s16+$0x12D60]  }
0x420: {  	v61 =	vld [tilespmem:s16+$0x18D60]  }
0x421: {  	v62 =	vld [tilespmem:s16+$0x12D70]  }
0x422: {  	v63 =	vld [tilespmem:s16+$0x13100]  }
0x423: {  	v0 =	vadd.f32 v1, v0;
	v1 =	vld [tilespmem:s16+$0x18120]  }
0x424: {  	[tilespmem:$0x1FBB0] =	vst v42;
	v42 =	vld [tilespmem:s16+$0x18D70]  }
0x425: {  	v2 =	vadd.f32 v3, v2;
	v3 =	vld [tilespmem:s16+$0x19100]  }
0x426: {  	v4 =	vadd.f32 v5, v4;
	v5 =	vld [tilespmem:s16+$0x13110]  }
0x427: {  	v8 =	vadd.f32 v9, v8;
	v9 =	vadd.f32 v11, v10;
	v10 =	vld [tilespmem:s16+$0x13150]  }
0x428: {  	v11 =	vld [tilespmem:s16+$0x19150];
	v12 =	vadd.f32 v13, v12  }
0x429: {  	v13 =	vadd.f32 v15, v14;
	v14 =	vadd.f32 v17, v16;
	v16 =	vld [tilespmem:s16+$0x19500]  }
0x42a: {  	v17 =	vld [tilespmem:s16+$0x13510]  }
0x42b: {  	v15 =	vadd.f32 v19, v18;
	v18 =	vld [tilespmem:s16+$0x19510]  }
0x42c: {  	v19 =	vld [tilespmem:s16+$0x13520]  }
0x42d: {  	v21 =	vadd.f32 v21, v20;
	v20 =	vld [tilespmem:s16+$0x19520]  }
0x42e: {  	v23 =	vadd.f32 v23, v22;
	v28 =	vadd.f32 v29, v28;
	v22 =	vld [tilespmem:s16+$0x19530]  }
0x42f: {  	v29 =	vadd.f32 v31, v30;
	v30 =	vadd.f32 v33, v32;
	v33 =	vld [tilespmem:s16+$0x13540]  }
0x430: {  	v31 =	vadd.f32 v35, v34;
	v35 =	vld [tilespmem:s16+$0x19540]  }
0x431: {  	v32 =	vadd.f32 v37, v36;
	v37 =	vld [tilespmem:s16+$0x13550]  }
0x432: {  	v34 =	vadd.f32 v39, v38;
	v38 =	vld [tilespmem:s16+$0x19550]  }
0x433: {  	v36 =	vadd.f32 v41, v40;
	v40 =	vld [tilespmem:s16+$0x13560]  }
0x434: {  	v39 =	vld [tilespmem:$0x1FBB0]  }
0x435: {  	[tilespmem:s16+$0x7570] =	vst.add.f32.msk $0xffff, v0  }
0x436: {  	v0 =	vld [tilespmem:s16+$0x12130]  }
0x437: {  	[tilespmem:s16+$0x6100] =	vst.add.f32.msk $0xffff, v2  }
0x438: {  	v2 =	vld [tilespmem:s16+$0x19110]  }
0x439: {  	[tilespmem:s16+$0x6110] =	vst.add.f32.msk $0xffff, v4  }
0x43a: {  	v4 =	vld [tilespmem:s16+$0x13120]  }
0x43b: {  	[tilespmem:s16+$0x6140] =	vst.add.f32.msk $0xffff, v8  }
0x43c: {  	v8 =	vld [tilespmem:s16+$0x19140]  }
0x43d: {  	[tilespmem:s16+$0x6150] =	vst.add.f32.msk $0xffff, v9  }
0x43e: {  	v9 =	vld [tilespmem:s16+$0x13160]  }
0x43f: {  	[tilespmem:s16+$0x6160] =	vst.add.f32.msk $0xffff, v12  }
0x440: {  	v12 =	vld [tilespmem:s16+$0x19160]  }
0x441: {  	[tilespmem:s16+$0x6170] =	vst.add.f32.msk $0xffff, v13  }
0x442: {  	v13 =	vld [tilespmem:s16+$0x13170]  }
0x443: {  	[tilespmem:s16+$0x6500] =	vst.add.f32.msk $0xffff, v14  }
0x444: {  	v14 =	vld [tilespmem:s16+$0x19170]  }
0x445: {  	[tilespmem:s16+$0x6510] =	vst.add.f32.msk $0xffff, v15  }
0x446: {  	v15 =	vld [tilespmem:s16+$0x13500]  }
0x447: {  	v25 =	vadd.f32 v25, v24;
	[tilespmem:s16+$0x6520] =	vst.add.f32.msk $0xffff, v21  }
0x448: {  	v27 =	vadd.f32 v27, v26;
	[tilespmem:s16+$0x6530] =	vst.add.f32.msk $0xffff, v23  }
0x449: {  	[tilespmem:s16+$0x6540] =	vst.add.f32.msk $0xffff, v25  }
0x44a: {  	[tilespmem:s16+$0x6550] =	vst.add.f32.msk $0xffff, v27  }
0x44b: {  	[tilespmem:s16+$0x6560] =	vst.add.f32.msk $0xffff, v28  }
0x44c: {  	[tilespmem:s16+$0x6570] =	vst.add.f32.msk $0xffff, v29  }
0x44d: {  	v21 =	vld [tilespmem:s16+$0x13530]  }
0x44e: {  	[tilespmem:s16+$0x6900] =	vst.add.f32.msk $0xffff, v30  }
0x44f: {  	[tilespmem:s16+$0x6910] =	vst.add.f32.msk $0xffff, v31  }
0x450: {  	[tilespmem:s16+$0x6920] =	vst.add.f32.msk $0xffff, v32  }
0x451: {  	v41 =	vadd.f32 v45, v44;
	[tilespmem:s16+$0x6930] =	vst.add.f32.msk $0xffff, v34  }
0x452: {  	v44 =	vadd.f32 v47, v46;
	[tilespmem:s16+$0x6940] =	vst.add.f32.msk $0xffff, v36  }
0x453: {  	v45 =	vadd.f32 v49, v48;
	[tilespmem:s16+$0x6960] =	vst.add.f32.msk $0xffff, v41  }
0x454: {  	v46 =	vadd.f32 v51, v50;
	[tilespmem:s16+$0x6970] =	vst.add.f32.msk $0xffff, v44  }
0x455: {  	v47 =	vadd.f32 v53, v52;
	[tilespmem:s16+$0x6D00] =	vst.add.f32.msk $0xffff, v45  }
0x456: {  	v48 =	vadd.f32 v55, v54;
	[tilespmem:s16+$0x6D10] =	vst.add.f32.msk $0xffff, v46  }
0x457: {  	v49 =	vadd.f32 v57, v56;
	[tilespmem:s16+$0x6D20] =	vst.add.f32.msk $0xffff, v47  }
0x458: {  	v50 =	vadd.f32 v59, v58;
	[tilespmem:s16+$0x6D30] =	vst.add.f32.msk $0xffff, v48  }
0x459: {  	v51 =	vadd.f32 v61, v60;
	[tilespmem:s16+$0x6D40] =	vst.add.f32.msk $0xffff, v49  }
0x45a: {  	[tilespmem:s16+$0x6D50] =	vst.add.f32.msk $0xffff, v50  }
0x45b: {  	[tilespmem:s16+$0x6D60] =	vst.add.f32.msk $0xffff, v51  }
0x45c: {  	v1 =	vadd.f32 v1, v6;
	v6 =	vld [tilespmem:s16+$0x13130]  }
0x45d: {  	v27 =	vadd.f32 v43, v39;
	v43 =	vld [tilespmem:s16+$0x19560]  }
0x45e: {  	[tilespmem:s16+$0x6120] =	vst.add.f32.msk $0xffff, v1  }
0x45f: {  	v52 =	vadd.f32 v42, v62;
	v1 =	vld [tilespmem:s16+$0x19120]  }
0x460: {  	v3 =	vadd.f32 v3, v63;
	v0 =	vadd.f32 v7, v0;
	v7 =	vld [tilespmem:s16+$0x19130]  }
0x461: {  	v54 =	vadd.f32 v11, v10;
	[tilespmem:s16+$0x6D70] =	vst.add.f32.msk $0xffff, v52  }
0x462: {  	v58 =	vadd.f32 v18, v17;
	[tilespmem:s16+$0x7100] =	vst.add.f32.msk $0xffff, v3  }
0x463: {  	v59 =	vadd.f32 v20, v19;
	[tilespmem:s16+$0x7150] =	vst.add.f32.msk $0xffff, v54  }
0x464: {  	v61 =	vadd.f32 v35, v33;
	[tilespmem:s16+$0x7510] =	vst.add.f32.msk $0xffff, v58  }
0x465: {  	v62 =	vadd.f32 v38, v37;
	[tilespmem:s16+$0x7520] =	vst.add.f32.msk $0xffff, v59  }
0x466: {  	[tilespmem:s16+$0x7540] =	vst.add.f32.msk $0xffff, v61  }
0x467: {  	[tilespmem:s16+$0x7550] =	vst.add.f32.msk $0xffff, v62  }
0x468: {  	[tilespmem:s16+$0x6950] =	vst.add.f32.msk $0xffff, v27  }
0x469: {  	v2 =	vadd.f32 v2, v5;
	[tilespmem:s16+$0x6130] =	vst.add.f32.msk $0xffff, v0  }
0x46a: {  	v55 =	vadd.f32 v12, v9;
	v0 =	vld [tilespmem:s16+$0x13140]  }
0x46b: {  	v56 =	vadd.f32 v14, v13;
	[tilespmem:s16+$0x7110] =	vst.add.f32.msk $0xffff, v2  }
0x46c: {  	v57 =	vadd.f32 v16, v15;
	[tilespmem:s16+$0x7160] =	vst.add.f32.msk $0xffff, v55  }
0x46d: {  	v60 =	vadd.f32 v22, v21;
	[tilespmem:s16+$0x7170] =	vst.add.f32.msk $0xffff, v56  }
0x46e: {  	[tilespmem:s16+$0x7500] =	vst.add.f32.msk $0xffff, v57;
	v63 =	vadd.f32 v43, v40  }
0x46f: {  	p1 =	seq.s32 s10, $0x1;
	[tilespmem:s16+$0x7530] =	vst.add.f32.msk $0xffff, v60;
	v1 =	vadd.f32 v1, v4  }
0x470: {  	p0 =	por !p1, p0;
	v53 =	vadd.f32 v7, v6;
	[tilespmem:s16+$0x7560] =	vst.add.f32.msk $0xffff, v63  }
0x471: {  	s10 =	sadd.s32 @!p0 s17, s15;
	v0 =	vadd.f32 v8, v0;
	[tilespmem:s16+$0x7120] =	vst.add.f32.msk $0xffff, v1  }
0x472: {  	s10 =	sshrl.u32 @!p0 s10, $0x3;
	[tilespmem:s16+$0x7130] =	vst.add.f32.msk $0xffff, v53  }
0x473: {  	s9 =	sadd.s32 s5, s9;
	s10 =	smul.u32 @!p0 $0x300, s10;
	[tilespmem:s16+$0x7140] =	vst.add.f32.msk $0xffff, v0  }
0x474: {  	[hbm4b:s9+s6] =	stream.linear.scatter [tilespmem:s26], [sflag:$0x6], $0x6000, $0x38;
	[tilespmem:$0x1E100] =	vst v63  }
0x475: {  	s1 =	sadd.s32 $0x1, s1;
	s9 =	rddreg [dreg:$0x2]  }
0x476: {  	s13 =	simm.s32 @!p0 $0x18100;
	s9 =	sadd.s32 @!p0 s9, s10;
	s10 =	simm.s32 @!p0 $0x0  }
0x477: {  	[tilespmem:s13], [sflag:$0x7] =	stream.linear.gather @!p0 [hbm4b:s9+s10], $0x6000, $0x38;
	[tilespmem:$0x1E100] =	vst v63  }
0x478: {  	p0 =	sne.s32 s1, $0x8  }
.Ltmp3:
0x479: {  	_ = 	snop;
	(pc) =	sbr.rel @p0 .LBB2_2-.Ltmp3, $1  }
0x47a: {  	_ =	sdelay $0x3  }
0x47b: {  	_ =	swait.ge [sflag:s30], $0x6000  }
0x47c: {  	[sflag:s30] =	ssyncset.done $0x0  }
0x47d: {  	s9 =	simm.s32 $0x6;
	[sflag:s30] =	ssyncadd.s32 $0xFFFFA000  }
0x47e: {  	_ =	swait.ge [sflag:s9], $0x6000  }
0x47f: {  	s10 =	rddreg [dreg:$0xa]  }
0x480: {  	s1 =	rddreg [dreg:$0x9];
	s10 =	sadd.s32 $0x1, s10  }
0x481: {  	p0 =	sne.s32 s10, s1  }
.Ltmp4:
0x482: {  	_ = 	snop;
	(pc) =	sbr.rel @p0 .LBB2_1-.Ltmp4, $3  }
0x483: {  	_ =	sdelay $0x1  }
0x484: {  	[sflag:s9] =	ssyncset.done $0x0  }
0x485: {  	[sflag:s9] =	ssyncadd.s32 $0xFFFFA000  }
0x486: {  	_ =	sfence.sel $0x180000  }
0x487: {  	[bflag:$0x0] =	sbarrier.arrive $0xFFFF  }
0x488: {  	_ =	strace $0x90000047  }
0x489: {  	s0 =	stileid.u32;
	[bflag:$0x2] =	sbarrier.arrive $0xFFFF  }
0x48a: {  	p0 =	sne.s32 s0, $0x0;
	s0 =	rddreg [dreg:$0x5]  }
0x48b: {  	s0 =	sadd.s32 @!p0 $0x100000, s0  }
0x48c: {  	[sflag:s0] =	ssyncadd.tile.s32 @!p0 $0x1;
	_ =	shalt  }
.Lfunc_end2:
_tile_overlayer_lowered:
.L_overlay_start_2:
0x48d: {  	(tag) =	ssettag $0x2  }
0x48e: {  	s0 =	rddreg [dreg:$0x0];
	s2 =	stileid.u32  }
0x48f: {  	s1 =	rddreg [dreg:$0x1];
	p0 =	sne.s32 s2, $0x0  }
0x490: {  	s3 =	rddreg [dreg:$0x2];
	[bflag:$0x3] =	sbarrier.arrive $0xFFFF;
	s2 =	simm.s32 @!p0 $0x1C08  }
0x491: {  	[timem:s3], [sflag:s2] =	dma.local @!p0 [hbm:s0], s1  }
0x492: {  	s0 =	simm.s32 @!p0 $0x8  }
0x493: {  	_ =	swait.ge @!p0 [sflag:s0], s1  }
0x494: {  	s1 =	ssub.s32 @!p0 $0x0, s1;
	[sflag:s0] =	ssyncset.done @!p0 $0x0  }
0x495: {  	[sflag:s0] =	ssyncadd.s32 @!p0 s1  }
0x496: {  	[bflag:$0x3] =	sbarrier.arrive $0xFFFF  }
0x497: {  	_ =	shalt  }

</sc_bundles>
